<compile_context>
chip_gen: v7x
topology: tpu7x:2x2x1
jax: 0.10.2.dev20260603
libtpu: 0.0.44.dev20260713+nightly
codegen_flags: <defaults>
</compile_context>

<pallas_src>
import functools

import jax
import jax.numpy as jnp
from jax import lax
from jax.experimental import pallas as pl
from jax.experimental.pallas import tpu as pltpu
from jax.experimental.pallas import tpu_sc as plsc

_D = 5
_ETA_MIN = 0.8
_ETA_RANGE = 0.99 - 0.8

_B, _T = 16384, 200
_N = _B * _T
_V = 100000
_FLAT = _V * _D
_FPAD = 3907 * 128

_NC, _NS = 2, 16
_NW = _NC * _NS
_TT = _T // 8
_BB = _B // 128
_QT = 4
_CHIDS = 8 * 128 * _QT
_NCH = _TT * _BB // _QT
_CPW = _NCH // _NW


def _sigmoid_body(x_ref, o_ref):
    x = x_ref[...]
    o_ref[...] = _ETA_MIN + _ETA_RANGE / (1.0 + jnp.exp(-x))


_transform = pl.pallas_call(
    _sigmoid_body,
    out_shape=jax.ShapeDtypeStruct((_FPAD // 128, 128), jnp.float32),
)

_sc_mesh = plsc.VectorSubcoreMesh(core_axis_name="c", subcore_axis_name="s")


@functools.partial(
    pl.kernel,
    mesh=_sc_mesh,
    out_type=jax.ShapeDtypeStruct((_D * _N,), jnp.float32),
    scratch_types=[
        pltpu.VMEM((2, _CHIDS), jnp.int32),
        pltpu.VMEM((2, _D * _CHIDS), jnp.float32),
        pltpu.VMEM_SHARED((_FLAT,), jnp.float32),
        pltpu.SemaphoreType.DMA,
        pltpu.SemaphoreType.DMA,
    ],
    compiler_params=pltpu.CompilerParams(use_tc_tiling_on_sc=False),
)
def _gather_kernel(table_hbm, idx_hbm, out_hbm, idx_v, tile_v, table_sp,
                   gsem, wsem):
    sid = lax.axis_index("s")
    wid = sid * _NC + lax.axis_index("c")

    seg = (_FLAT // _NS) // 8 * 8
    for k in range(_NS):
        sz = seg if k < _NS - 1 else _FLAT - (_NS - 1) * seg
        @pl.when(sid == k)
        def _stage(k=k, sz=sz):
            pltpu.sync_copy(table_hbm.at[pl.ds(k * seg, sz)],
                            table_sp.at[pl.ds(k * seg, sz)])

    plsc.subcore_barrier()

    def do_gathers(ct, buf):
        pltpu.sync_copy(idx_hbm.at[pl.ds(ct * _CHIDS, _CHIDS)],
                        idx_v.at[buf])
        gathers = [
            pltpu.async_copy(table_sp.at[pl.ds(c * _V, _V)].at[idx_v.at[buf]],
                             tile_v.at[buf].at[pl.ds(c * _CHIDS, _CHIDS)],
                             gsem)
            for c in range(_D)
        ]
        for g in gathers:
            g.wait()

    def do_writes(ct, buf):
        nq = _BB // _QT
        tt = ct // nq
        bb = (ct - tt * nq) * _QT
        return [
            pltpu.async_copy(
                tile_v.at[buf].at[pl.ds(c * _CHIDS, _CHIDS)],
                out_hbm.at[pl.ds(((c * _TT + tt) * _BB + bb) * 1024,
                                 _CHIDS)], wsem)
            for c in range(_D)
        ]

    def pair(j, carry):
        ct_a = wid * _CPW + 2 * j
        ct_b = ct_a + 1
        do_gathers(ct_a, 0)
        writes_a = do_writes(ct_a, 0)
        do_gathers(ct_b, 1)
        writes_b = do_writes(ct_b, 1)
        for w in writes_a:
            w.wait()
        for w in writes_b:
            w.wait()
        return carry

    lax.fori_loop(0, _CPW // 2, pair, 0)
    if _CPW % 2:
        ct_last = wid * _CPW + (_CPW - 1)
        do_gathers(ct_last, 0)
        for w in do_writes(ct_last, 0):
            w.wait()


def kernel(ops_t, cond_ids, eta_table):
    del ops_t
    flat_cm = jnp.pad(eta_table.T.reshape(-1), (0, _FPAD - _FLAT))
    table = _transform(flat_cm.reshape(-1, 128)).reshape(-1)[:_FLAT]
    idx = (cond_ids.T.reshape(_TT, 8, _BB, 128)
           .transpose(0, 2, 1, 3).reshape(_N))
    out = _gather_kernel(table, idx)
    out = out.reshape(_D, _TT, _BB, 8, 128).transpose(2, 4, 1, 3, 0)
    return out.reshape(_B, _T, _D)

# --- scband reference (transcript-rebuilt; emitter-appended) ---
"""Pipeline reference for scband-nominal-head-87686052315302 (READ-ONLY COPY).

The authoritative reference and input builder live on the scoring server;
editing this copy changes nothing except your own understanding.
"""

import jax, jax.numpy as jnp
import numpy as np

NUM_CONDITIONS = 100000
OUT_DIM = 5
ETA_MIN = 0.8
ETA_RANGE = 0.99 - 0.8


def setup_inputs(seed: int = 0) -> dict:
    key = jax.random.key(seed)
    k1, k2, k3 = jax.random.split(key, 3)
    ops_t = jax.random.normal(k1, (16384, 200, 3), dtype=jnp.float32)
    cond_ids = jax.random.randint(k2, (16384, 200), 0, NUM_CONDITIONS, dtype=jnp.int32)
    eta_table = jax.random.normal(k3, (NUM_CONDITIONS, OUT_DIM), dtype=jnp.float32) * 0.02
    return {"ops_t": ops_t, "cond_ids": cond_ids, "eta_table": eta_table}


def reference(ops_t, cond_ids, eta_table):
    # Table mode: clamp condition ids, gather rows, bounded sigmoid mapping.
    ids = jnp.clip(cond_ids, 0, NUM_CONDITIONS - 1)
    raw = jnp.take(eta_table, ids, axis=0)  # (B, T, OUT_DIM) embedding gather
    eta_nom = ETA_MIN + ETA_RANGE * jax.nn.sigmoid(raw)
    # cond_ids has ndim==2, so no time-broadcast expansion is applied
    # (torch branch requires cond_ids.dim()==1 with 3-D ops_t).
    return eta_nom

if __name__ == "__main__":
    import jax
    _d = setup_inputs()
    print(jax.jit(kernel)(*tuple(_d.values())))

</pallas_src>

<mosaic_0001>
#map = affine_map<(d0, d1) -> (0)>
module attributes {stable_mosaic.version = 14 : i64} {
  func.func @_gather_kernel(%arg0: i32, %arg1: i32, %arg2: memref<500000xf32, #tpu.memory_space<hbm>>, %arg3: memref<3276800xi32, #tpu.memory_space<hbm>>, %arg4: memref<16384000xf32, #tpu.memory_space<hbm>>, %arg5: memref<2x4096xi32, #tpu.memory_space<vmem>>, %arg6: memref<2x20480xf32, #tpu.memory_space<vmem>>, %arg7: memref<500000xf32, #tpu.memory_space<vmem_shared>>, %arg8: memref<!tpu.dma_semaphore, #tpu.memory_space<semaphore_mem>>, %arg9: memref<!tpu.dma_semaphore, #tpu.memory_space<semaphore_mem>>) attributes {dimension_semantics = [#tpu.dimension_semantics<core_parallel>, #tpu.dimension_semantics<subcore_parallel>], iteration_bounds = array<i64: 2, 16>, scalar_prefetch = 0 : i64, scratch_operands = 5 : i64, tpu.core_type = #tpu.core_type<sc_vector_subcore>, window_params = [{transform_indices = #map}, {transform_indices = #map}, {transform_indices = #map}]} {
    %mul3A = arith.constant 2 : i32
    %mul3A_0 = arith.muli %arg1, %mul3A : i32
    %add3A = arith.addi %mul3A_0, %arg0 : i32
    %eq3A = arith.constant 0 : i32
    %eq3A_1 = arith.cmpi eq, %arg1, %eq3A : i32
    %convert_element_type3A = arith.extui %eq3A_1 : i1 to i32
    %cond3A = arith.constant 0 : i32
    %cond3A_2 = arith.cmpi ne, %convert_element_type3A, %cond3A : i32
    scf.if %cond3A_2 {
      "tpu.region"() ({
        %run_scoped3A_413 = tpu.sem_alloc : memref<!tpu.dma_semaphore, #tpu.memory_space<semaphore_mem>>
        %dma_start3A_414 = arith.constant 0 : i32
        %dma_start3A_415 = tpu.memref_slice %arg7[%dma_start3A_414] : memref<500000xf32, #tpu.memory_space<vmem_shared>> -> memref<31248xf32, #tpu.memory_space<vmem_shared>>
        %dma_start3A_416 = arith.constant 0 : i32
        %dma_start3A_417 = tpu.memref_slice %arg2[%dma_start3A_416] : memref<500000xf32, #tpu.memory_space<hbm>> -> memref<31248xf32, #tpu.memory_space<hbm>>
        tpu.enqueue_dma source(%dma_start3A_417 : memref<31248xf32, #tpu.memory_space<hbm>>) target(%dma_start3A_415 : memref<31248xf32, #tpu.memory_space<vmem_shared>>) target_semaphore(%run_scoped3A_413 : memref<!tpu.dma_semaphore, #tpu.memory_space<semaphore_mem>>)
        %dma_wait3A_418 = arith.constant 0 : i32
        %dma_wait3A_419 = tpu.memref_slice %arg7[%dma_wait3A_418] : memref<500000xf32, #tpu.memory_space<vmem_shared>> -> memref<31248xf32, #tpu.memory_space<vmem_shared>>
        %dma_wait3A_420 = arith.constant 0 : i32
        %dma_wait3A_421 = tpu.memref_slice %arg2[%dma_wait3A_420] : memref<500000xf32, #tpu.memory_space<hbm>> -> memref<31248xf32, #tpu.memory_space<hbm>>
        tpu.wait_dma2 semaphore(%run_scoped3A_413 : memref<!tpu.dma_semaphore, #tpu.memory_space<semaphore_mem>>) src(%dma_wait3A_421 : memref<31248xf32, #tpu.memory_space<hbm>>) dst(%dma_wait3A_419 : memref<31248xf32, #tpu.memory_space<vmem_shared>>)
        tpu.yield
      }) : () -> ()
    } else {
    }
    %eq3A_3 = arith.constant 1 : i32
    %eq3A_4 = arith.cmpi eq, %arg1, %eq3A_3 : i32
    %convert_element_type3A_5 = arith.extui %eq3A_4 : i1 to i32
    %cond3A_6 = arith.constant 0 : i32
    %cond3A_7 = arith.cmpi ne, %convert_element_type3A_5, %cond3A_6 : i32
    scf.if %cond3A_7 {
      "tpu.region"() ({
        %run_scoped3A_413 = tpu.sem_alloc : memref<!tpu.dma_semaphore, #tpu.memory_space<semaphore_mem>>
        %dma_start3A_414 = arith.constant 31248 : i32
        %dma_start3A_415 = tpu.memref_slice %arg7[%dma_start3A_414] : memref<500000xf32, #tpu.memory_space<vmem_shared>> -> memref<31248xf32, #tpu.memory_space<vmem_shared>>
        %dma_start3A_416 = arith.constant 31248 : i32
        %dma_start3A_417 = tpu.memref_slice %arg2[%dma_start3A_416] : memref<500000xf32, #tpu.memory_space<hbm>> -> memref<31248xf32, #tpu.memory_space<hbm>>
        tpu.enqueue_dma source(%dma_start3A_417 : memref<31248xf32, #tpu.memory_space<hbm>>) target(%dma_start3A_415 : memref<31248xf32, #tpu.memory_space<vmem_shared>>) target_semaphore(%run_scoped3A_413 : memref<!tpu.dma_semaphore, #tpu.memory_space<semaphore_mem>>)
        %dma_wait3A_418 = arith.constant 31248 : i32
        %dma_wait3A_419 = tpu.memref_slice %arg7[%dma_wait3A_418] : memref<500000xf32, #tpu.memory_space<vmem_shared>> -> memref<31248xf32, #tpu.memory_space<vmem_shared>>
        %dma_wait3A_420 = arith.constant 31248 : i32
        %dma_wait3A_421 = tpu.memref_slice %arg2[%dma_wait3A_420] : memref<500000xf32, #tpu.memory_space<hbm>> -> memref<31248xf32, #tpu.memory_space<hbm>>
        tpu.wait_dma2 semaphore(%run_scoped3A_413 : memref<!tpu.dma_semaphore, #tpu.memory_space<semaphore_mem>>) src(%dma_wait3A_421 : memref<31248xf32, #tpu.memory_space<hbm>>) dst(%dma_wait3A_419 : memref<31248xf32, #tpu.memory_space<vmem_shared>>)
        tpu.yield
      }) : () -> ()
    } else {
    }
    %eq3A_8 = arith.constant 2 : i32
    %eq3A_9 = arith.cmpi eq, %arg1, %eq3A_8 : i32
    %convert_element_type3A_10 = arith.extui %eq3A_9 : i1 to i32
    %cond3A_11 = arith.constant 0 : i32
    %cond3A_12 = arith.cmpi ne, %convert_element_type3A_10, %cond3A_11 : i32
    scf.if %cond3A_12 {
      "tpu.region"() ({
        %run_scoped3A_413 = tpu.sem_alloc : memref<!tpu.dma_semaphore, #tpu.memory_space<semaphore_mem>>
        %dma_start3A_414 = arith.constant 62496 : i32
        %dma_start3A_415 = tpu.memref_slice %arg7[%dma_start3A_414] : memref<500000xf32, #tpu.memory_space<vmem_shared>> -> memref<31248xf32, #tpu.memory_space<vmem_shared>>
        %dma_start3A_416 = arith.constant 62496 : i32
        %dma_start3A_417 = tpu.memref_slice %arg2[%dma_start3A_416] : memref<500000xf32, #tpu.memory_space<hbm>> -> memref<31248xf32, #tpu.memory_space<hbm>>
        tpu.enqueue_dma source(%dma_start3A_417 : memref<31248xf32, #tpu.memory_space<hbm>>) target(%dma_start3A_415 : memref<31248xf32, #tpu.memory_space<vmem_shared>>) target_semaphore(%run_scoped3A_413 : memref<!tpu.dma_semaphore, #tpu.memory_space<semaphore_mem>>)
        %dma_wait3A_418 = arith.constant 62496 : i32
        %dma_wait3A_419 = tpu.memref_slice %arg7[%dma_wait3A_418] : memref<500000xf32, #tpu.memory_space<vmem_shared>> -> memref<31248xf32, #tpu.memory_space<vmem_shared>>
        %dma_wait3A_420 = arith.constant 62496 : i32
        %dma_wait3A_421 = tpu.memref_slice %arg2[%dma_wait3A_420] : memref<500000xf32, #tpu.memory_space<hbm>> -> memref<31248xf32, #tpu.memory_space<hbm>>
        tpu.wait_dma2 semaphore(%run_scoped3A_413 : memref<!tpu.dma_semaphore, #tpu.memory_space<semaphore_mem>>) src(%dma_wait3A_421 : memref<31248xf32, #tpu.memory_space<hbm>>) dst(%dma_wait3A_419 : memref<31248xf32, #tpu.memory_space<vmem_shared>>)
        tpu.yield
      }) : () -> ()
    } else {
    }
    %eq3A_13 = arith.constant 3 : i32
    %eq3A_14 = arith.cmpi eq, %arg1, %eq3A_13 : i32
    %convert_element_type3A_15 = arith.extui %eq3A_14 : i1 to i32
    %cond3A_16 = arith.constant 0 : i32
    %cond3A_17 = arith.cmpi ne, %convert_element_type3A_15, %cond3A_16 : i32
    scf.if %cond3A_17 {
      "tpu.region"() ({
        %run_scoped3A_413 = tpu.sem_alloc : memref<!tpu.dma_semaphore, #tpu.memory_space<semaphore_mem>>
        %dma_start3A_414 = arith.constant 93744 : i32
        %dma_start3A_415 = tpu.memref_slice %arg7[%dma_start3A_414] : memref<500000xf32, #tpu.memory_space<vmem_shared>> -> memref<31248xf32, #tpu.memory_space<vmem_shared>>
        %dma_start3A_416 = arith.constant 93744 : i32
        %dma_start3A_417 = tpu.memref_slice %arg2[%dma_start3A_416] : memref<500000xf32, #tpu.memory_space<hbm>> -> memref<31248xf32, #tpu.memory_space<hbm>>
        tpu.enqueue_dma source(%dma_start3A_417 : memref<31248xf32, #tpu.memory_space<hbm>>) target(%dma_start3A_415 : memref<31248xf32, #tpu.memory_space<vmem_shared>>) target_semaphore(%run_scoped3A_413 : memref<!tpu.dma_semaphore, #tpu.memory_space<semaphore_mem>>)
        %dma_wait3A_418 = arith.constant 93744 : i32
        %dma_wait3A_419 = tpu.memref_slice %arg7[%dma_wait3A_418] : memref<500000xf32, #tpu.memory_space<vmem_shared>> -> memref<31248xf32, #tpu.memory_space<vmem_shared>>
        %dma_wait3A_420 = arith.constant 93744 : i32
        %dma_wait3A_421 = tpu.memref_slice %arg2[%dma_wait3A_420] : memref<500000xf32, #tpu.memory_space<hbm>> -> memref<31248xf32, #tpu.memory_space<hbm>>
        tpu.wait_dma2 semaphore(%run_scoped3A_413 : memref<!tpu.dma_semaphore, #tpu.memory_space<semaphore_mem>>) src(%dma_wait3A_421 : memref<31248xf32, #tpu.memory_space<hbm>>) dst(%dma_wait3A_419 : memref<31248xf32, #tpu.memory_space<vmem_shared>>)
        tpu.yield
      }) : () -> ()
    } else {
    }
    %eq3A_18 = arith.constant 4 : i32
    %eq3A_19 = arith.cmpi eq, %arg1, %eq3A_18 : i32
    %convert_element_type3A_20 = arith.extui %eq3A_19 : i1 to i32
    %cond3A_21 = arith.constant 0 : i32
    %cond3A_22 = arith.cmpi ne, %convert_element_type3A_20, %cond3A_21 : i32
    scf.if %cond3A_22 {
      "tpu.region"() ({
        %run_scoped3A_413 = tpu.sem_alloc : memref<!tpu.dma_semaphore, #tpu.memory_space<semaphore_mem>>
        %dma_start3A_414 = arith.constant 124992 : i32
        %dma_start3A_415 = tpu.memref_slice %arg7[%dma_start3A_414] : memref<500000xf32, #tpu.memory_space<vmem_shared>> -> memref<31248xf32, #tpu.memory_space<vmem_shared>>
        %dma_start3A_416 = arith.constant 124992 : i32
        %dma_start3A_417 = tpu.memref_slice %arg2[%dma_start3A_416] : memref<500000xf32, #tpu.memory_space<hbm>> -> memref<31248xf32, #tpu.memory_space<hbm>>
        tpu.enqueue_dma source(%dma_start3A_417 : memref<31248xf32, #tpu.memory_space<hbm>>) target(%dma_start3A_415 : memref<31248xf32, #tpu.memory_space<vmem_shared>>) target_semaphore(%run_scoped3A_413 : memref<!tpu.dma_semaphore, #tpu.memory_space<semaphore_mem>>)
        %dma_wait3A_418 = arith.constant 124992 : i32
        %dma_wait3A_419 = tpu.memref_slice %arg7[%dma_wait3A_418] : memref<500000xf32, #tpu.memory_space<vmem_shared>> -> memref<31248xf32, #tpu.memory_space<vmem_shared>>
        %dma_wait3A_420 = arith.constant 124992 : i32
        %dma_wait3A_421 = tpu.memref_slice %arg2[%dma_wait3A_420] : memref<500000xf32, #tpu.memory_space<hbm>> -> memref<31248xf32, #tpu.memory_space<hbm>>
        tpu.wait_dma2 semaphore(%run_scoped3A_413 : memref<!tpu.dma_semaphore, #tpu.memory_space<semaphore_mem>>) src(%dma_wait3A_421 : memref<31248xf32, #tpu.memory_space<hbm>>) dst(%dma_wait3A_419 : memref<31248xf32, #tpu.memory_space<vmem_shared>>)
        tpu.yield
      }) : () -> ()
    } else {
    }
    %eq3A_23 = arith.constant 5 : i32
    %eq3A_24 = arith.cmpi eq, %arg1, %eq3A_23 : i32
    %convert_element_type3A_25 = arith.extui %eq3A_24 : i1 to i32
    %cond3A_26 = arith.constant 0 : i32
    %cond3A_27 = arith.cmpi ne, %convert_element_type3A_25, %cond3A_26 : i32
    scf.if %cond3A_27 {
      "tpu.region"() ({
        %run_scoped3A_413 = tpu.sem_alloc : memref<!tpu.dma_semaphore, #tpu.memory_space<semaphore_mem>>
        %dma_start3A_414 = arith.constant 156240 : i32
        %dma_start3A_415 = tpu.memref_slice %arg7[%dma_start3A_414] : memref<500000xf32, #tpu.memory_space<vmem_shared>> -> memref<31248xf32, #tpu.memory_space<vmem_shared>>
        %dma_start3A_416 = arith.constant 156240 : i32
        %dma_start3A_417 = tpu.memref_slice %arg2[%dma_start3A_416] : memref<500000xf32, #tpu.memory_space<hbm>> -> memref<31248xf32, #tpu.memory_space<hbm>>
        tpu.enqueue_dma source(%dma_start3A_417 : memref<31248xf32, #tpu.memory_space<hbm>>) target(%dma_start3A_415 : memref<31248xf32, #tpu.memory_space<vmem_shared>>) target_semaphore(%run_scoped3A_413 : memref<!tpu.dma_semaphore, #tpu.memory_space<semaphore_mem>>)
        %dma_wait3A_418 = arith.constant 156240 : i32
        %dma_wait3A_419 = tpu.memref_slice %arg7[%dma_wait3A_418] : memref<500000xf32, #tpu.memory_space<vmem_shared>> -> memref<31248xf32, #tpu.memory_space<vmem_shared>>
        %dma_wait3A_420 = arith.constant 156240 : i32
        %dma_wait3A_421 = tpu.memref_slice %arg2[%dma_wait3A_420] : memref<500000xf32, #tpu.memory_space<hbm>> -> memref<31248xf32, #tpu.memory_space<hbm>>
        tpu.wait_dma2 semaphore(%run_scoped3A_413 : memref<!tpu.dma_semaphore, #tpu.memory_space<semaphore_mem>>) src(%dma_wait3A_421 : memref<31248xf32, #tpu.memory_space<hbm>>) dst(%dma_wait3A_419 : memref<31248xf32, #tpu.memory_space<vmem_shared>>)
        tpu.yield
      }) : () -> ()
    } else {
    }
    %eq3A_28 = arith.constant 6 : i32
    %eq3A_29 = arith.cmpi eq, %arg1, %eq3A_28 : i32
    %convert_element_type3A_30 = arith.extui %eq3A_29 : i1 to i32
    %cond3A_31 = arith.constant 0 : i32
    %cond3A_32 = arith.cmpi ne, %convert_element_type3A_30, %cond3A_31 : i32
    scf.if %cond3A_32 {
      "tpu.region"() ({
        %run_scoped3A_413 = tpu.sem_alloc : memref<!tpu.dma_semaphore, #tpu.memory_space<semaphore_mem>>
        %dma_start3A_414 = arith.constant 187488 : i32
        %dma_start3A_415 = tpu.memref_slice %arg7[%dma_start3A_414] : memref<500000xf32, #tpu.memory_space<vmem_shared>> -> memref<31248xf32, #tpu.memory_space<vmem_shared>>
        %dma_start3A_416 = arith.constant 187488 : i32
        %dma_start3A_417 = tpu.memref_slice %arg2[%dma_start3A_416] : memref<500000xf32, #tpu.memory_space<hbm>> -> memref<31248xf32, #tpu.memory_space<hbm>>
        tpu.enqueue_dma source(%dma_start3A_417 : memref<31248xf32, #tpu.memory_space<hbm>>) target(%dma_start3A_415 : memref<31248xf32, #tpu.memory_space<vmem_shared>>) target_semaphore(%run_scoped3A_413 : memref<!tpu.dma_semaphore, #tpu.memory_space<semaphore_mem>>)
        %dma_wait3A_418 = arith.constant 187488 : i32
        %dma_wait3A_419 = tpu.memref_slice %arg7[%dma_wait3A_418] : memref<500000xf32, #tpu.memory_space<vmem_shared>> -> memref<31248xf32, #tpu.memory_space<vmem_shared>>
        %dma_wait3A_420 = arith.constant 187488 : i32
        %dma_wait3A_421 = tpu.memref_slice %arg2[%dma_wait3A_420] : memref<500000xf32, #tpu.memory_space<hbm>> -> memref<31248xf32, #tpu.memory_space<hbm>>
        tpu.wait_dma2 semaphore(%run_scoped3A_413 : memref<!tpu.dma_semaphore, #tpu.memory_space<semaphore_mem>>) src(%dma_wait3A_421 : memref<31248xf32, #tpu.memory_space<hbm>>) dst(%dma_wait3A_419 : memref<31248xf32, #tpu.memory_space<vmem_shared>>)
        tpu.yield
      }) : () -> ()
    } else {
    }
    %eq3A_33 = arith.constant 7 : i32
    %eq3A_34 = arith.cmpi eq, %arg1, %eq3A_33 : i32
    %convert_element_type3A_35 = arith.extui %eq3A_34 : i1 to i32
    %cond3A_36 = arith.constant 0 : i32
    %cond3A_37 = arith.cmpi ne, %convert_element_type3A_35, %cond3A_36 : i32
    scf.if %cond3A_37 {
      "tpu.region"() ({
        %run_scoped3A_413 = tpu.sem_alloc : memref<!tpu.dma_semaphore, #tpu.memory_space<semaphore_mem>>
        %dma_start3A_414 = arith.constant 218736 : i32
        %dma_start3A_415 = tpu.memref_slice %arg7[%dma_start3A_414] : memref<500000xf32, #tpu.memory_space<vmem_shared>> -> memref<31248xf32, #tpu.memory_space<vmem_shared>>
        %dma_start3A_416 = arith.constant 218736 : i32
        %dma_start3A_417 = tpu.memref_slice %arg2[%dma_start3A_416] : memref<500000xf32, #tpu.memory_space<hbm>> -> memref<31248xf32, #tpu.memory_space<hbm>>
        tpu.enqueue_dma source(%dma_start3A_417 : memref<31248xf32, #tpu.memory_space<hbm>>) target(%dma_start3A_415 : memref<31248xf32, #tpu.memory_space<vmem_shared>>) target_semaphore(%run_scoped3A_413 : memref<!tpu.dma_semaphore, #tpu.memory_space<semaphore_mem>>)
        %dma_wait3A_418 = arith.constant 218736 : i32
        %dma_wait3A_419 = tpu.memref_slice %arg7[%dma_wait3A_418] : memref<500000xf32, #tpu.memory_space<vmem_shared>> -> memref<31248xf32, #tpu.memory_space<vmem_shared>>
        %dma_wait3A_420 = arith.constant 218736 : i32
        %dma_wait3A_421 = tpu.memref_slice %arg2[%dma_wait3A_420] : memref<500000xf32, #tpu.memory_space<hbm>> -> memref<31248xf32, #tpu.memory_space<hbm>>
        tpu.wait_dma2 semaphore(%run_scoped3A_413 : memref<!tpu.dma_semaphore, #tpu.memory_space<semaphore_mem>>) src(%dma_wait3A_421 : memref<31248xf32, #tpu.memory_space<hbm>>) dst(%dma_wait3A_419 : memref<31248xf32, #tpu.memory_space<vmem_shared>>)
        tpu.yield
      }) : () -> ()
    } else {
    }
    %eq3A_38 = arith.constant 8 : i32
    %eq3A_39 = arith.cmpi eq, %arg1, %eq3A_38 : i32
    %convert_element_type3A_40 = arith.extui %eq3A_39 : i1 to i32
    %cond3A_41 = arith.constant 0 : i32
    %cond3A_42 = arith.cmpi ne, %convert_element_type3A_40, %cond3A_41 : i32
    scf.if %cond3A_42 {
      "tpu.region"() ({
        %run_scoped3A_413 = tpu.sem_alloc : memref<!tpu.dma_semaphore, #tpu.memory_space<semaphore_mem>>
        %dma_start3A_414 = arith.constant 249984 : i32
        %dma_start3A_415 = tpu.memref_slice %arg7[%dma_start3A_414] : memref<500000xf32, #tpu.memory_space<vmem_shared>> -> memref<31248xf32, #tpu.memory_space<vmem_shared>>
        %dma_start3A_416 = arith.constant 249984 : i32
        %dma_start3A_417 = tpu.memref_slice %arg2[%dma_start3A_416] : memref<500000xf32, #tpu.memory_space<hbm>> -> memref<31248xf32, #tpu.memory_space<hbm>>
        tpu.enqueue_dma source(%dma_start3A_417 : memref<31248xf32, #tpu.memory_space<hbm>>) target(%dma_start3A_415 : memref<31248xf32, #tpu.memory_space<vmem_shared>>) target_semaphore(%run_scoped3A_413 : memref<!tpu.dma_semaphore, #tpu.memory_space<semaphore_mem>>)
        %dma_wait3A_418 = arith.constant 249984 : i32
        %dma_wait3A_419 = tpu.memref_slice %arg7[%dma_wait3A_418] : memref<500000xf32, #tpu.memory_space<vmem_shared>> -> memref<31248xf32, #tpu.memory_space<vmem_shared>>
        %dma_wait3A_420 = arith.constant 249984 : i32
        %dma_wait3A_421 = tpu.memref_slice %arg2[%dma_wait3A_420] : memref<500000xf32, #tpu.memory_space<hbm>> -> memref<31248xf32, #tpu.memory_space<hbm>>
        tpu.wait_dma2 semaphore(%run_scoped3A_413 : memref<!tpu.dma_semaphore, #tpu.memory_space<semaphore_mem>>) src(%dma_wait3A_421 : memref<31248xf32, #tpu.memory_space<hbm>>) dst(%dma_wait3A_419 : memref<31248xf32, #tpu.memory_space<vmem_shared>>)
        tpu.yield
      }) : () -> ()
    } else {
    }
    %eq3A_43 = arith.constant 9 : i32
    %eq3A_44 = arith.cmpi eq, %arg1, %eq3A_43 : i32
    %convert_element_type3A_45 = arith.extui %eq3A_44 : i1 to i32
    %cond3A_46 = arith.constant 0 : i32
    %cond3A_47 = arith.cmpi ne, %convert_element_type3A_45, %cond3A_46 : i32
    scf.if %cond3A_47 {
      "tpu.region"() ({
        %run_scoped3A_413 = tpu.sem_alloc : memref<!tpu.dma_semaphore, #tpu.memory_space<semaphore_mem>>
        %dma_start3A_414 = arith.constant 281232 : i32
        %dma_start3A_415 = tpu.memref_slice %arg7[%dma_start3A_414] : memref<500000xf32, #tpu.memory_space<vmem_shared>> -> memref<31248xf32, #tpu.memory_space<vmem_shared>>
        %dma_start3A_416 = arith.constant 281232 : i32
        %dma_start3A_417 = tpu.memref_slice %arg2[%dma_start3A_416] : memref<500000xf32, #tpu.memory_space<hbm>> -> memref<31248xf32, #tpu.memory_space<hbm>>
        tpu.enqueue_dma source(%dma_start3A_417 : memref<31248xf32, #tpu.memory_space<hbm>>) target(%dma_start3A_415 : memref<31248xf32, #tpu.memory_space<vmem_shared>>) target_semaphore(%run_scoped3A_413 : memref<!tpu.dma_semaphore, #tpu.memory_space<semaphore_mem>>)
        %dma_wait3A_418 = arith.constant 281232 : i32
        %dma_wait3A_419 = tpu.memref_slice %arg7[%dma_wait3A_418] : memref<500000xf32, #tpu.memory_space<vmem_shared>> -> memref<31248xf32, #tpu.memory_space<vmem_shared>>
        %dma_wait3A_420 = arith.constant 281232 : i32
        %dma_wait3A_421 = tpu.memref_slice %arg2[%dma_wait3A_420] : memref<500000xf32, #tpu.memory_space<hbm>> -> memref<31248xf32, #tpu.memory_space<hbm>>
        tpu.wait_dma2 semaphore(%run_scoped3A_413 : memref<!tpu.dma_semaphore, #tpu.memory_space<semaphore_mem>>) src(%dma_wait3A_421 : memref<31248xf32, #tpu.memory_space<hbm>>) dst(%dma_wait3A_419 : memref<31248xf32, #tpu.memory_space<vmem_shared>>)
        tpu.yield
      }) : () -> ()
    } else {
    }
    %eq3A_48 = arith.constant 10 : i32
    %eq3A_49 = arith.cmpi eq, %arg1, %eq3A_48 : i32
    %convert_element_type3A_50 = arith.extui %eq3A_49 : i1 to i32
    %cond3A_51 = arith.constant 0 : i32
    %cond3A_52 = arith.cmpi ne, %convert_element_type3A_50, %cond3A_51 : i32
    scf.if %cond3A_52 {
      "tpu.region"() ({
        %run_scoped3A_413 = tpu.sem_alloc : memref<!tpu.dma_semaphore, #tpu.memory_space<semaphore_mem>>
        %dma_start3A_414 = arith.constant 312480 : i32
        %dma_start3A_415 = tpu.memref_slice %arg7[%dma_start3A_414] : memref<500000xf32, #tpu.memory_space<vmem_shared>> -> memref<31248xf32, #tpu.memory_space<vmem_shared>>
        %dma_start3A_416 = arith.constant 312480 : i32
        %dma_start3A_417 = tpu.memref_slice %arg2[%dma_start3A_416] : memref<500000xf32, #tpu.memory_space<hbm>> -> memref<31248xf32, #tpu.memory_space<hbm>>
        tpu.enqueue_dma source(%dma_start3A_417 : memref<31248xf32, #tpu.memory_space<hbm>>) target(%dma_start3A_415 : memref<31248xf32, #tpu.memory_space<vmem_shared>>) target_semaphore(%run_scoped3A_413 : memref<!tpu.dma_semaphore, #tpu.memory_space<semaphore_mem>>)
        %dma_wait3A_418 = arith.constant 312480 : i32
        %dma_wait3A_419 = tpu.memref_slice %arg7[%dma_wait3A_418] : memref<500000xf32, #tpu.memory_space<vmem_shared>> -> memref<31248xf32, #tpu.memory_space<vmem_shared>>
        %dma_wait3A_420 = arith.constant 312480 : i32
        %dma_wait3A_421 = tpu.memref_slice %arg2[%dma_wait3A_420] : memref<500000xf32, #tpu.memory_space<hbm>> -> memref<31248xf32, #tpu.memory_space<hbm>>
        tpu.wait_dma2 semaphore(%run_scoped3A_413 : memref<!tpu.dma_semaphore, #tpu.memory_space<semaphore_mem>>) src(%dma_wait3A_421 : memref<31248xf32, #tpu.memory_space<hbm>>) dst(%dma_wait3A_419 : memref<31248xf32, #tpu.memory_space<vmem_shared>>)
        tpu.yield
      }) : () -> ()
    } else {
    }
    %eq3A_53 = arith.constant 11 : i32
    %eq3A_54 = arith.cmpi eq, %arg1, %eq3A_53 : i32
    %convert_element_type3A_55 = arith.extui %eq3A_54 : i1 to i32
    %cond3A_56 = arith.constant 0 : i32
    %cond3A_57 = arith.cmpi ne, %convert_element_type3A_55, %cond3A_56 : i32
    scf.if %cond3A_57 {
      "tpu.region"() ({
        %run_scoped3A_413 = tpu.sem_alloc : memref<!tpu.dma_semaphore, #tpu.memory_space<semaphore_mem>>
        %dma_start3A_414 = arith.constant 343728 : i32
        %dma_start3A_415 = tpu.memref_slice %arg7[%dma_start3A_414] : memref<500000xf32, #tpu.memory_space<vmem_shared>> -> memref<31248xf32, #tpu.memory_space<vmem_shared>>
        %dma_start3A_416 = arith.constant 343728 : i32
        %dma_start3A_417 = tpu.memref_slice %arg2[%dma_start3A_416] : memref<500000xf32, #tpu.memory_space<hbm>> -> memref<31248xf32, #tpu.memory_space<hbm>>
        tpu.enqueue_dma source(%dma_start3A_417 : memref<31248xf32, #tpu.memory_space<hbm>>) target(%dma_start3A_415 : memref<31248xf32, #tpu.memory_space<vmem_shared>>) target_semaphore(%run_scoped3A_413 : memref<!tpu.dma_semaphore, #tpu.memory_space<semaphore_mem>>)
        %dma_wait3A_418 = arith.constant 343728 : i32
        %dma_wait3A_419 = tpu.memref_slice %arg7[%dma_wait3A_418] : memref<500000xf32, #tpu.memory_space<vmem_shared>> -> memref<31248xf32, #tpu.memory_space<vmem_shared>>
        %dma_wait3A_420 = arith.constant 343728 : i32
        %dma_wait3A_421 = tpu.memref_slice %arg2[%dma_wait3A_420] : memref<500000xf32, #tpu.memory_space<hbm>> -> memref<31248xf32, #tpu.memory_space<hbm>>
        tpu.wait_dma2 semaphore(%run_scoped3A_413 : memref<!tpu.dma_semaphore, #tpu.memory_space<semaphore_mem>>) src(%dma_wait3A_421 : memref<31248xf32, #tpu.memory_space<hbm>>) dst(%dma_wait3A_419 : memref<31248xf32, #tpu.memory_space<vmem_shared>>)
        tpu.yield
      }) : () -> ()
    } else {
    }
    %eq3A_58 = arith.constant 12 : i32
    %eq3A_59 = arith.cmpi eq, %arg1, %eq3A_58 : i32
    %convert_element_type3A_60 = arith.extui %eq3A_59 : i1 to i32
    %cond3A_61 = arith.constant 0 : i32
    %cond3A_62 = arith.cmpi ne, %convert_element_type3A_60, %cond3A_61 : i32
    scf.if %cond3A_62 {
      "tpu.region"() ({
        %run_scoped3A_413 = tpu.sem_alloc : memref<!tpu.dma_semaphore, #tpu.memory_space<semaphore_mem>>
        %dma_start3A_414 = arith.constant 374976 : i32
        %dma_start3A_415 = tpu.memref_slice %arg7[%dma_start3A_414] : memref<500000xf32, #tpu.memory_space<vmem_shared>> -> memref<31248xf32, #tpu.memory_space<vmem_shared>>
        %dma_start3A_416 = arith.constant 374976 : i32
        %dma_start3A_417 = tpu.memref_slice %arg2[%dma_start3A_416] : memref<500000xf32, #tpu.memory_space<hbm>> -> memref<31248xf32, #tpu.memory_space<hbm>>
        tpu.enqueue_dma source(%dma_start3A_417 : memref<31248xf32, #tpu.memory_space<hbm>>) target(%dma_start3A_415 : memref<31248xf32, #tpu.memory_space<vmem_shared>>) target_semaphore(%run_scoped3A_413 : memref<!tpu.dma_semaphore, #tpu.memory_space<semaphore_mem>>)
        %dma_wait3A_418 = arith.constant 374976 : i32
        %dma_wait3A_419 = tpu.memref_slice %arg7[%dma_wait3A_418] : memref<500000xf32, #tpu.memory_space<vmem_shared>> -> memref<31248xf32, #tpu.memory_space<vmem_shared>>
        %dma_wait3A_420 = arith.constant 374976 : i32
        %dma_wait3A_421 = tpu.memref_slice %arg2[%dma_wait3A_420] : memref<500000xf32, #tpu.memory_space<hbm>> -> memref<31248xf32, #tpu.memory_space<hbm>>
        tpu.wait_dma2 semaphore(%run_scoped3A_413 : memref<!tpu.dma_semaphore, #tpu.memory_space<semaphore_mem>>) src(%dma_wait3A_421 : memref<31248xf32, #tpu.memory_space<hbm>>) dst(%dma_wait3A_419 : memref<31248xf32, #tpu.memory_space<vmem_shared>>)
        tpu.yield
      }) : () -> ()
    } else {
    }
    %eq3A_63 = arith.constant 13 : i32
    %eq3A_64 = arith.cmpi eq, %arg1, %eq3A_63 : i32
    %convert_element_type3A_65 = arith.extui %eq3A_64 : i1 to i32
    %cond3A_66 = arith.constant 0 : i32
    %cond3A_67 = arith.cmpi ne, %convert_element_type3A_65, %cond3A_66 : i32
    scf.if %cond3A_67 {
      "tpu.region"() ({
        %run_scoped3A_413 = tpu.sem_alloc : memref<!tpu.dma_semaphore, #tpu.memory_space<semaphore_mem>>
        %dma_start3A_414 = arith.constant 406224 : i32
        %dma_start3A_415 = tpu.memref_slice %arg7[%dma_start3A_414] : memref<500000xf32, #tpu.memory_space<vmem_shared>> -> memref<31248xf32, #tpu.memory_space<vmem_shared>>
        %dma_start3A_416 = arith.constant 406224 : i32
        %dma_start3A_417 = tpu.memref_slice %arg2[%dma_start3A_416] : memref<500000xf32, #tpu.memory_space<hbm>> -> memref<31248xf32, #tpu.memory_space<hbm>>
        tpu.enqueue_dma source(%dma_start3A_417 : memref<31248xf32, #tpu.memory_space<hbm>>) target(%dma_start3A_415 : memref<31248xf32, #tpu.memory_space<vmem_shared>>) target_semaphore(%run_scoped3A_413 : memref<!tpu.dma_semaphore, #tpu.memory_space<semaphore_mem>>)
        %dma_wait3A_418 = arith.constant 406224 : i32
        %dma_wait3A_419 = tpu.memref_slice %arg7[%dma_wait3A_418] : memref<500000xf32, #tpu.memory_space<vmem_shared>> -> memref<31248xf32, #tpu.memory_space<vmem_shared>>
        %dma_wait3A_420 = arith.constant 406224 : i32
        %dma_wait3A_421 = tpu.memref_slice %arg2[%dma_wait3A_420] : memref<500000xf32, #tpu.memory_space<hbm>> -> memref<31248xf32, #tpu.memory_space<hbm>>
        tpu.wait_dma2 semaphore(%run_scoped3A_413 : memref<!tpu.dma_semaphore, #tpu.memory_space<semaphore_mem>>) src(%dma_wait3A_421 : memref<31248xf32, #tpu.memory_space<hbm>>) dst(%dma_wait3A_419 : memref<31248xf32, #tpu.memory_space<vmem_shared>>)
        tpu.yield
      }) : () -> ()
    } else {
    }
    %eq3A_68 = arith.constant 14 : i32
    %eq3A_69 = arith.cmpi eq, %arg1, %eq3A_68 : i32
    %convert_element_type3A_70 = arith.extui %eq3A_69 : i1 to i32
    %cond3A_71 = arith.constant 0 : i32
    %cond3A_72 = arith.cmpi ne, %convert_element_type3A_70, %cond3A_71 : i32
    scf.if %cond3A_72 {
      "tpu.region"() ({
        %run_scoped3A_413 = tpu.sem_alloc : memref<!tpu.dma_semaphore, #tpu.memory_space<semaphore_mem>>
        %dma_start3A_414 = arith.constant 437472 : i32
        %dma_start3A_415 = tpu.memref_slice %arg7[%dma_start3A_414] : memref<500000xf32, #tpu.memory_space<vmem_shared>> -> memref<31248xf32, #tpu.memory_space<vmem_shared>>
        %dma_start3A_416 = arith.constant 437472 : i32
        %dma_start3A_417 = tpu.memref_slice %arg2[%dma_start3A_416] : memref<500000xf32, #tpu.memory_space<hbm>> -> memref<31248xf32, #tpu.memory_space<hbm>>
        tpu.enqueue_dma source(%dma_start3A_417 : memref<31248xf32, #tpu.memory_space<hbm>>) target(%dma_start3A_415 : memref<31248xf32, #tpu.memory_space<vmem_shared>>) target_semaphore(%run_scoped3A_413 : memref<!tpu.dma_semaphore, #tpu.memory_space<semaphore_mem>>)
        %dma_wait3A_418 = arith.constant 437472 : i32
        %dma_wait3A_419 = tpu.memref_slice %arg7[%dma_wait3A_418] : memref<500000xf32, #tpu.memory_space<vmem_shared>> -> memref<31248xf32, #tpu.memory_space<vmem_shared>>
        %dma_wait3A_420 = arith.constant 437472 : i32
        %dma_wait3A_421 = tpu.memref_slice %arg2[%dma_wait3A_420] : memref<500000xf32, #tpu.memory_space<hbm>> -> memref<31248xf32, #tpu.memory_space<hbm>>
        tpu.wait_dma2 semaphore(%run_scoped3A_413 : memref<!tpu.dma_semaphore, #tpu.memory_space<semaphore_mem>>) src(%dma_wait3A_421 : memref<31248xf32, #tpu.memory_space<hbm>>) dst(%dma_wait3A_419 : memref<31248xf32, #tpu.memory_space<vmem_shared>>)
        tpu.yield
      }) : () -> ()
    } else {
    }
    %eq3A_73 = arith.constant 15 : i32
    %eq3A_74 = arith.cmpi eq, %arg1, %eq3A_73 : i32
    %convert_element_type3A_75 = arith.extui %eq3A_74 : i1 to i32
    %cond3A_76 = arith.constant 0 : i32
    %cond3A_77 = arith.cmpi ne, %convert_element_type3A_75, %cond3A_76 : i32
    scf.if %cond3A_77 {
      "tpu.region"() ({
        %run_scoped3A_413 = tpu.sem_alloc : memref<!tpu.dma_semaphore, #tpu.memory_space<semaphore_mem>>
        %dma_start3A_414 = arith.constant 468720 : i32
        %dma_start3A_415 = tpu.memref_slice %arg7[%dma_start3A_414] : memref<500000xf32, #tpu.memory_space<vmem_shared>> -> memref<31280xf32, #tpu.memory_space<vmem_shared>>
        %dma_start3A_416 = arith.constant 468720 : i32
        %dma_start3A_417 = tpu.memref_slice %arg2[%dma_start3A_416] : memref<500000xf32, #tpu.memory_space<hbm>> -> memref<31280xf32, #tpu.memory_space<hbm>>
        tpu.enqueue_dma source(%dma_start3A_417 : memref<31280xf32, #tpu.memory_space<hbm>>) target(%dma_start3A_415 : memref<31280xf32, #tpu.memory_space<vmem_shared>>) target_semaphore(%run_scoped3A_413 : memref<!tpu.dma_semaphore, #tpu.memory_space<semaphore_mem>>)
        %dma_wait3A_418 = arith.constant 468720 : i32
        %dma_wait3A_419 = tpu.memref_slice %arg7[%dma_wait3A_418] : memref<500000xf32, #tpu.memory_space<vmem_shared>> -> memref<31280xf32, #tpu.memory_space<vmem_shared>>
        %dma_wait3A_420 = arith.constant 468720 : i32
        %dma_wait3A_421 = tpu.memref_slice %arg2[%dma_wait3A_420] : memref<500000xf32, #tpu.memory_space<hbm>> -> memref<31280xf32, #tpu.memory_space<hbm>>
        tpu.wait_dma2 semaphore(%run_scoped3A_413 : memref<!tpu.dma_semaphore, #tpu.memory_space<semaphore_mem>>) src(%dma_wait3A_421 : memref<31280xf32, #tpu.memory_space<hbm>>) dst(%dma_wait3A_419 : memref<31280xf32, #tpu.memory_space<vmem_shared>>)
        tpu.yield
      }) : () -> ()
    } else {
    }
    %barrier3A = arith.constant 0 : index
    tpu.barrier barrier_id(%barrier3A)
    %scan3A = arith.constant 0 : i32
    %scan3A_78 = arith.constant 0 : i32
    %scan3A_79 = arith.constant 12 : i32
    %scan3A_80 = arith.addi %scan3A_78, %scan3A_79 : i32
    %scan3A_81 = arith.constant 1 : i32
    scf.for %scan3A_413 = %scan3A_78 to %scan3A_80 step %scan3A_81  : i32 {
      %mul3A_414 = arith.constant 25 : i32
      %mul3A_415 = arith.muli %add3A, %mul3A_414 : i32
      %mul3A_416 = arith.constant 2 : i32
      %mul3A_417 = arith.muli %mul3A_416, %scan3A_413 : i32
      %add3A_418 = arith.addi %mul3A_415, %mul3A_417 : i32
      %add3A_419 = arith.constant 1 : i32
      %add3A_420 = arith.addi %add3A_418, %add3A_419 : i32
      %mul3A_421 = arith.constant 4096 : i32
      %mul3A_422 = arith.muli %add3A_418, %mul3A_421 : i32
      %run_scoped3A_423 = arith.constant 0 : i32
      "tpu.region"() ({
        %run_scoped3A_1095 = tpu.sem_alloc : memref<!tpu.dma_semaphore, #tpu.memory_space<semaphore_mem>>
        %dma_start3A_1096 = arith.constant 0 : i32
        %dma_start3A_1097 = tpu.memref_slice %arg5[%run_scoped3A_423, %dma_start3A_1096] : memref<2x4096xi32, #tpu.memory_space<vmem>> -> memref<1x4096xi32, #tpu.memory_space<vmem>>
        %dma_start3A_1098 = tpu.memref_squeeze %dma_start3A_1097 : memref<1x4096xi32, #tpu.memory_space<vmem>> -> memref<4096xi32, #tpu.memory_space<vmem>>
        %dma_start3A_1099 = tpu.memref_slice %arg3[%mul3A_422] : memref<3276800xi32, #tpu.memory_space<hbm>> -> memref<4096xi32, #tpu.memory_space<hbm>>
        %dma_start3A_1100 = arith.constant 0 : i32
        %dma_start3A_1101 = tpu.memref_slice %arg5[%run_scoped3A_423, %dma_start3A_1100] : memref<2x4096xi32, #tpu.memory_space<vmem>> -> memref<1x4096xi32, #tpu.memory_space<vmem>>
        %dma_start3A_1102 = tpu.memref_squeeze %dma_start3A_1101 : memref<1x4096xi32, #tpu.memory_space<vmem>> -> memref<4096xi32, #tpu.memory_space<vmem>>
        %dma_start3A_1103 = tpu.memref_slice %arg3[%mul3A_422] : memref<3276800xi32, #tpu.memory_space<hbm>> -> memref<4096xi32, #tpu.memory_space<hbm>>
        tpu.enqueue_dma source(%dma_start3A_1103 : memref<4096xi32, #tpu.memory_space<hbm>>) target(%dma_start3A_1102 : memref<4096xi32, #tpu.memory_space<vmem>>) target_semaphore(%run_scoped3A_1095 : memref<!tpu.dma_semaphore, #tpu.memory_space<semaphore_mem>>)
        %dma_wait3A_1104 = arith.constant 0 : i32
        %dma_wait3A_1105 = tpu.memref_slice %arg5[%run_scoped3A_423, %dma_wait3A_1104] : memref<2x4096xi32, #tpu.memory_space<vmem>> -> memref<1x4096xi32, #tpu.memory_space<vmem>>
        %dma_wait3A_1106 = tpu.memref_squeeze %dma_wait3A_1105 : memref<1x4096xi32, #tpu.memory_space<vmem>> -> memref<4096xi32, #tpu.memory_space<vmem>>
        %dma_wait3A_1107 = tpu.memref_slice %arg3[%mul3A_422] : memref<3276800xi32, #tpu.memory_space<hbm>> -> memref<4096xi32, #tpu.memory_space<hbm>>
        %dma_wait3A_1108 = arith.constant 0 : i32
        %dma_wait3A_1109 = tpu.memref_slice %arg5[%run_scoped3A_423, %dma_wait3A_1108] : memref<2x4096xi32, #tpu.memory_space<vmem>> -> memref<1x4096xi32, #tpu.memory_space<vmem>>
        %dma_wait3A_1110 = tpu.memref_squeeze %dma_wait3A_1109 : memref<1x4096xi32, #tpu.memory_space<vmem>> -> memref<4096xi32, #tpu.memory_space<vmem>>
        %dma_wait3A_1111 = tpu.memref_slice %arg3[%mul3A_422] : memref<3276800xi32, #tpu.memory_space<hbm>> -> memref<4096xi32, #tpu.memory_space<hbm>>
        tpu.wait_dma2 semaphore(%run_scoped3A_1095 : memref<!tpu.dma_semaphore, #tpu.memory_space<semaphore_mem>>) src(%dma_wait3A_1111 : memref<4096xi32, #tpu.memory_space<hbm>>) dst(%dma_wait3A_1110 : memref<4096xi32, #tpu.memory_space<vmem>>)
        tpu.yield
      }) : () -> ()
      %dma_start3A_424 = arith.constant 0 : i32
      %dma_start3A_425 = arith.constant 0 : i32
      %dma_start3A_426 = arith.constant 0 : i32
      %dma_start3A_427 = tpu.memref_slice %arg6[%dma_start3A_425, %dma_start3A_426] : memref<2x20480xf32, #tpu.memory_space<vmem>> -> memref<1x20480xf32, #tpu.memory_space<vmem>>
      %dma_start3A_428 = tpu.memref_squeeze %dma_start3A_427 : memref<1x20480xf32, #tpu.memory_space<vmem>> -> memref<20480xf32, #tpu.memory_space<vmem>>
      %dma_start3A_429 = arith.constant 0 : i32
      %dma_start3A_430 = tpu.memref_slice %dma_start3A_428[%dma_start3A_429] : memref<20480xf32, #tpu.memory_space<vmem>> -> memref<4096xf32, #tpu.memory_space<vmem>>
      %dma_start3A_431 = arith.constant 0 : i32
      %dma_start3A_432 = tpu.memref_slice %arg5[%dma_start3A_424, %dma_start3A_431] : memref<2x4096xi32, #tpu.memory_space<vmem>> -> memref<1x4096xi32, #tpu.memory_space<vmem>>
      %dma_start3A_433 = tpu.memref_squeeze %dma_start3A_432 : memref<1x4096xi32, #tpu.memory_space<vmem>> -> memref<4096xi32, #tpu.memory_space<vmem>>
      %dma_start3A_434 = arith.constant 0 : i32
      %dma_start3A_435 = tpu.memref_slice %arg7[%dma_start3A_434] : memref<500000xf32, #tpu.memory_space<vmem_shared>> -> memref<100000xf32, #tpu.memory_space<vmem_shared>>
      %dma_start3A_436 = arith.constant 0 : i32
      %dma_start3A_437 = tpu.memref_slice %dma_start3A_435[%dma_start3A_436] : memref<100000xf32, #tpu.memory_space<vmem_shared>> -> memref<100000xf32, #tpu.memory_space<vmem_shared>>
      tpu.enqueue_indirect_dma source(%dma_start3A_437 : memref<100000xf32, #tpu.memory_space<vmem_shared>>) target(%dma_start3A_430 : memref<4096xf32, #tpu.memory_space<vmem>>) offsets(%dma_start3A_433 : memref<4096xi32, #tpu.memory_space<vmem>>) semaphore(%arg8 : memref<!tpu.dma_semaphore, #tpu.memory_space<semaphore_mem>>)
      %dma_start3A_438 = arith.constant 0 : i32
      %dma_start3A_439 = arith.constant 0 : i32
      %dma_start3A_440 = arith.constant 0 : i32
      %dma_start3A_441 = tpu.memref_slice %arg6[%dma_start3A_439, %dma_start3A_440] : memref<2x20480xf32, #tpu.memory_space<vmem>> -> memref<1x20480xf32, #tpu.memory_space<vmem>>
      %dma_start3A_442 = tpu.memref_squeeze %dma_start3A_441 : memref<1x20480xf32, #tpu.memory_space<vmem>> -> memref<20480xf32, #tpu.memory_space<vmem>>
      %dma_start3A_443 = arith.constant 4096 : i32
      %dma_start3A_444 = tpu.memref_slice %dma_start3A_442[%dma_start3A_443] : memref<20480xf32, #tpu.memory_space<vmem>> -> memref<4096xf32, #tpu.memory_space<vmem>>
      %dma_start3A_445 = arith.constant 0 : i32
      %dma_start3A_446 = tpu.memref_slice %arg5[%dma_start3A_438, %dma_start3A_445] : memref<2x4096xi32, #tpu.memory_space<vmem>> -> memref<1x4096xi32, #tpu.memory_space<vmem>>
      %dma_start3A_447 = tpu.memref_squeeze %dma_start3A_446 : memref<1x4096xi32, #tpu.memory_space<vmem>> -> memref<4096xi32, #tpu.memory_space<vmem>>
      %dma_start3A_448 = arith.constant 100000 : i32
      %dma_start3A_449 = tpu.memref_slice %arg7[%dma_start3A_448] : memref<500000xf32, #tpu.memory_space<vmem_shared>> -> memref<100000xf32, #tpu.memory_space<vmem_shared>>
      %dma_start3A_450 = arith.constant 0 : i32
      %dma_start3A_451 = tpu.memref_slice %dma_start3A_449[%dma_start3A_450] : memref<100000xf32, #tpu.memory_space<vmem_shared>> -> memref<100000xf32, #tpu.memory_space<vmem_shared>>
      tpu.enqueue_indirect_dma source(%dma_start3A_451 : memref<100000xf32, #tpu.memory_space<vmem_shared>>) target(%dma_start3A_444 : memref<4096xf32, #tpu.memory_space<vmem>>) offsets(%dma_start3A_447 : memref<4096xi32, #tpu.memory_space<vmem>>) semaphore(%arg8 : memref<!tpu.dma_semaphore, #tpu.memory_space<semaphore_mem>>)
      %dma_start3A_452 = arith.constant 0 : i32
      %dma_start3A_453 = arith.constant 0 : i32
      %dma_start3A_454 = arith.constant 0 : i32
      %dma_start3A_455 = tpu.memref_slice %arg6[%dma_start3A_453, %dma_start3A_454] : memref<2x20480xf32, #tpu.memory_space<vmem>> -> memref<1x20480xf32, #tpu.memory_space<vmem>>
      %dma_start3A_456 = tpu.memref_squeeze %dma_start3A_455 : memref<1x20480xf32, #tpu.memory_space<vmem>> -> memref<20480xf32, #tpu.memory_space<vmem>>
      %dma_start3A_457 = arith.constant 8192 : i32
      %dma_start3A_458 = tpu.memref_slice %dma_start3A_456[%dma_start3A_457] : memref<20480xf32, #tpu.memory_space<vmem>> -> memref<4096xf32, #tpu.memory_space<vmem>>
      %dma_start3A_459 = arith.constant 0 : i32
      %dma_start3A_460 = tpu.memref_slice %arg5[%dma_start3A_452, %dma_start3A_459] : memref<2x4096xi32, #tpu.memory_space<vmem>> -> memref<1x4096xi32, #tpu.memory_space<vmem>>
      %dma_start3A_461 = tpu.memref_squeeze %dma_start3A_460 : memref<1x4096xi32, #tpu.memory_space<vmem>> -> memref<4096xi32, #tpu.memory_space<vmem>>
      %dma_start3A_462 = arith.constant 200000 : i32
      %dma_start3A_463 = tpu.memref_slice %arg7[%dma_start3A_462] : memref<500000xf32, #tpu.memory_space<vmem_shared>> -> memref<100000xf32, #tpu.memory_space<vmem_shared>>
      %dma_start3A_464 = arith.constant 0 : i32
      %dma_start3A_465 = tpu.memref_slice %dma_start3A_463[%dma_start3A_464] : memref<100000xf32, #tpu.memory_space<vmem_shared>> -> memref<100000xf32, #tpu.memory_space<vmem_shared>>
      tpu.enqueue_indirect_dma source(%dma_start3A_465 : memref<100000xf32, #tpu.memory_space<vmem_shared>>) target(%dma_start3A_458 : memref<4096xf32, #tpu.memory_space<vmem>>) offsets(%dma_start3A_461 : memref<4096xi32, #tpu.memory_space<vmem>>) semaphore(%arg8 : memref<!tpu.dma_semaphore, #tpu.memory_space<semaphore_mem>>)
      %dma_start3A_466 = arith.constant 0 : i32
      %dma_start3A_467 = arith.constant 0 : i32
      %dma_start3A_468 = arith.constant 0 : i32
      %dma_start3A_469 = tpu.memref_slice %arg6[%dma_start3A_467, %dma_start3A_468] : memref<2x20480xf32, #tpu.memory_space<vmem>> -> memref<1x20480xf32, #tpu.memory_space<vmem>>
      %dma_start3A_470 = tpu.memref_squeeze %dma_start3A_469 : memref<1x20480xf32, #tpu.memory_space<vmem>> -> memref<20480xf32, #tpu.memory_space<vmem>>
      %dma_start3A_471 = arith.constant 12288 : i32
      %dma_start3A_472 = tpu.memref_slice %dma_start3A_470[%dma_start3A_471] : memref<20480xf32, #tpu.memory_space<vmem>> -> memref<4096xf32, #tpu.memory_space<vmem>>
      %dma_start3A_473 = arith.constant 0 : i32
      %dma_start3A_474 = tpu.memref_slice %arg5[%dma_start3A_466, %dma_start3A_473] : memref<2x4096xi32, #tpu.memory_space<vmem>> -> memref<1x4096xi32, #tpu.memory_space<vmem>>
      %dma_start3A_475 = tpu.memref_squeeze %dma_start3A_474 : memref<1x4096xi32, #tpu.memory_space<vmem>> -> memref<4096xi32, #tpu.memory_space<vmem>>
      %dma_start3A_476 = arith.constant 300000 : i32
      %dma_start3A_477 = tpu.memref_slice %arg7[%dma_start3A_476] : memref<500000xf32, #tpu.memory_space<vmem_shared>> -> memref<100000xf32, #tpu.memory_space<vmem_shared>>
      %dma_start3A_478 = arith.constant 0 : i32
      %dma_start3A_479 = tpu.memref_slice %dma_start3A_477[%dma_start3A_478] : memref<100000xf32, #tpu.memory_space<vmem_shared>> -> memref<100000xf32, #tpu.memory_space<vmem_shared>>
      tpu.enqueue_indirect_dma source(%dma_start3A_479 : memref<100000xf32, #tpu.memory_space<vmem_shared>>) target(%dma_start3A_472 : memref<4096xf32, #tpu.memory_space<vmem>>) offsets(%dma_start3A_475 : memref<4096xi32, #tpu.memory_space<vmem>>) semaphore(%arg8 : memref<!tpu.dma_semaphore, #tpu.memory_space<semaphore_mem>>)
      %dma_start3A_480 = arith.constant 0 : i32
      %dma_start3A_481 = arith.constant 0 : i32
      %dma_start3A_482 = arith.constant 0 : i32
      %dma_start3A_483 = tpu.memref_slice %arg6[%dma_start3A_481, %dma_start3A_482] : memref<2x20480xf32, #tpu.memory_space<vmem>> -> memref<1x20480xf32, #tpu.memory_space<vmem>>
      %dma_start3A_484 = tpu.memref_squeeze %dma_start3A_483 : memref<1x20480xf32, #tpu.memory_space<vmem>> -> memref<20480xf32, #tpu.memory_space<vmem>>
      %dma_start3A_485 = arith.constant 16384 : i32
      %dma_start3A_486 = tpu.memref_slice %dma_start3A_484[%dma_start3A_485] : memref<20480xf32, #tpu.memory_space<vmem>> -> memref<4096xf32, #tpu.memory_space<vmem>>
      %dma_start3A_487 = arith.constant 0 : i32
      %dma_start3A_488 = tpu.memref_slice %arg5[%dma_start3A_480, %dma_start3A_487] : memref<2x4096xi32, #tpu.memory_space<vmem>> -> memref<1x4096xi32, #tpu.memory_space<vmem>>
      %dma_start3A_489 = tpu.memref_squeeze %dma_start3A_488 : memref<1x4096xi32, #tpu.memory_space<vmem>> -> memref<4096xi32, #tpu.memory_space<vmem>>
      %dma_start3A_490 = arith.constant 400000 : i32
      %dma_start3A_491 = tpu.memref_slice %arg7[%dma_start3A_490] : memref<500000xf32, #tpu.memory_space<vmem_shared>> -> memref<100000xf32, #tpu.memory_space<vmem_shared>>
      %dma_start3A_492 = arith.constant 0 : i32
      %dma_start3A_493 = tpu.memref_slice %dma_start3A_491[%dma_start3A_492] : memref<100000xf32, #tpu.memory_space<vmem_shared>> -> memref<100000xf32, #tpu.memory_space<vmem_shared>>
      tpu.enqueue_indirect_dma source(%dma_start3A_493 : memref<100000xf32, #tpu.memory_space<vmem_shared>>) target(%dma_start3A_486 : memref<4096xf32, #tpu.memory_space<vmem>>) offsets(%dma_start3A_489 : memref<4096xi32, #tpu.memory_space<vmem>>) semaphore(%arg8 : memref<!tpu.dma_semaphore, #tpu.memory_space<semaphore_mem>>)
      %dma_wait3A_494 = arith.constant 0 : i32
      %dma_wait3A_495 = arith.constant 0 : i32
      %dma_wait3A_496 = arith.constant 0 : i32
      %dma_wait3A_497 = tpu.memref_slice %arg6[%dma_wait3A_495, %dma_wait3A_496] : memref<2x20480xf32, #tpu.memory_space<vmem>> -> memref<1x20480xf32, #tpu.memory_space<vmem>>
      %dma_wait3A_498 = tpu.memref_squeeze %dma_wait3A_497 : memref<1x20480xf32, #tpu.memory_space<vmem>> -> memref<20480xf32, #tpu.memory_space<vmem>>
      %dma_wait3A_499 = arith.constant 0 : i32
      %dma_wait3A_500 = tpu.memref_slice %dma_wait3A_498[%dma_wait3A_499] : memref<20480xf32, #tpu.memory_space<vmem>> -> memref<4096xf32, #tpu.memory_space<vmem>>
      %dma_wait3A_501 = arith.constant 0 : i32
      %dma_wait3A_502 = tpu.memref_slice %arg5[%dma_wait3A_494, %dma_wait3A_501] : memref<2x4096xi32, #tpu.memory_space<vmem>> -> memref<1x4096xi32, #tpu.memory_space<vmem>>
      %dma_wait3A_503 = tpu.memref_squeeze %dma_wait3A_502 : memref<1x4096xi32, #tpu.memory_space<vmem>> -> memref<4096xi32, #tpu.memory_space<vmem>>
      %dma_wait3A_504 = arith.constant 0 : i32
      %dma_wait3A_505 = tpu.memref_slice %arg7[%dma_wait3A_504] : memref<500000xf32, #tpu.memory_space<vmem_shared>> -> memref<100000xf32, #tpu.memory_space<vmem_shared>>
      %dma_wait3A_506 = arith.constant 0 : i32
      %dma_wait3A_507 = tpu.memref_slice %dma_wait3A_505[%dma_wait3A_506] : memref<100000xf32, #tpu.memory_space<vmem_shared>> -> memref<100000xf32, #tpu.memory_space<vmem_shared>>
      tpu.wait_indirect_dma semaphore(%arg8 : memref<!tpu.dma_semaphore, #tpu.memory_space<semaphore_mem>>) src(%dma_wait3A_507 : memref<100000xf32, #tpu.memory_space<vmem_shared>>) dst(%dma_wait3A_500 : memref<4096xf32, #tpu.memory_space<vmem>>)
      %dma_wait3A_508 = arith.constant 0 : i32
      %dma_wait3A_509 = arith.constant 0 : i32
      %dma_wait3A_510 = arith.constant 0 : i32
      %dma_wait3A_511 = tpu.memref_slice %arg6[%dma_wait3A_509, %dma_wait3A_510] : memref<2x20480xf32, #tpu.memory_space<vmem>> -> memref<1x20480xf32, #tpu.memory_space<vmem>>
      %dma_wait3A_512 = tpu.memref_squeeze %dma_wait3A_511 : memref<1x20480xf32, #tpu.memory_space<vmem>> -> memref<20480xf32, #tpu.memory_space<vmem>>
      %dma_wait3A_513 = arith.constant 4096 : i32
      %dma_wait3A_514 = tpu.memref_slice %dma_wait3A_512[%dma_wait3A_513] : memref<20480xf32, #tpu.memory_space<vmem>> -> memref<4096xf32, #tpu.memory_space<vmem>>
      %dma_wait3A_515 = arith.constant 0 : i32
      %dma_wait3A_516 = tpu.memref_slice %arg5[%dma_wait3A_508, %dma_wait3A_515] : memref<2x4096xi32, #tpu.memory_space<vmem>> -> memref<1x4096xi32, #tpu.memory_space<vmem>>
      %dma_wait3A_517 = tpu.memref_squeeze %dma_wait3A_516 : memref<1x4096xi32, #tpu.memory_space<vmem>> -> memref<4096xi32, #tpu.memory_space<vmem>>
      %dma_wait3A_518 = arith.constant 100000 : i32
      %dma_wait3A_519 = tpu.memref_slice %arg7[%dma_wait3A_518] : memref<500000xf32, #tpu.memory_space<vmem_shared>> -> memref<100000xf32, #tpu.memory_space<vmem_shared>>
      %dma_wait3A_520 = arith.constant 0 : i32
      %dma_wait3A_521 = tpu.memref_slice %dma_wait3A_519[%dma_wait3A_520] : memref<100000xf32, #tpu.memory_space<vmem_shared>> -> memref<100000xf32, #tpu.memory_space<vmem_shared>>
      tpu.wait_indirect_dma semaphore(%arg8 : memref<!tpu.dma_semaphore, #tpu.memory_space<semaphore_mem>>) src(%dma_wait3A_521 : memref<100000xf32, #tpu.memory_space<vmem_shared>>) dst(%dma_wait3A_514 : memref<4096xf32, #tpu.memory_space<vmem>>)
      %dma_wait3A_522 = arith.constant 0 : i32
      %dma_wait3A_523 = arith.constant 0 : i32
      %dma_wait3A_524 = arith.constant 0 : i32
      %dma_wait3A_525 = tpu.memref_slice %arg6[%dma_wait3A_523, %dma_wait3A_524] : memref<2x20480xf32, #tpu.memory_space<vmem>> -> memref<1x20480xf32, #tpu.memory_space<vmem>>
      %dma_wait3A_526 = tpu.memref_squeeze %dma_wait3A_525 : memref<1x20480xf32, #tpu.memory_space<vmem>> -> memref<20480xf32, #tpu.memory_space<vmem>>
      %dma_wait3A_527 = arith.constant 8192 : i32
      %dma_wait3A_528 = tpu.memref_slice %dma_wait3A_526[%dma_wait3A_527] : memref<20480xf32, #tpu.memory_space<vmem>> -> memref<4096xf32, #tpu.memory_space<vmem>>
      %dma_wait3A_529 = arith.constant 0 : i32
      %dma_wait3A_530 = tpu.memref_slice %arg5[%dma_wait3A_522, %dma_wait3A_529] : memref<2x4096xi32, #tpu.memory_space<vmem>> -> memref<1x4096xi32, #tpu.memory_space<vmem>>
      %dma_wait3A_531 = tpu.memref_squeeze %dma_wait3A_530 : memref<1x4096xi32, #tpu.memory_space<vmem>> -> memref<4096xi32, #tpu.memory_space<vmem>>
      %dma_wait3A_532 = arith.constant 200000 : i32
      %dma_wait3A_533 = tpu.memref_slice %arg7[%dma_wait3A_532] : memref<500000xf32, #tpu.memory_space<vmem_shared>> -> memref<100000xf32, #tpu.memory_space<vmem_shared>>
      %dma_wait3A_534 = arith.constant 0 : i32
      %dma_wait3A_535 = tpu.memref_slice %dma_wait3A_533[%dma_wait3A_534] : memref<100000xf32, #tpu.memory_space<vmem_shared>> -> memref<100000xf32, #tpu.memory_space<vmem_shared>>
      tpu.wait_indirect_dma semaphore(%arg8 : memref<!tpu.dma_semaphore, #tpu.memory_space<semaphore_mem>>) src(%dma_wait3A_535 : memref<100000xf32, #tpu.memory_space<vmem_shared>>) dst(%dma_wait3A_528 : memref<4096xf32, #tpu.memory_space<vmem>>)
      %dma_wait3A_536 = arith.constant 0 : i32
      %dma_wait3A_537 = arith.constant 0 : i32
      %dma_wait3A_538 = arith.constant 0 : i32
      %dma_wait3A_539 = tpu.memref_slice %arg6[%dma_wait3A_537, %dma_wait3A_538] : memref<2x20480xf32, #tpu.memory_space<vmem>> -> memref<1x20480xf32, #tpu.memory_space<vmem>>
      %dma_wait3A_540 = tpu.memref_squeeze %dma_wait3A_539 : memref<1x20480xf32, #tpu.memory_space<vmem>> -> memref<20480xf32, #tpu.memory_space<vmem>>
      %dma_wait3A_541 = arith.constant 12288 : i32
      %dma_wait3A_542 = tpu.memref_slice %dma_wait3A_540[%dma_wait3A_541] : memref<20480xf32, #tpu.memory_space<vmem>> -> memref<4096xf32, #tpu.memory_space<vmem>>
      %dma_wait3A_543 = arith.constant 0 : i32
      %dma_wait3A_544 = tpu.memref_slice %arg5[%dma_wait3A_536, %dma_wait3A_543] : memref<2x4096xi32, #tpu.memory_space<vmem>> -> memref<1x4096xi32, #tpu.memory_space<vmem>>
      %dma_wait3A_545 = tpu.memref_squeeze %dma_wait3A_544 : memref<1x4096xi32, #tpu.memory_space<vmem>> -> memref<4096xi32, #tpu.memory_space<vmem>>
      %dma_wait3A_546 = arith.constant 300000 : i32
      %dma_wait3A_547 = tpu.memref_slice %arg7[%dma_wait3A_546] : memref<500000xf32, #tpu.memory_space<vmem_shared>> -> memref<100000xf32, #tpu.memory_space<vmem_shared>>
      %dma_wait3A_548 = arith.constant 0 : i32
      %dma_wait3A_549 = tpu.memref_slice %dma_wait3A_547[%dma_wait3A_548] : memref<100000xf32, #tpu.memory_space<vmem_shared>> -> memref<100000xf32, #tpu.memory_space<vmem_shared>>
      tpu.wait_indirect_dma semaphore(%arg8 : memref<!tpu.dma_semaphore, #tpu.memory_space<semaphore_mem>>) src(%dma_wait3A_549 : memref<100000xf32, #tpu.memory_space<vmem_shared>>) dst(%dma_wait3A_542 : memref<4096xf32, #tpu.memory_space<vmem>>)
      %dma_wait3A_550 = arith.constant 0 : i32
      %dma_wait3A_551 = arith.constant 0 : i32
      %dma_wait3A_552 = arith.constant 0 : i32
      %dma_wait3A_553 = tpu.memref_slice %arg6[%dma_wait3A_551, %dma_wait3A_552] : memref<2x20480xf32, #tpu.memory_space<vmem>> -> memref<1x20480xf32, #tpu.memory_space<vmem>>
      %dma_wait3A_554 = tpu.memref_squeeze %dma_wait3A_553 : memref<1x20480xf32, #tpu.memory_space<vmem>> -> memref<20480xf32, #tpu.memory_space<vmem>>
      %dma_wait3A_555 = arith.constant 16384 : i32
      %dma_wait3A_556 = tpu.memref_slice %dma_wait3A_554[%dma_wait3A_555] : memref<20480xf32, #tpu.memory_space<vmem>> -> memref<4096xf32, #tpu.memory_space<vmem>>
      %dma_wait3A_557 = arith.constant 0 : i32
      %dma_wait3A_558 = tpu.memref_slice %arg5[%dma_wait3A_550, %dma_wait3A_557] : memref<2x4096xi32, #tpu.memory_space<vmem>> -> memref<1x4096xi32, #tpu.memory_space<vmem>>
      %dma_wait3A_559 = tpu.memref_squeeze %dma_wait3A_558 : memref<1x4096xi32, #tpu.memory_space<vmem>> -> memref<4096xi32, #tpu.memory_space<vmem>>
      %dma_wait3A_560 = arith.constant 400000 : i32
      %dma_wait3A_561 = tpu.memref_slice %arg7[%dma_wait3A_560] : memref<500000xf32, #tpu.memory_space<vmem_shared>> -> memref<100000xf32, #tpu.memory_space<vmem_shared>>
      %dma_wait3A_562 = arith.constant 0 : i32
      %dma_wait3A_563 = tpu.memref_slice %dma_wait3A_561[%dma_wait3A_562] : memref<100000xf32, #tpu.memory_space<vmem_shared>> -> memref<100000xf32, #tpu.memory_space<vmem_shared>>
      tpu.wait_indirect_dma semaphore(%arg8 : memref<!tpu.dma_semaphore, #tpu.memory_space<semaphore_mem>>) src(%dma_wait3A_563 : memref<100000xf32, #tpu.memory_space<vmem_shared>>) dst(%dma_wait3A_556 : memref<4096xf32, #tpu.memory_space<vmem>>)
      %jit3A_564 = arith.constant 32 : i32
      %div3A_565 = arith.divsi %add3A_418, %jit3A_564 : i32
      %sign3A_566 = arith.constant 0 : i32
      %sign3A_567 = arith.cmpi sgt, %add3A_418, %sign3A_566 : i32
      %sign3A_568 = arith.extui %sign3A_567 : i1 to i32
      %sign3A_569 = arith.constant 0 : i32
      %sign3A_570 = arith.cmpi slt, %add3A_418, %sign3A_569 : i32
      %sign3A_571 = arith.extui %sign3A_570 : i1 to i32
      %sign3A_572 = arith.subi %sign3A_568, %sign3A_571 : i32
      %sign3A_573 = arith.constant 0 : i32
      %sign3A_574 = arith.cmpi sgt, %jit3A_564, %sign3A_573 : i32
      %sign3A_575 = arith.extui %sign3A_574 : i1 to i32
      %sign3A_576 = arith.constant 0 : i32
      %sign3A_577 = arith.cmpi slt, %jit3A_564, %sign3A_576 : i32
      %sign3A_578 = arith.extui %sign3A_577 : i1 to i32
      %sign3A_579 = arith.subi %sign3A_575, %sign3A_578 : i32
      %ne3A_580 = arith.cmpi ne, %sign3A_572, %sign3A_579 : i32
      %rem3A_581 = arith.remsi %add3A_418, %jit3A_564 : i32
      %ne3A_582 = arith.constant 0 : i32
      %ne3A_583 = arith.cmpi ne, %rem3A_581, %ne3A_582 : i32
      %and3A_584 = arith.andi %ne3A_580, %ne3A_583 : i1
      %sub3A_585 = arith.constant 1 : i32
      %sub3A_586 = arith.subi %div3A_565, %sub3A_585 : i32
      %select_n3A_587 = arith.select %and3A_584, %sub3A_586, %div3A_565 : i32
      %mul3A_588 = arith.constant 32 : i32
      %mul3A_589 = arith.muli %select_n3A_587, %mul3A_588 : i32
      %sub3A_590 = arith.subi %add3A_418, %mul3A_589 : i32
      %mul3A_591 = arith.constant 4 : i32
      %mul3A_592 = arith.muli %sub3A_590, %mul3A_591 : i32
      %add3A_593 = arith.constant 0 : i32
      %add3A_594 = arith.addi %add3A_593, %select_n3A_587 : i32
      %mul3A_595 = arith.constant 128 : i32
      %mul3A_596 = arith.muli %add3A_594, %mul3A_595 : i32
      %add3A_597 = arith.addi %mul3A_596, %mul3A_592 : i32
      %mul3A_598 = arith.constant 1024 : i32
      %mul3A_599 = arith.muli %add3A_597, %mul3A_598 : i32
      %dma_start3A_600 = arith.constant 0 : i32
      %dma_start3A_601 = arith.constant 0 : i32
      %dma_start3A_602 = tpu.memref_slice %arg6[%dma_start3A_600, %dma_start3A_601] : memref<2x20480xf32, #tpu.memory_space<vmem>> -> memref<1x20480xf32, #tpu.memory_space<vmem>>
      %dma_start3A_603 = tpu.memref_squeeze %dma_start3A_602 : memref<1x20480xf32, #tpu.memory_space<vmem>> -> memref<20480xf32, #tpu.memory_space<vmem>>
      %dma_start3A_604 = arith.constant 0 : i32
      %dma_start3A_605 = tpu.memref_slice %dma_start3A_603[%dma_start3A_604] : memref<20480xf32, #tpu.memory_space<vmem>> -> memref<4096xf32, #tpu.memory_space<vmem>>
      %dma_start3A_606 = tpu.memref_slice %arg4[%mul3A_599] : memref<16384000xf32, #tpu.memory_space<hbm>> -> memref<4096xf32, #tpu.memory_space<hbm>>
      %dma_start3A_607 = tpu.memref_slice %arg4[%mul3A_599] : memref<16384000xf32, #tpu.memory_space<hbm>> -> memref<4096xf32, #tpu.memory_space<hbm>>
      %dma_start3A_608 = arith.constant 0 : i32
      %dma_start3A_609 = tpu.memref_slice %arg6[%dma_start3A_600, %dma_start3A_608] : memref<2x20480xf32, #tpu.memory_space<vmem>> -> memref<1x20480xf32, #tpu.memory_space<vmem>>
      %dma_start3A_610 = tpu.memref_squeeze %dma_start3A_609 : memref<1x20480xf32, #tpu.memory_space<vmem>> -> memref<20480xf32, #tpu.memory_space<vmem>>
      %dma_start3A_611 = arith.constant 0 : i32
      %dma_start3A_612 = tpu.memref_slice %dma_start3A_610[%dma_start3A_611] : memref<20480xf32, #tpu.memory_space<vmem>> -> memref<4096xf32, #tpu.memory_space<vmem>>
      tpu.enqueue_dma source(%dma_start3A_612 : memref<4096xf32, #tpu.memory_space<vmem>>) target(%dma_start3A_607 : memref<4096xf32, #tpu.memory_space<hbm>>) target_semaphore(%arg9 : memref<!tpu.dma_semaphore, #tpu.memory_space<semaphore_mem>>)
      %add3A_613 = arith.constant 25 : i32
      %add3A_614 = arith.addi %add3A_613, %select_n3A_587 : i32
      %mul3A_615 = arith.constant 128 : i32
      %mul3A_616 = arith.muli %add3A_614, %mul3A_615 : i32
      %add3A_617 = arith.addi %mul3A_616, %mul3A_592 : i32
      %mul3A_618 = arith.constant 1024 : i32
      %mul3A_619 = arith.muli %add3A_617, %mul3A_618 : i32
      %dma_start3A_620 = arith.constant 0 : i32
      %dma_start3A_621 = arith.constant 0 : i32
      %dma_start3A_622 = tpu.memref_slice %arg6[%dma_start3A_620, %dma_start3A_621] : memref<2x20480xf32, #tpu.memory_space<vmem>> -> memref<1x20480xf32, #tpu.memory_space<vmem>>
      %dma_start3A_623 = tpu.memref_squeeze %dma_start3A_622 : memref<1x20480xf32, #tpu.memory_space<vmem>> -> memref<20480xf32, #tpu.memory_space<vmem>>
      %dma_start3A_624 = arith.constant 4096 : i32
      %dma_start3A_625 = tpu.memref_slice %dma_start3A_623[%dma_start3A_624] : memref<20480xf32, #tpu.memory_space<vmem>> -> memref<4096xf32, #tpu.memory_space<vmem>>
      %dma_start3A_626 = tpu.memref_slice %arg4[%mul3A_619] : memref<16384000xf32, #tpu.memory_space<hbm>> -> memref<4096xf32, #tpu.memory_space<hbm>>
      %dma_start3A_627 = tpu.memref_slice %arg4[%mul3A_619] : memref<16384000xf32, #tpu.memory_space<hbm>> -> memref<4096xf32, #tpu.memory_space<hbm>>
      %dma_start3A_628 = arith.constant 0 : i32
      %dma_start3A_629 = tpu.memref_slice %arg6[%dma_start3A_620, %dma_start3A_628] : memref<2x20480xf32, #tpu.memory_space<vmem>> -> memref<1x20480xf32, #tpu.memory_space<vmem>>
      %dma_start3A_630 = tpu.memref_squeeze %dma_start3A_629 : memref<1x20480xf32, #tpu.memory_space<vmem>> -> memref<20480xf32, #tpu.memory_space<vmem>>
      %dma_start3A_631 = arith.constant 4096 : i32
      %dma_start3A_632 = tpu.memref_slice %dma_start3A_630[%dma_start3A_631] : memref<20480xf32, #tpu.memory_space<vmem>> -> memref<4096xf32, #tpu.memory_space<vmem>>
      tpu.enqueue_dma source(%dma_start3A_632 : memref<4096xf32, #tpu.memory_space<vmem>>) target(%dma_start3A_627 : memref<4096xf32, #tpu.memory_space<hbm>>) target_semaphore(%arg9 : memref<!tpu.dma_semaphore, #tpu.memory_space<semaphore_mem>>)
      %add3A_633 = arith.constant 50 : i32
      %add3A_634 = arith.addi %add3A_633, %select_n3A_587 : i32
      %mul3A_635 = arith.constant 128 : i32
      %mul3A_636 = arith.muli %add3A_634, %mul3A_635 : i32
      %add3A_637 = arith.addi %mul3A_636, %mul3A_592 : i32
      %mul3A_638 = arith.constant 1024 : i32
      %mul3A_639 = arith.muli %add3A_637, %mul3A_638 : i32
      %dma_start3A_640 = arith.constant 0 : i32
      %dma_start3A_641 = arith.constant 0 : i32
      %dma_start3A_642 = tpu.memref_slice %arg6[%dma_start3A_640, %dma_start3A_641] : memref<2x20480xf32, #tpu.memory_space<vmem>> -> memref<1x20480xf32, #tpu.memory_space<vmem>>
      %dma_start3A_643 = tpu.memref_squeeze %dma_start3A_642 : memref<1x20480xf32, #tpu.memory_space<vmem>> -> memref<20480xf32, #tpu.memory_space<vmem>>
      %dma_start3A_644 = arith.constant 8192 : i32
      %dma_start3A_645 = tpu.memref_slice %dma_start3A_643[%dma_start3A_644] : memref<20480xf32, #tpu.memory_space<vmem>> -> memref<4096xf32, #tpu.memory_space<vmem>>
      %dma_start3A_646 = tpu.memref_slice %arg4[%mul3A_639] : memref<16384000xf32, #tpu.memory_space<hbm>> -> memref<4096xf32, #tpu.memory_space<hbm>>
      %dma_start3A_647 = tpu.memref_slice %arg4[%mul3A_639] : memref<16384000xf32, #tpu.memory_space<hbm>> -> memref<4096xf32, #tpu.memory_space<hbm>>
      %dma_start3A_648 = arith.constant 0 : i32
      %dma_start3A_649 = tpu.memref_slice %arg6[%dma_start3A_640, %dma_start3A_648] : memref<2x20480xf32, #tpu.memory_space<vmem>> -> memref<1x20480xf32, #tpu.memory_space<vmem>>
      %dma_start3A_650 = tpu.memref_squeeze %dma_start3A_649 : memref<1x20480xf32, #tpu.memory_space<vmem>> -> memref<20480xf32, #tpu.memory_space<vmem>>
      %dma_start3A_651 = arith.constant 8192 : i32
      %dma_start3A_652 = tpu.memref_slice %dma_start3A_650[%dma_start3A_651] : memref<20480xf32, #tpu.memory_space<vmem>> -> memref<4096xf32, #tpu.memory_space<vmem>>
      tpu.enqueue_dma source(%dma_start3A_652 : memref<4096xf32, #tpu.memory_space<vmem>>) target(%dma_start3A_647 : memref<4096xf32, #tpu.memory_space<hbm>>) target_semaphore(%arg9 : memref<!tpu.dma_semaphore, #tpu.memory_space<semaphore_mem>>)
      %add3A_653 = arith.constant 75 : i32
      %add3A_654 = arith.addi %add3A_653, %select_n3A_587 : i32
      %mul3A_655 = arith.constant 128 : i32
      %mul3A_656 = arith.muli %add3A_654, %mul3A_655 : i32
      %add3A_657 = arith.addi %mul3A_656, %mul3A_592 : i32
      %mul3A_658 = arith.constant 1024 : i32
      %mul3A_659 = arith.muli %add3A_657, %mul3A_658 : i32
      %dma_start3A_660 = arith.constant 0 : i32
      %dma_start3A_661 = arith.constant 0 : i32
      %dma_start3A_662 = tpu.memref_slice %arg6[%dma_start3A_660, %dma_start3A_661] : memref<2x20480xf32, #tpu.memory_space<vmem>> -> memref<1x20480xf32, #tpu.memory_space<vmem>>
      %dma_start3A_663 = tpu.memref_squeeze %dma_start3A_662 : memref<1x20480xf32, #tpu.memory_space<vmem>> -> memref<20480xf32, #tpu.memory_space<vmem>>
      %dma_start3A_664 = arith.constant 12288 : i32
      %dma_start3A_665 = tpu.memref_slice %dma_start3A_663[%dma_start3A_664] : memref<20480xf32, #tpu.memory_space<vmem>> -> memref<4096xf32, #tpu.memory_space<vmem>>
      %dma_start3A_666 = tpu.memref_slice %arg4[%mul3A_659] : memref<16384000xf32, #tpu.memory_space<hbm>> -> memref<4096xf32, #tpu.memory_space<hbm>>
      %dma_start3A_667 = tpu.memref_slice %arg4[%mul3A_659] : memref<16384000xf32, #tpu.memory_space<hbm>> -> memref<4096xf32, #tpu.memory_space<hbm>>
      %dma_start3A_668 = arith.constant 0 : i32
      %dma_start3A_669 = tpu.memref_slice %arg6[%dma_start3A_660, %dma_start3A_668] : memref<2x20480xf32, #tpu.memory_space<vmem>> -> memref<1x20480xf32, #tpu.memory_space<vmem>>
      %dma_start3A_670 = tpu.memref_squeeze %dma_start3A_669 : memref<1x20480xf32, #tpu.memory_space<vmem>> -> memref<20480xf32, #tpu.memory_space<vmem>>
      %dma_start3A_671 = arith.constant 12288 : i32
      %dma_start3A_672 = tpu.memref_slice %dma_start3A_670[%dma_start3A_671] : memref<20480xf32, #tpu.memory_space<vmem>> -> memref<4096xf32, #tpu.memory_space<vmem>>
      tpu.enqueue_dma source(%dma_start3A_672 : memref<4096xf32, #tpu.memory_space<vmem>>) target(%dma_start3A_667 : memref<4096xf32, #tpu.memory_space<hbm>>) target_semaphore(%arg9 : memref<!tpu.dma_semaphore, #tpu.memory_space<semaphore_mem>>)
      %add3A_673 = arith.constant 100 : i32
      %add3A_674 = arith.addi %add3A_673, %select_n3A_587 : i32
      %mul3A_675 = arith.constant 128 : i32
      %mul3A_676 = arith.muli %add3A_674, %mul3A_675 : i32
      %add3A_677 = arith.addi %mul3A_676, %mul3A_592 : i32
      %mul3A_678 = arith.constant 1024 : i32
      %mul3A_679 = arith.muli %add3A_677, %mul3A_678 : i32
      %dma_start3A_680 = arith.constant 0 : i32
      %dma_start3A_681 = arith.constant 0 : i32
      %dma_start3A_682 = tpu.memref_slice %arg6[%dma_start3A_680, %dma_start3A_681] : memref<2x20480xf32, #tpu.memory_space<vmem>> -> memref<1x20480xf32, #tpu.memory_space<vmem>>
      %dma_start3A_683 = tpu.memref_squeeze %dma_start3A_682 : memref<1x20480xf32, #tpu.memory_space<vmem>> -> memref<20480xf32, #tpu.memory_space<vmem>>
      %dma_start3A_684 = arith.constant 16384 : i32
      %dma_start3A_685 = tpu.memref_slice %dma_start3A_683[%dma_start3A_684] : memref<20480xf32, #tpu.memory_space<vmem>> -> memref<4096xf32, #tpu.memory_space<vmem>>
      %dma_start3A_686 = tpu.memref_slice %arg4[%mul3A_679] : memref<16384000xf32, #tpu.memory_space<hbm>> -> memref<4096xf32, #tpu.memory_space<hbm>>
      %dma_start3A_687 = tpu.memref_slice %arg4[%mul3A_679] : memref<16384000xf32, #tpu.memory_space<hbm>> -> memref<4096xf32, #tpu.memory_space<hbm>>
      %dma_start3A_688 = arith.constant 0 : i32
      %dma_start3A_689 = tpu.memref_slice %arg6[%dma_start3A_680, %dma_start3A_688] : memref<2x20480xf32, #tpu.memory_space<vmem>> -> memref<1x20480xf32, #tpu.memory_space<vmem>>
      %dma_start3A_690 = tpu.memref_squeeze %dma_start3A_689 : memref<1x20480xf32, #tpu.memory_space<vmem>> -> memref<20480xf32, #tpu.memory_space<vmem>>
      %dma_start3A_691 = arith.constant 16384 : i32
      %dma_start3A_692 = tpu.memref_slice %dma_start3A_690[%dma_start3A_691] : memref<20480xf32, #tpu.memory_space<vmem>> -> memref<4096xf32, #tpu.memory_space<vmem>>
      tpu.enqueue_dma source(%dma_start3A_692 : memref<4096xf32, #tpu.memory_space<vmem>>) target(%dma_start3A_687 : memref<4096xf32, #tpu.memory_space<hbm>>) target_semaphore(%arg9 : memref<!tpu.dma_semaphore, #tpu.memory_space<semaphore_mem>>)
      %mul3A_693 = arith.constant 4096 : i32
      %mul3A_694 = arith.muli %add3A_420, %mul3A_693 : i32
      %run_scoped3A_695 = arith.constant 1 : i32
      "tpu.region"() ({
        %run_scoped3A_1095 = tpu.sem_alloc : memref<!tpu.dma_semaphore, #tpu.memory_space<semaphore_mem>>
        %dma_start3A_1096 = arith.constant 0 : i32
        %dma_start3A_1097 = tpu.memref_slice %arg5[%run_scoped3A_695, %dma_start3A_1096] : memref<2x4096xi32, #tpu.memory_space<vmem>> -> memref<1x4096xi32, #tpu.memory_space<vmem>>
        %dma_start3A_1098 = tpu.memref_squeeze %dma_start3A_1097 : memref<1x4096xi32, #tpu.memory_space<vmem>> -> memref<4096xi32, #tpu.memory_space<vmem>>
        %dma_start3A_1099 = tpu.memref_slice %arg3[%mul3A_694] : memref<3276800xi32, #tpu.memory_space<hbm>> -> memref<4096xi32, #tpu.memory_space<hbm>>
        %dma_start3A_1100 = arith.constant 0 : i32
        %dma_start3A_1101 = tpu.memref_slice %arg5[%run_scoped3A_695, %dma_start3A_1100] : memref<2x4096xi32, #tpu.memory_space<vmem>> -> memref<1x4096xi32, #tpu.memory_space<vmem>>
        %dma_start3A_1102 = tpu.memref_squeeze %dma_start3A_1101 : memref<1x4096xi32, #tpu.memory_space<vmem>> -> memref<4096xi32, #tpu.memory_space<vmem>>
        %dma_start3A_1103 = tpu.memref_slice %arg3[%mul3A_694] : memref<3276800xi32, #tpu.memory_space<hbm>> -> memref<4096xi32, #tpu.memory_space<hbm>>
        tpu.enqueue_dma source(%dma_start3A_1103 : memref<4096xi32, #tpu.memory_space<hbm>>) target(%dma_start3A_1102 : memref<4096xi32, #tpu.memory_space<vmem>>) target_semaphore(%run_scoped3A_1095 : memref<!tpu.dma_semaphore, #tpu.memory_space<semaphore_mem>>)
        %dma_wait3A_1104 = arith.constant 0 : i32
        %dma_wait3A_1105 = tpu.memref_slice %arg5[%run_scoped3A_695, %dma_wait3A_1104] : memref<2x4096xi32, #tpu.memory_space<vmem>> -> memref<1x4096xi32, #tpu.memory_space<vmem>>
        %dma_wait3A_1106 = tpu.memref_squeeze %dma_wait3A_1105 : memref<1x4096xi32, #tpu.memory_space<vmem>> -> memref<4096xi32, #tpu.memory_space<vmem>>
        %dma_wait3A_1107 = tpu.memref_slice %arg3[%mul3A_694] : memref<3276800xi32, #tpu.memory_space<hbm>> -> memref<4096xi32, #tpu.memory_space<hbm>>
        %dma_wait3A_1108 = arith.constant 0 : i32
        %dma_wait3A_1109 = tpu.memref_slice %arg5[%run_scoped3A_695, %dma_wait3A_1108] : memref<2x4096xi32, #tpu.memory_space<vmem>> -> memref<1x4096xi32, #tpu.memory_space<vmem>>
        %dma_wait3A_1110 = tpu.memref_squeeze %dma_wait3A_1109 : memref<1x4096xi32, #tpu.memory_space<vmem>> -> memref<4096xi32, #tpu.memory_space<vmem>>
        %dma_wait3A_1111 = tpu.memref_slice %arg3[%mul3A_694] : memref<3276800xi32, #tpu.memory_space<hbm>> -> memref<4096xi32, #tpu.memory_space<hbm>>
        tpu.wait_dma2 semaphore(%run_scoped3A_1095 : memref<!tpu.dma_semaphore, #tpu.memory_space<semaphore_mem>>) src(%dma_wait3A_1111 : memref<4096xi32, #tpu.memory_space<hbm>>) dst(%dma_wait3A_1110 : memref<4096xi32, #tpu.memory_space<vmem>>)
        tpu.yield
      }) : () -> ()
      %dma_start3A_696 = arith.constant 1 : i32
      %dma_start3A_697 = arith.constant 1 : i32
      %dma_start3A_698 = arith.constant 0 : i32
      %dma_start3A_699 = tpu.memref_slice %arg6[%dma_start3A_697, %dma_start3A_698] : memref<2x20480xf32, #tpu.memory_space<vmem>> -> memref<1x20480xf32, #tpu.memory_space<vmem>>
      %dma_start3A_700 = tpu.memref_squeeze %dma_start3A_699 : memref<1x20480xf32, #tpu.memory_space<vmem>> -> memref<20480xf32, #tpu.memory_space<vmem>>
      %dma_start3A_701 = arith.constant 0 : i32
      %dma_start3A_702 = tpu.memref_slice %dma_start3A_700[%dma_start3A_701] : memref<20480xf32, #tpu.memory_space<vmem>> -> memref<4096xf32, #tpu.memory_space<vmem>>
      %dma_start3A_703 = arith.constant 0 : i32
      %dma_start3A_704 = tpu.memref_slice %arg5[%dma_start3A_696, %dma_start3A_703] : memref<2x4096xi32, #tpu.memory_space<vmem>> -> memref<1x4096xi32, #tpu.memory_space<vmem>>
      %dma_start3A_705 = tpu.memref_squeeze %dma_start3A_704 : memref<1x4096xi32, #tpu.memory_space<vmem>> -> memref<4096xi32, #tpu.memory_space<vmem>>
      %dma_start3A_706 = arith.constant 0 : i32
      %dma_start3A_707 = tpu.memref_slice %arg7[%dma_start3A_706] : memref<500000xf32, #tpu.memory_space<vmem_shared>> -> memref<100000xf32, #tpu.memory_space<vmem_shared>>
      %dma_start3A_708 = arith.constant 0 : i32
      %dma_start3A_709 = tpu.memref_slice %dma_start3A_707[%dma_start3A_708] : memref<100000xf32, #tpu.memory_space<vmem_shared>> -> memref<100000xf32, #tpu.memory_space<vmem_shared>>
      tpu.enqueue_indirect_dma source(%dma_start3A_709 : memref<100000xf32, #tpu.memory_space<vmem_shared>>) target(%dma_start3A_702 : memref<4096xf32, #tpu.memory_space<vmem>>) offsets(%dma_start3A_705 : memref<4096xi32, #tpu.memory_space<vmem>>) semaphore(%arg8 : memref<!tpu.dma_semaphore, #tpu.memory_space<semaphore_mem>>)
      %dma_start3A_710 = arith.constant 1 : i32
      %dma_start3A_711 = arith.constant 1 : i32
      %dma_start3A_712 = arith.constant 0 : i32
      %dma_start3A_713 = tpu.memref_slice %arg6[%dma_start3A_711, %dma_start3A_712] : memref<2x20480xf32, #tpu.memory_space<vmem>> -> memref<1x20480xf32, #tpu.memory_space<vmem>>
      %dma_start3A_714 = tpu.memref_squeeze %dma_start3A_713 : memref<1x20480xf32, #tpu.memory_space<vmem>> -> memref<20480xf32, #tpu.memory_space<vmem>>
      %dma_start3A_715 = arith.constant 4096 : i32
      %dma_start3A_716 = tpu.memref_slice %dma_start3A_714[%dma_start3A_715] : memref<20480xf32, #tpu.memory_space<vmem>> -> memref<4096xf32, #tpu.memory_space<vmem>>
      %dma_start3A_717 = arith.constant 0 : i32
      %dma_start3A_718 = tpu.memref_slice %arg5[%dma_start3A_710, %dma_start3A_717] : memref<2x4096xi32, #tpu.memory_space<vmem>> -> memref<1x4096xi32, #tpu.memory_space<vmem>>
      %dma_start3A_719 = tpu.memref_squeeze %dma_start3A_718 : memref<1x4096xi32, #tpu.memory_space<vmem>> -> memref<4096xi32, #tpu.memory_space<vmem>>
      %dma_start3A_720 = arith.constant 100000 : i32
      %dma_start3A_721 = tpu.memref_slice %arg7[%dma_start3A_720] : memref<500000xf32, #tpu.memory_space<vmem_shared>> -> memref<100000xf32, #tpu.memory_space<vmem_shared>>
      %dma_start3A_722 = arith.constant 0 : i32
      %dma_start3A_723 = tpu.memref_slice %dma_start3A_721[%dma_start3A_722] : memref<100000xf32, #tpu.memory_space<vmem_shared>> -> memref<100000xf32, #tpu.memory_space<vmem_shared>>
      tpu.enqueue_indirect_dma source(%dma_start3A_723 : memref<100000xf32, #tpu.memory_space<vmem_shared>>) target(%dma_start3A_716 : memref<4096xf32, #tpu.memory_space<vmem>>) offsets(%dma_start3A_719 : memref<4096xi32, #tpu.memory_space<vmem>>) semaphore(%arg8 : memref<!tpu.dma_semaphore, #tpu.memory_space<semaphore_mem>>)
      %dma_start3A_724 = arith.constant 1 : i32
      %dma_start3A_725 = arith.constant 1 : i32
      %dma_start3A_726 = arith.constant 0 : i32
      %dma_start3A_727 = tpu.memref_slice %arg6[%dma_start3A_725, %dma_start3A_726] : memref<2x20480xf32, #tpu.memory_space<vmem>> -> memref<1x20480xf32, #tpu.memory_space<vmem>>
      %dma_start3A_728 = tpu.memref_squeeze %dma_start3A_727 : memref<1x20480xf32, #tpu.memory_space<vmem>> -> memref<20480xf32, #tpu.memory_space<vmem>>
      %dma_start3A_729 = arith.constant 8192 : i32
      %dma_start3A_730 = tpu.memref_slice %dma_start3A_728[%dma_start3A_729] : memref<20480xf32, #tpu.memory_space<vmem>> -> memref<4096xf32, #tpu.memory_space<vmem>>
      %dma_start3A_731 = arith.constant 0 : i32
      %dma_start3A_732 = tpu.memref_slice %arg5[%dma_start3A_724, %dma_start3A_731] : memref<2x4096xi32, #tpu.memory_space<vmem>> -> memref<1x4096xi32, #tpu.memory_space<vmem>>
      %dma_start3A_733 = tpu.memref_squeeze %dma_start3A_732 : memref<1x4096xi32, #tpu.memory_space<vmem>> -> memref<4096xi32, #tpu.memory_space<vmem>>
      %dma_start3A_734 = arith.constant 200000 : i32
      %dma_start3A_735 = tpu.memref_slice %arg7[%dma_start3A_734] : memref<500000xf32, #tpu.memory_space<vmem_shared>> -> memref<100000xf32, #tpu.memory_space<vmem_shared>>
      %dma_start3A_736 = arith.constant 0 : i32
      %dma_start3A_737 = tpu.memref_slice %dma_start3A_735[%dma_start3A_736] : memref<100000xf32, #tpu.memory_space<vmem_shared>> -> memref<100000xf32, #tpu.memory_space<vmem_shared>>
      tpu.enqueue_indirect_dma source(%dma_start3A_737 : memref<100000xf32, #tpu.memory_space<vmem_shared>>) target(%dma_start3A_730 : memref<4096xf32, #tpu.memory_space<vmem>>) offsets(%dma_start3A_733 : memref<4096xi32, #tpu.memory_space<vmem>>) semaphore(%arg8 : memref<!tpu.dma_semaphore, #tpu.memory_space<semaphore_mem>>)
      %dma_start3A_738 = arith.constant 1 : i32
      %dma_start3A_739 = arith.constant 1 : i32
      %dma_start3A_740 = arith.constant 0 : i32
      %dma_start3A_741 = tpu.memref_slice %arg6[%dma_start3A_739, %dma_start3A_740] : memref<2x20480xf32, #tpu.memory_space<vmem>> -> memref<1x20480xf32, #tpu.memory_space<vmem>>
      %dma_start3A_742 = tpu.memref_squeeze %dma_start3A_741 : memref<1x20480xf32, #tpu.memory_space<vmem>> -> memref<20480xf32, #tpu.memory_space<vmem>>
      %dma_start3A_743 = arith.constant 12288 : i32
      %dma_start3A_744 = tpu.memref_slice %dma_start3A_742[%dma_start3A_743] : memref<20480xf32, #tpu.memory_space<vmem>> -> memref<4096xf32, #tpu.memory_space<vmem>>
      %dma_start3A_745 = arith.constant 0 : i32
      %dma_start3A_746 = tpu.memref_slice %arg5[%dma_start3A_738, %dma_start3A_745] : memref<2x4096xi32, #tpu.memory_space<vmem>> -> memref<1x4096xi32, #tpu.memory_space<vmem>>
      %dma_start3A_747 = tpu.memref_squeeze %dma_start3A_746 : memref<1x4096xi32, #tpu.memory_space<vmem>> -> memref<4096xi32, #tpu.memory_space<vmem>>
      %dma_start3A_748 = arith.constant 300000 : i32
      %dma_start3A_749 = tpu.memref_slice %arg7[%dma_start3A_748] : memref<500000xf32, #tpu.memory_space<vmem_shared>> -> memref<100000xf32, #tpu.memory_space<vmem_shared>>
      %dma_start3A_750 = arith.constant 0 : i32
      %dma_start3A_751 = tpu.memref_slice %dma_start3A_749[%dma_start3A_750] : memref<100000xf32, #tpu.memory_space<vmem_shared>> -> memref<100000xf32, #tpu.memory_space<vmem_shared>>
      tpu.enqueue_indirect_dma source(%dma_start3A_751 : memref<100000xf32, #tpu.memory_space<vmem_shared>>) target(%dma_start3A_744 : memref<4096xf32, #tpu.memory_space<vmem>>) offsets(%dma_start3A_747 : memref<4096xi32, #tpu.memory_space<vmem>>) semaphore(%arg8 : memref<!tpu.dma_semaphore, #tpu.memory_space<semaphore_mem>>)
      %dma_start3A_752 = arith.constant 1 : i32
      %dma_start3A_753 = arith.constant 1 : i32
      %dma_start3A_754 = arith.constant 0 : i32
      %dma_start3A_755 = tpu.memref_slice %arg6[%dma_start3A_753, %dma_start3A_754] : memref<2x20480xf32, #tpu.memory_space<vmem>> -> memref<1x20480xf32, #tpu.memory_space<vmem>>
      %dma_start3A_756 = tpu.memref_squeeze %dma_start3A_755 : memref<1x20480xf32, #tpu.memory_space<vmem>> -> memref<20480xf32, #tpu.memory_space<vmem>>
      %dma_start3A_757 = arith.constant 16384 : i32
      %dma_start3A_758 = tpu.memref_slice %dma_start3A_756[%dma_start3A_757] : memref<20480xf32, #tpu.memory_space<vmem>> -> memref<4096xf32, #tpu.memory_space<vmem>>
      %dma_start3A_759 = arith.constant 0 : i32
      %dma_start3A_760 = tpu.memref_slice %arg5[%dma_start3A_752, %dma_start3A_759] : memref<2x4096xi32, #tpu.memory_space<vmem>> -> memref<1x4096xi32, #tpu.memory_space<vmem>>
      %dma_start3A_761 = tpu.memref_squeeze %dma_start3A_760 : memref<1x4096xi32, #tpu.memory_space<vmem>> -> memref<4096xi32, #tpu.memory_space<vmem>>
      %dma_start3A_762 = arith.constant 400000 : i32
      %dma_start3A_763 = tpu.memref_slice %arg7[%dma_start3A_762] : memref<500000xf32, #tpu.memory_space<vmem_shared>> -> memref<100000xf32, #tpu.memory_space<vmem_shared>>
      %dma_start3A_764 = arith.constant 0 : i32
      %dma_start3A_765 = tpu.memref_slice %dma_start3A_763[%dma_start3A_764] : memref<100000xf32, #tpu.memory_space<vmem_shared>> -> memref<100000xf32, #tpu.memory_space<vmem_shared>>
      tpu.enqueue_indirect_dma source(%dma_start3A_765 : memref<100000xf32, #tpu.memory_space<vmem_shared>>) target(%dma_start3A_758 : memref<4096xf32, #tpu.memory_space<vmem>>) offsets(%dma_start3A_761 : memref<4096xi32, #tpu.memory_space<vmem>>) semaphore(%arg8 : memref<!tpu.dma_semaphore, #tpu.memory_space<semaphore_mem>>)
      %dma_wait3A_766 = arith.constant 1 : i32
      %dma_wait3A_767 = arith.constant 1 : i32
      %dma_wait3A_768 = arith.constant 0 : i32
      %dma_wait3A_769 = tpu.memref_slice %arg6[%dma_wait3A_767, %dma_wait3A_768] : memref<2x20480xf32, #tpu.memory_space<vmem>> -> memref<1x20480xf32, #tpu.memory_space<vmem>>
      %dma_wait3A_770 = tpu.memref_squeeze %dma_wait3A_769 : memref<1x20480xf32, #tpu.memory_space<vmem>> -> memref<20480xf32, #tpu.memory_space<vmem>>
      %dma_wait3A_771 = arith.constant 0 : i32
      %dma_wait3A_772 = tpu.memref_slice %dma_wait3A_770[%dma_wait3A_771] : memref<20480xf32, #tpu.memory_space<vmem>> -> memref<4096xf32, #tpu.memory_space<vmem>>
      %dma_wait3A_773 = arith.constant 0 : i32
      %dma_wait3A_774 = tpu.memref_slice %arg5[%dma_wait3A_766, %dma_wait3A_773] : memref<2x4096xi32, #tpu.memory_space<vmem>> -> memref<1x4096xi32, #tpu.memory_space<vmem>>
      %dma_wait3A_775 = tpu.memref_squeeze %dma_wait3A_774 : memref<1x4096xi32, #tpu.memory_space<vmem>> -> memref<4096xi32, #tpu.memory_space<vmem>>
      %dma_wait3A_776 = arith.constant 0 : i32
      %dma_wait3A_777 = tpu.memref_slice %arg7[%dma_wait3A_776] : memref<500000xf32, #tpu.memory_space<vmem_shared>> -> memref<100000xf32, #tpu.memory_space<vmem_shared>>
      %dma_wait3A_778 = arith.constant 0 : i32
      %dma_wait3A_779 = tpu.memref_slice %dma_wait3A_777[%dma_wait3A_778] : memref<100000xf32, #tpu.memory_space<vmem_shared>> -> memref<100000xf32, #tpu.memory_space<vmem_shared>>
      tpu.wait_indirect_dma semaphore(%arg8 : memref<!tpu.dma_semaphore, #tpu.memory_space<semaphore_mem>>) src(%dma_wait3A_779 : memref<100000xf32, #tpu.memory_space<vmem_shared>>) dst(%dma_wait3A_772 : memref<4096xf32, #tpu.memory_space<vmem>>)
      %dma_wait3A_780 = arith.constant 1 : i32
      %dma_wait3A_781 = arith.constant 1 : i32
      %dma_wait3A_782 = arith.constant 0 : i32
      %dma_wait3A_783 = tpu.memref_slice %arg6[%dma_wait3A_781, %dma_wait3A_782] : memref<2x20480xf32, #tpu.memory_space<vmem>> -> memref<1x20480xf32, #tpu.memory_space<vmem>>
      %dma_wait3A_784 = tpu.memref_squeeze %dma_wait3A_783 : memref<1x20480xf32, #tpu.memory_space<vmem>> -> memref<20480xf32, #tpu.memory_space<vmem>>
      %dma_wait3A_785 = arith.constant 4096 : i32
      %dma_wait3A_786 = tpu.memref_slice %dma_wait3A_784[%dma_wait3A_785] : memref<20480xf32, #tpu.memory_space<vmem>> -> memref<4096xf32, #tpu.memory_space<vmem>>
      %dma_wait3A_787 = arith.constant 0 : i32
      %dma_wait3A_788 = tpu.memref_slice %arg5[%dma_wait3A_780, %dma_wait3A_787] : memref<2x4096xi32, #tpu.memory_space<vmem>> -> memref<1x4096xi32, #tpu.memory_space<vmem>>
      %dma_wait3A_789 = tpu.memref_squeeze %dma_wait3A_788 : memref<1x4096xi32, #tpu.memory_space<vmem>> -> memref<4096xi32, #tpu.memory_space<vmem>>
      %dma_wait3A_790 = arith.constant 100000 : i32
      %dma_wait3A_791 = tpu.memref_slice %arg7[%dma_wait3A_790] : memref<500000xf32, #tpu.memory_space<vmem_shared>> -> memref<100000xf32, #tpu.memory_space<vmem_shared>>
      %dma_wait3A_792 = arith.constant 0 : i32
      %dma_wait3A_793 = tpu.memref_slice %dma_wait3A_791[%dma_wait3A_792] : memref<100000xf32, #tpu.memory_space<vmem_shared>> -> memref<100000xf32, #tpu.memory_space<vmem_shared>>
      tpu.wait_indirect_dma semaphore(%arg8 : memref<!tpu.dma_semaphore, #tpu.memory_space<semaphore_mem>>) src(%dma_wait3A_793 : memref<100000xf32, #tpu.memory_space<vmem_shared>>) dst(%dma_wait3A_786 : memref<4096xf32, #tpu.memory_space<vmem>>)
      %dma_wait3A_794 = arith.constant 1 : i32
      %dma_wait3A_795 = arith.constant 1 : i32
      %dma_wait3A_796 = arith.constant 0 : i32
      %dma_wait3A_797 = tpu.memref_slice %arg6[%dma_wait3A_795, %dma_wait3A_796] : memref<2x20480xf32, #tpu.memory_space<vmem>> -> memref<1x20480xf32, #tpu.memory_space<vmem>>
      %dma_wait3A_798 = tpu.memref_squeeze %dma_wait3A_797 : memref<1x20480xf32, #tpu.memory_space<vmem>> -> memref<20480xf32, #tpu.memory_space<vmem>>
      %dma_wait3A_799 = arith.constant 8192 : i32
      %dma_wait3A_800 = tpu.memref_slice %dma_wait3A_798[%dma_wait3A_799] : memref<20480xf32, #tpu.memory_space<vmem>> -> memref<4096xf32, #tpu.memory_space<vmem>>
      %dma_wait3A_801 = arith.constant 0 : i32
      %dma_wait3A_802 = tpu.memref_slice %arg5[%dma_wait3A_794, %dma_wait3A_801] : memref<2x4096xi32, #tpu.memory_space<vmem>> -> memref<1x4096xi32, #tpu.memory_space<vmem>>
      %dma_wait3A_803 = tpu.memref_squeeze %dma_wait3A_802 : memref<1x4096xi32, #tpu.memory_space<vmem>> -> memref<4096xi32, #tpu.memory_space<vmem>>
      %dma_wait3A_804 = arith.constant 200000 : i32
      %dma_wait3A_805 = tpu.memref_slice %arg7[%dma_wait3A_804] : memref<500000xf32, #tpu.memory_space<vmem_shared>> -> memref<100000xf32, #tpu.memory_space<vmem_shared>>
      %dma_wait3A_806 = arith.constant 0 : i32
      %dma_wait3A_807 = tpu.memref_slice %dma_wait3A_805[%dma_wait3A_806] : memref<100000xf32, #tpu.memory_space<vmem_shared>> -> memref<100000xf32, #tpu.memory_space<vmem_shared>>
      tpu.wait_indirect_dma semaphore(%arg8 : memref<!tpu.dma_semaphore, #tpu.memory_space<semaphore_mem>>) src(%dma_wait3A_807 : memref<100000xf32, #tpu.memory_space<vmem_shared>>) dst(%dma_wait3A_800 : memref<4096xf32, #tpu.memory_space<vmem>>)
      %dma_wait3A_808 = arith.constant 1 : i32
      %dma_wait3A_809 = arith.constant 1 : i32
      %dma_wait3A_810 = arith.constant 0 : i32
      %dma_wait3A_811 = tpu.memref_slice %arg6[%dma_wait3A_809, %dma_wait3A_810] : memref<2x20480xf32, #tpu.memory_space<vmem>> -> memref<1x20480xf32, #tpu.memory_space<vmem>>
      %dma_wait3A_812 = tpu.memref_squeeze %dma_wait3A_811 : memref<1x20480xf32, #tpu.memory_space<vmem>> -> memref<20480xf32, #tpu.memory_space<vmem>>
      %dma_wait3A_813 = arith.constant 12288 : i32
      %dma_wait3A_814 = tpu.memref_slice %dma_wait3A_812[%dma_wait3A_813] : memref<20480xf32, #tpu.memory_space<vmem>> -> memref<4096xf32, #tpu.memory_space<vmem>>
      %dma_wait3A_815 = arith.constant 0 : i32
      %dma_wait3A_816 = tpu.memref_slice %arg5[%dma_wait3A_808, %dma_wait3A_815] : memref<2x4096xi32, #tpu.memory_space<vmem>> -> memref<1x4096xi32, #tpu.memory_space<vmem>>
      %dma_wait3A_817 = tpu.memref_squeeze %dma_wait3A_816 : memref<1x4096xi32, #tpu.memory_space<vmem>> -> memref<4096xi32, #tpu.memory_space<vmem>>
      %dma_wait3A_818 = arith.constant 300000 : i32
      %dma_wait3A_819 = tpu.memref_slice %arg7[%dma_wait3A_818] : memref<500000xf32, #tpu.memory_space<vmem_shared>> -> memref<100000xf32, #tpu.memory_space<vmem_shared>>
      %dma_wait3A_820 = arith.constant 0 : i32
      %dma_wait3A_821 = tpu.memref_slice %dma_wait3A_819[%dma_wait3A_820] : memref<100000xf32, #tpu.memory_space<vmem_shared>> -> memref<100000xf32, #tpu.memory_space<vmem_shared>>
      tpu.wait_indirect_dma semaphore(%arg8 : memref<!tpu.dma_semaphore, #tpu.memory_space<semaphore_mem>>) src(%dma_wait3A_821 : memref<100000xf32, #tpu.memory_space<vmem_shared>>) dst(%dma_wait3A_814 : memref<4096xf32, #tpu.memory_space<vmem>>)
      %dma_wait3A_822 = arith.constant 1 : i32
      %dma_wait3A_823 = arith.constant 1 : i32
      %dma_wait3A_824 = arith.constant 0 : i32
      %dma_wait3A_825 = tpu.memref_slice %arg6[%dma_wait3A_823, %dma_wait3A_824] : memref<2x20480xf32, #tpu.memory_space<vmem>> -> memref<1x20480xf32, #tpu.memory_space<vmem>>
      %dma_wait3A_826 = tpu.memref_squeeze %dma_wait3A_825 : memref<1x20480xf32, #tpu.memory_space<vmem>> -> memref<20480xf32, #tpu.memory_space<vmem>>
      %dma_wait3A_827 = arith.constant 16384 : i32
      %dma_wait3A_828 = tpu.memref_slice %dma_wait3A_826[%dma_wait3A_827] : memref<20480xf32, #tpu.memory_space<vmem>> -> memref<4096xf32, #tpu.memory_space<vmem>>
      %dma_wait3A_829 = arith.constant 0 : i32
      %dma_wait3A_830 = tpu.memref_slice %arg5[%dma_wait3A_822, %dma_wait3A_829] : memref<2x4096xi32, #tpu.memory_space<vmem>> -> memref<1x4096xi32, #tpu.memory_space<vmem>>
      %dma_wait3A_831 = tpu.memref_squeeze %dma_wait3A_830 : memref<1x4096xi32, #tpu.memory_space<vmem>> -> memref<4096xi32, #tpu.memory_space<vmem>>
      %dma_wait3A_832 = arith.constant 400000 : i32
      %dma_wait3A_833 = tpu.memref_slice %arg7[%dma_wait3A_832] : memref<500000xf32, #tpu.memory_space<vmem_shared>> -> memref<100000xf32, #tpu.memory_space<vmem_shared>>
      %dma_wait3A_834 = arith.constant 0 : i32
      %dma_wait3A_835 = tpu.memref_slice %dma_wait3A_833[%dma_wait3A_834] : memref<100000xf32, #tpu.memory_space<vmem_shared>> -> memref<100000xf32, #tpu.memory_space<vmem_shared>>
      tpu.wait_indirect_dma semaphore(%arg8 : memref<!tpu.dma_semaphore, #tpu.memory_space<semaphore_mem>>) src(%dma_wait3A_835 : memref<100000xf32, #tpu.memory_space<vmem_shared>>) dst(%dma_wait3A_828 : memref<4096xf32, #tpu.memory_space<vmem>>)
      %jit3A_836 = arith.constant 32 : i32
      %div3A_837 = arith.divsi %add3A_420, %jit3A_836 : i32
      %sign3A_838 = arith.constant 0 : i32
      %sign3A_839 = arith.cmpi sgt, %add3A_420, %sign3A_838 : i32
      %sign3A_840 = arith.extui %sign3A_839 : i1 to i32
      %sign3A_841 = arith.constant 0 : i32
      %sign3A_842 = arith.cmpi slt, %add3A_420, %sign3A_841 : i32
      %sign3A_843 = arith.extui %sign3A_842 : i1 to i32
      %sign3A_844 = arith.subi %sign3A_840, %sign3A_843 : i32
      %sign3A_845 = arith.constant 0 : i32
      %sign3A_846 = arith.cmpi sgt, %jit3A_836, %sign3A_845 : i32
      %sign3A_847 = arith.extui %sign3A_846 : i1 to i32
      %sign3A_848 = arith.constant 0 : i32
      %sign3A_849 = arith.cmpi slt, %jit3A_836, %sign3A_848 : i32
      %sign3A_850 = arith.extui %sign3A_849 : i1 to i32
      %sign3A_851 = arith.subi %sign3A_847, %sign3A_850 : i32
      %ne3A_852 = arith.cmpi ne, %sign3A_844, %sign3A_851 : i32
      %rem3A_853 = arith.remsi %add3A_420, %jit3A_836 : i32
      %ne3A_854 = arith.constant 0 : i32
      %ne3A_855 = arith.cmpi ne, %rem3A_853, %ne3A_854 : i32
      %and3A_856 = arith.andi %ne3A_852, %ne3A_855 : i1
      %sub3A_857 = arith.constant 1 : i32
      %sub3A_858 = arith.subi %div3A_837, %sub3A_857 : i32
      %select_n3A_859 = arith.select %and3A_856, %sub3A_858, %div3A_837 : i32
      %mul3A_860 = arith.constant 32 : i32
      %mul3A_861 = arith.muli %select_n3A_859, %mul3A_860 : i32
      %sub3A_862 = arith.subi %add3A_420, %mul3A_861 : i32
      %mul3A_863 = arith.constant 4 : i32
      %mul3A_864 = arith.muli %sub3A_862, %mul3A_863 : i32
      %add3A_865 = arith.constant 0 : i32
      %add3A_866 = arith.addi %add3A_865, %select_n3A_859 : i32
      %mul3A_867 = arith.constant 128 : i32
      %mul3A_868 = arith.muli %add3A_866, %mul3A_867 : i32
      %add3A_869 = arith.addi %mul3A_868, %mul3A_864 : i32
      %mul3A_870 = arith.constant 1024 : i32
      %mul3A_871 = arith.muli %add3A_869, %mul3A_870 : i32
      %dma_start3A_872 = arith.constant 1 : i32
      %dma_start3A_873 = arith.constant 0 : i32
      %dma_start3A_874 = tpu.memref_slice %arg6[%dma_start3A_872, %dma_start3A_873] : memref<2x20480xf32, #tpu.memory_space<vmem>> -> memref<1x20480xf32, #tpu.memory_space<vmem>>
      %dma_start3A_875 = tpu.memref_squeeze %dma_start3A_874 : memref<1x20480xf32, #tpu.memory_space<vmem>> -> memref<20480xf32, #tpu.memory_space<vmem>>
      %dma_start3A_876 = arith.constant 0 : i32
      %dma_start3A_877 = tpu.memref_slice %dma_start3A_875[%dma_start3A_876] : memref<20480xf32, #tpu.memory_space<vmem>> -> memref<4096xf32, #tpu.memory_space<vmem>>
      %dma_start3A_878 = tpu.memref_slice %arg4[%mul3A_871] : memref<16384000xf32, #tpu.memory_space<hbm>> -> memref<4096xf32, #tpu.memory_space<hbm>>
      %dma_start3A_879 = tpu.memref_slice %arg4[%mul3A_871] : memref<16384000xf32, #tpu.memory_space<hbm>> -> memref<4096xf32, #tpu.memory_space<hbm>>
      %dma_start3A_880 = arith.constant 0 : i32
      %dma_start3A_881 = tpu.memref_slice %arg6[%dma_start3A_872, %dma_start3A_880] : memref<2x20480xf32, #tpu.memory_space<vmem>> -> memref<1x20480xf32, #tpu.memory_space<vmem>>
      %dma_start3A_882 = tpu.memref_squeeze %dma_start3A_881 : memref<1x20480xf32, #tpu.memory_space<vmem>> -> memref<20480xf32, #tpu.memory_space<vmem>>
      %dma_start3A_883 = arith.constant 0 : i32
      %dma_start3A_884 = tpu.memref_slice %dma_start3A_882[%dma_start3A_883] : memref<20480xf32, #tpu.memory_space<vmem>> -> memref<4096xf32, #tpu.memory_space<vmem>>
      tpu.enqueue_dma source(%dma_start3A_884 : memref<4096xf32, #tpu.memory_space<vmem>>) target(%dma_start3A_879 : memref<4096xf32, #tpu.memory_space<hbm>>) target_semaphore(%arg9 : memref<!tpu.dma_semaphore, #tpu.memory_space<semaphore_mem>>)
      %add3A_885 = arith.constant 25 : i32
      %add3A_886 = arith.addi %add3A_885, %select_n3A_859 : i32
      %mul3A_887 = arith.constant 128 : i32
      %mul3A_888 = arith.muli %add3A_886, %mul3A_887 : i32
      %add3A_889 = arith.addi %mul3A_888, %mul3A_864 : i32
      %mul3A_890 = arith.constant 1024 : i32
      %mul3A_891 = arith.muli %add3A_889, %mul3A_890 : i32
      %dma_start3A_892 = arith.constant 1 : i32
      %dma_start3A_893 = arith.constant 0 : i32
      %dma_start3A_894 = tpu.memref_slice %arg6[%dma_start3A_892, %dma_start3A_893] : memref<2x20480xf32, #tpu.memory_space<vmem>> -> memref<1x20480xf32, #tpu.memory_space<vmem>>
      %dma_start3A_895 = tpu.memref_squeeze %dma_start3A_894 : memref<1x20480xf32, #tpu.memory_space<vmem>> -> memref<20480xf32, #tpu.memory_space<vmem>>
      %dma_start3A_896 = arith.constant 4096 : i32
      %dma_start3A_897 = tpu.memref_slice %dma_start3A_895[%dma_start3A_896] : memref<20480xf32, #tpu.memory_space<vmem>> -> memref<4096xf32, #tpu.memory_space<vmem>>
      %dma_start3A_898 = tpu.memref_slice %arg4[%mul3A_891] : memref<16384000xf32, #tpu.memory_space<hbm>> -> memref<4096xf32, #tpu.memory_space<hbm>>
      %dma_start3A_899 = tpu.memref_slice %arg4[%mul3A_891] : memref<16384000xf32, #tpu.memory_space<hbm>> -> memref<4096xf32, #tpu.memory_space<hbm>>
      %dma_start3A_900 = arith.constant 0 : i32
      %dma_start3A_901 = tpu.memref_slice %arg6[%dma_start3A_892, %dma_start3A_900] : memref<2x20480xf32, #tpu.memory_space<vmem>> -> memref<1x20480xf32, #tpu.memory_space<vmem>>
      %dma_start3A_902 = tpu.memref_squeeze %dma_start3A_901 : memref<1x20480xf32, #tpu.memory_space<vmem>> -> memref<20480xf32, #tpu.memory_space<vmem>>
      %dma_start3A_903 = arith.constant 4096 : i32
      %dma_start3A_904 = tpu.memref_slice %dma_start3A_902[%dma_start3A_903] : memref<20480xf32, #tpu.memory_space<vmem>> -> memref<4096xf32, #tpu.memory_space<vmem>>
      tpu.enqueue_dma source(%dma_start3A_904 : memref<4096xf32, #tpu.memory_space<vmem>>) target(%dma_start3A_899 : memref<4096xf32, #tpu.memory_space<hbm>>) target_semaphore(%arg9 : memref<!tpu.dma_semaphore, #tpu.memory_space<semaphore_mem>>)
      %add3A_905 = arith.constant 50 : i32
      %add3A_906 = arith.addi %add3A_905, %select_n3A_859 : i32
      %mul3A_907 = arith.constant 128 : i32
      %mul3A_908 = arith.muli %add3A_906, %mul3A_907 : i32
      %add3A_909 = arith.addi %mul3A_908, %mul3A_864 : i32
      %mul3A_910 = arith.constant 1024 : i32
      %mul3A_911 = arith.muli %add3A_909, %mul3A_910 : i32
      %dma_start3A_912 = arith.constant 1 : i32
      %dma_start3A_913 = arith.constant 0 : i32
      %dma_start3A_914 = tpu.memref_slice %arg6[%dma_start3A_912, %dma_start3A_913] : memref<2x20480xf32, #tpu.memory_space<vmem>> -> memref<1x20480xf32, #tpu.memory_space<vmem>>
      %dma_start3A_915 = tpu.memref_squeeze %dma_start3A_914 : memref<1x20480xf32, #tpu.memory_space<vmem>> -> memref<20480xf32, #tpu.memory_space<vmem>>
      %dma_start3A_916 = arith.constant 8192 : i32
      %dma_start3A_917 = tpu.memref_slice %dma_start3A_915[%dma_start3A_916] : memref<20480xf32, #tpu.memory_space<vmem>> -> memref<4096xf32, #tpu.memory_space<vmem>>
      %dma_start3A_918 = tpu.memref_slice %arg4[%mul3A_911] : memref<16384000xf32, #tpu.memory_space<hbm>> -> memref<4096xf32, #tpu.memory_space<hbm>>
      %dma_start3A_919 = tpu.memref_slice %arg4[%mul3A_911] : memref<16384000xf32, #tpu.memory_space<hbm>> -> memref<4096xf32, #tpu.memory_space<hbm>>
      %dma_start3A_920 = arith.constant 0 : i32
      %dma_start3A_921 = tpu.memref_slice %arg6[%dma_start3A_912, %dma_start3A_920] : memref<2x20480xf32, #tpu.memory_space<vmem>> -> memref<1x20480xf32, #tpu.memory_space<vmem>>
      %dma_start3A_922 = tpu.memref_squeeze %dma_start3A_921 : memref<1x20480xf32, #tpu.memory_space<vmem>> -> memref<20480xf32, #tpu.memory_space<vmem>>
      %dma_start3A_923 = arith.constant 8192 : i32
      %dma_start3A_924 = tpu.memref_slice %dma_start3A_922[%dma_start3A_923] : memref<20480xf32, #tpu.memory_space<vmem>> -> memref<4096xf32, #tpu.memory_space<vmem>>
      tpu.enqueue_dma source(%dma_start3A_924 : memref<4096xf32, #tpu.memory_space<vmem>>) target(%dma_start3A_919 : memref<4096xf32, #tpu.memory_space<hbm>>) target_semaphore(%arg9 : memref<!tpu.dma_semaphore, #tpu.memory_space<semaphore_mem>>)
      %add3A_925 = arith.constant 75 : i32
      %add3A_926 = arith.addi %add3A_925, %select_n3A_859 : i32
      %mul3A_927 = arith.constant 128 : i32
      %mul3A_928 = arith.muli %add3A_926, %mul3A_927 : i32
      %add3A_929 = arith.addi %mul3A_928, %mul3A_864 : i32
      %mul3A_930 = arith.constant 1024 : i32
      %mul3A_931 = arith.muli %add3A_929, %mul3A_930 : i32
      %dma_start3A_932 = arith.constant 1 : i32
      %dma_start3A_933 = arith.constant 0 : i32
      %dma_start3A_934 = tpu.memref_slice %arg6[%dma_start3A_932, %dma_start3A_933] : memref<2x20480xf32, #tpu.memory_space<vmem>> -> memref<1x20480xf32, #tpu.memory_space<vmem>>
      %dma_start3A_935 = tpu.memref_squeeze %dma_start3A_934 : memref<1x20480xf32, #tpu.memory_space<vmem>> -> memref<20480xf32, #tpu.memory_space<vmem>>
      %dma_start3A_936 = arith.constant 12288 : i32
      %dma_start3A_937 = tpu.memref_slice %dma_start3A_935[%dma_start3A_936] : memref<20480xf32, #tpu.memory_space<vmem>> -> memref<4096xf32, #tpu.memory_space<vmem>>
      %dma_start3A_938 = tpu.memref_slice %arg4[%mul3A_931] : memref<16384000xf32, #tpu.memory_space<hbm>> -> memref<4096xf32, #tpu.memory_space<hbm>>
      %dma_start3A_939 = tpu.memref_slice %arg4[%mul3A_931] : memref<16384000xf32, #tpu.memory_space<hbm>> -> memref<4096xf32, #tpu.memory_space<hbm>>
      %dma_start3A_940 = arith.constant 0 : i32
      %dma_start3A_941 = tpu.memref_slice %arg6[%dma_start3A_932, %dma_start3A_940] : memref<2x20480xf32, #tpu.memory_space<vmem>> -> memref<1x20480xf32, #tpu.memory_space<vmem>>
      %dma_start3A_942 = tpu.memref_squeeze %dma_start3A_941 : memref<1x20480xf32, #tpu.memory_space<vmem>> -> memref<20480xf32, #tpu.memory_space<vmem>>
      %dma_start3A_943 = arith.constant 12288 : i32
      %dma_start3A_944 = tpu.memref_slice %dma_start3A_942[%dma_start3A_943] : memref<20480xf32, #tpu.memory_space<vmem>> -> memref<4096xf32, #tpu.memory_space<vmem>>
      tpu.enqueue_dma source(%dma_start3A_944 : memref<4096xf32, #tpu.memory_space<vmem>>) target(%dma_start3A_939 : memref<4096xf32, #tpu.memory_space<hbm>>) target_semaphore(%arg9 : memref<!tpu.dma_semaphore, #tpu.memory_space<semaphore_mem>>)
      %add3A_945 = arith.constant 100 : i32
      %add3A_946 = arith.addi %add3A_945, %select_n3A_859 : i32
      %mul3A_947 = arith.constant 128 : i32
      %mul3A_948 = arith.muli %add3A_946, %mul3A_947 : i32
      %add3A_949 = arith.addi %mul3A_948, %mul3A_864 : i32
      %mul3A_950 = arith.constant 1024 : i32
      %mul3A_951 = arith.muli %add3A_949, %mul3A_950 : i32
      %dma_start3A_952 = arith.constant 1 : i32
      %dma_start3A_953 = arith.constant 0 : i32
      %dma_start3A_954 = tpu.memref_slice %arg6[%dma_start3A_952, %dma_start3A_953] : memref<2x20480xf32, #tpu.memory_space<vmem>> -> memref<1x20480xf32, #tpu.memory_space<vmem>>
      %dma_start3A_955 = tpu.memref_squeeze %dma_start3A_954 : memref<1x20480xf32, #tpu.memory_space<vmem>> -> memref<20480xf32, #tpu.memory_space<vmem>>
      %dma_start3A_956 = arith.constant 16384 : i32
      %dma_start3A_957 = tpu.memref_slice %dma_start3A_955[%dma_start3A_956] : memref<20480xf32, #tpu.memory_space<vmem>> -> memref<4096xf32, #tpu.memory_space<vmem>>
      %dma_start3A_958 = tpu.memref_slice %arg4[%mul3A_951] : memref<16384000xf32, #tpu.memory_space<hbm>> -> memref<4096xf32, #tpu.memory_space<hbm>>
      %dma_start3A_959 = tpu.memref_slice %arg4[%mul3A_951] : memref<16384000xf32, #tpu.memory_space<hbm>> -> memref<4096xf32, #tpu.memory_space<hbm>>
      %dma_start3A_960 = arith.constant 0 : i32
      %dma_start3A_961 = tpu.memref_slice %arg6[%dma_start3A_952, %dma_start3A_960] : memref<2x20480xf32, #tpu.memory_space<vmem>> -> memref<1x20480xf32, #tpu.memory_space<vmem>>
      %dma_start3A_962 = tpu.memref_squeeze %dma_start3A_961 : memref<1x20480xf32, #tpu.memory_space<vmem>> -> memref<20480xf32, #tpu.memory_space<vmem>>
      %dma_start3A_963 = arith.constant 16384 : i32
      %dma_start3A_964 = tpu.memref_slice %dma_start3A_962[%dma_start3A_963] : memref<20480xf32, #tpu.memory_space<vmem>> -> memref<4096xf32, #tpu.memory_space<vmem>>
      tpu.enqueue_dma source(%dma_start3A_964 : memref<4096xf32, #tpu.memory_space<vmem>>) target(%dma_start3A_959 : memref<4096xf32, #tpu.memory_space<hbm>>) target_semaphore(%arg9 : memref<!tpu.dma_semaphore, #tpu.memory_space<semaphore_mem>>)
      %dma_wait3A_965 = arith.constant 0 : i32
      %dma_wait3A_966 = arith.constant 0 : i32
      %dma_wait3A_967 = tpu.memref_slice %arg6[%dma_wait3A_965, %dma_wait3A_966] : memref<2x20480xf32, #tpu.memory_space<vmem>> -> memref<1x20480xf32, #tpu.memory_space<vmem>>
      %dma_wait3A_968 = tpu.memref_squeeze %dma_wait3A_967 : memref<1x20480xf32, #tpu.memory_space<vmem>> -> memref<20480xf32, #tpu.memory_space<vmem>>
      %dma_wait3A_969 = arith.constant 0 : i32
      %dma_wait3A_970 = tpu.memref_slice %dma_wait3A_968[%dma_wait3A_969] : memref<20480xf32, #tpu.memory_space<vmem>> -> memref<4096xf32, #tpu.memory_space<vmem>>
      %dma_wait3A_971 = tpu.memref_slice %arg4[%mul3A_599] : memref<16384000xf32, #tpu.memory_space<hbm>> -> memref<4096xf32, #tpu.memory_space<hbm>>
      %dma_wait3A_972 = tpu.memref_slice %arg4[%mul3A_599] : memref<16384000xf32, #tpu.memory_space<hbm>> -> memref<4096xf32, #tpu.memory_space<hbm>>
      %dma_wait3A_973 = arith.constant 0 : i32
      %dma_wait3A_974 = tpu.memref_slice %arg6[%dma_wait3A_965, %dma_wait3A_973] : memref<2x20480xf32, #tpu.memory_space<vmem>> -> memref<1x20480xf32, #tpu.memory_space<vmem>>
      %dma_wait3A_975 = tpu.memref_squeeze %dma_wait3A_974 : memref<1x20480xf32, #tpu.memory_space<vmem>> -> memref<20480xf32, #tpu.memory_space<vmem>>
      %dma_wait3A_976 = arith.constant 0 : i32
      %dma_wait3A_977 = tpu.memref_slice %dma_wait3A_975[%dma_wait3A_976] : memref<20480xf32, #tpu.memory_space<vmem>> -> memref<4096xf32, #tpu.memory_space<vmem>>
      tpu.wait_dma2 semaphore(%arg9 : memref<!tpu.dma_semaphore, #tpu.memory_space<semaphore_mem>>) src(%dma_wait3A_977 : memref<4096xf32, #tpu.memory_space<vmem>>) dst(%dma_wait3A_972 : memref<4096xf32, #tpu.memory_space<hbm>>)
      %dma_wait3A_978 = arith.constant 0 : i32
      %dma_wait3A_979 = arith.constant 0 : i32
      %dma_wait3A_980 = tpu.memref_slice %arg6[%dma_wait3A_978, %dma_wait3A_979] : memref<2x20480xf32, #tpu.memory_space<vmem>> -> memref<1x20480xf32, #tpu.memory_space<vmem>>
      %dma_wait3A_981 = tpu.memref_squeeze %dma_wait3A_980 : memref<1x20480xf32, #tpu.memory_space<vmem>> -> memref<20480xf32, #tpu.memory_space<vmem>>
      %dma_wait3A_982 = arith.constant 4096 : i32
      %dma_wait3A_983 = tpu.memref_slice %dma_wait3A_981[%dma_wait3A_982] : memref<20480xf32, #tpu.memory_space<vmem>> -> memref<4096xf32, #tpu.memory_space<vmem>>
      %dma_wait3A_984 = tpu.memref_slice %arg4[%mul3A_619] : memref<16384000xf32, #tpu.memory_space<hbm>> -> memref<4096xf32, #tpu.memory_space<hbm>>
      %dma_wait3A_985 = tpu.memref_slice %arg4[%mul3A_619] : memref<16384000xf32, #tpu.memory_space<hbm>> -> memref<4096xf32, #tpu.memory_space<hbm>>
      %dma_wait3A_986 = arith.constant 0 : i32
      %dma_wait3A_987 = tpu.memref_slice %arg6[%dma_wait3A_978, %dma_wait3A_986] : memref<2x20480xf32, #tpu.memory_space<vmem>> -> memref<1x20480xf32, #tpu.memory_space<vmem>>
      %dma_wait3A_988 = tpu.memref_squeeze %dma_wait3A_987 : memref<1x20480xf32, #tpu.memory_space<vmem>> -> memref<20480xf32, #tpu.memory_space<vmem>>
      %dma_wait3A_989 = arith.constant 4096 : i32
      %dma_wait3A_990 = tpu.memref_slice %dma_wait3A_988[%dma_wait3A_989] : memref<20480xf32, #tpu.memory_space<vmem>> -> memref<4096xf32, #tpu.memory_space<vmem>>
      tpu.wait_dma2 semaphore(%arg9 : memref<!tpu.dma_semaphore, #tpu.memory_space<semaphore_mem>>) src(%dma_wait3A_990 : memref<4096xf32, #tpu.memory_space<vmem>>) dst(%dma_wait3A_985 : memref<4096xf32, #tpu.memory_space<hbm>>)
      %dma_wait3A_991 = arith.constant 0 : i32
      %dma_wait3A_992 = arith.constant 0 : i32
      %dma_wait3A_993 = tpu.memref_slice %arg6[%dma_wait3A_991, %dma_wait3A_992] : memref<2x20480xf32, #tpu.memory_space<vmem>> -> memref<1x20480xf32, #tpu.memory_space<vmem>>
      %dma_wait3A_994 = tpu.memref_squeeze %dma_wait3A_993 : memref<1x20480xf32, #tpu.memory_space<vmem>> -> memref<20480xf32, #tpu.memory_space<vmem>>
      %dma_wait3A_995 = arith.constant 8192 : i32
      %dma_wait3A_996 = tpu.memref_slice %dma_wait3A_994[%dma_wait3A_995] : memref<20480xf32, #tpu.memory_space<vmem>> -> memref<4096xf32, #tpu.memory_space<vmem>>
      %dma_wait3A_997 = tpu.memref_slice %arg4[%mul3A_639] : memref<16384000xf32, #tpu.memory_space<hbm>> -> memref<4096xf32, #tpu.memory_space<hbm>>
      %dma_wait3A_998 = tpu.memref_slice %arg4[%mul3A_639] : memref<16384000xf32, #tpu.memory_space<hbm>> -> memref<4096xf32, #tpu.memory_space<hbm>>
      %dma_wait3A_999 = arith.constant 0 : i32
      %dma_wait3A_1000 = tpu.memref_slice %arg6[%dma_wait3A_991, %dma_wait3A_999] : memref<2x20480xf32, #tpu.memory_space<vmem>> -> memref<1x20480xf32, #tpu.memory_space<vmem>>
      %dma_wait3A_1001 = tpu.memref_squeeze %dma_wait3A_1000 : memref<1x20480xf32, #tpu.memory_space<vmem>> -> memref<20480xf32, #tpu.memory_space<vmem>>
      %dma_wait3A_1002 = arith.constant 8192 : i32
      %dma_wait3A_1003 = tpu.memref_slice %dma_wait3A_1001[%dma_wait3A_1002] : memref<20480xf32, #tpu.memory_space<vmem>> -> memref<4096xf32, #tpu.memory_space<vmem>>
      tpu.wait_dma2 semaphore(%arg9 : memref<!tpu.dma_semaphore, #tpu.memory_space<semaphore_mem>>) src(%dma_wait3A_1003 : memref<4096xf32, #tpu.memory_space<vmem>>) dst(%dma_wait3A_998 : memref<4096xf32, #tpu.memory_space<hbm>>)
      %dma_wait3A_1004 = arith.constant 0 : i32
      %dma_wait3A_1005 = arith.constant 0 : i32
      %dma_wait3A_1006 = tpu.memref_slice %arg6[%dma_wait3A_1004, %dma_wait3A_1005] : memref<2x20480xf32, #tpu.memory_space<vmem>> -> memref<1x20480xf32, #tpu.memory_space<vmem>>
      %dma_wait3A_1007 = tpu.memref_squeeze %dma_wait3A_1006 : memref<1x20480xf32, #tpu.memory_space<vmem>> -> memref<20480xf32, #tpu.memory_space<vmem>>
      %dma_wait3A_1008 = arith.constant 12288 : i32
      %dma_wait3A_1009 = tpu.memref_slice %dma_wait3A_1007[%dma_wait3A_1008] : memref<20480xf32, #tpu.memory_space<vmem>> -> memref<4096xf32, #tpu.memory_space<vmem>>
      %dma_wait3A_1010 = tpu.memref_slice %arg4[%mul3A_659] : memref<16384000xf32, #tpu.memory_space<hbm>> -> memref<4096xf32, #tpu.memory_space<hbm>>
      %dma_wait3A_1011 = tpu.memref_slice %arg4[%mul3A_659] : memref<16384000xf32, #tpu.memory_space<hbm>> -> memref<4096xf32, #tpu.memory_space<hbm>>
      %dma_wait3A_1012 = arith.constant 0 : i32
      %dma_wait3A_1013 = tpu.memref_slice %arg6[%dma_wait3A_1004, %dma_wait3A_1012] : memref<2x20480xf32, #tpu.memory_space<vmem>> -> memref<1x20480xf32, #tpu.memory_space<vmem>>
      %dma_wait3A_1014 = tpu.memref_squeeze %dma_wait3A_1013 : memref<1x20480xf32, #tpu.memory_space<vmem>> -> memref<20480xf32, #tpu.memory_space<vmem>>
      %dma_wait3A_1015 = arith.constant 12288 : i32
      %dma_wait3A_1016 = tpu.memref_slice %dma_wait3A_1014[%dma_wait3A_1015] : memref<20480xf32, #tpu.memory_space<vmem>> -> memref<4096xf32, #tpu.memory_space<vmem>>
      tpu.wait_dma2 semaphore(%arg9 : memref<!tpu.dma_semaphore, #tpu.memory_space<semaphore_mem>>) src(%dma_wait3A_1016 : memref<4096xf32, #tpu.memory_space<vmem>>) dst(%dma_wait3A_1011 : memref<4096xf32, #tpu.memory_space<hbm>>)
      %dma_wait3A_1017 = arith.constant 0 : i32
      %dma_wait3A_1018 = arith.constant 0 : i32
      %dma_wait3A_1019 = tpu.memref_slice %arg6[%dma_wait3A_1017, %dma_wait3A_1018] : memref<2x20480xf32, #tpu.memory_space<vmem>> -> memref<1x20480xf32, #tpu.memory_space<vmem>>
      %dma_wait3A_1020 = tpu.memref_squeeze %dma_wait3A_1019 : memref<1x20480xf32, #tpu.memory_space<vmem>> -> memref<20480xf32, #tpu.memory_space<vmem>>
      %dma_wait3A_1021 = arith.constant 16384 : i32
      %dma_wait3A_1022 = tpu.memref_slice %dma_wait3A_1020[%dma_wait3A_1021] : memref<20480xf32, #tpu.memory_space<vmem>> -> memref<4096xf32, #tpu.memory_space<vmem>>
      %dma_wait3A_1023 = tpu.memref_slice %arg4[%mul3A_679] : memref<16384000xf32, #tpu.memory_space<hbm>> -> memref<4096xf32, #tpu.memory_space<hbm>>
      %dma_wait3A_1024 = tpu.memref_slice %arg4[%mul3A_679] : memref<16384000xf32, #tpu.memory_space<hbm>> -> memref<4096xf32, #tpu.memory_space<hbm>>
      %dma_wait3A_1025 = arith.constant 0 : i32
      %dma_wait3A_1026 = tpu.memref_slice %arg6[%dma_wait3A_1017, %dma_wait3A_1025] : memref<2x20480xf32, #tpu.memory_space<vmem>> -> memref<1x20480xf32, #tpu.memory_space<vmem>>
      %dma_wait3A_1027 = tpu.memref_squeeze %dma_wait3A_1026 : memref<1x20480xf32, #tpu.memory_space<vmem>> -> memref<20480xf32, #tpu.memory_space<vmem>>
      %dma_wait3A_1028 = arith.constant 16384 : i32
      %dma_wait3A_1029 = tpu.memref_slice %dma_wait3A_1027[%dma_wait3A_1028] : memref<20480xf32, #tpu.memory_space<vmem>> -> memref<4096xf32, #tpu.memory_space<vmem>>
      tpu.wait_dma2 semaphore(%arg9 : memref<!tpu.dma_semaphore, #tpu.memory_space<semaphore_mem>>) src(%dma_wait3A_1029 : memref<4096xf32, #tpu.memory_space<vmem>>) dst(%dma_wait3A_1024 : memref<4096xf32, #tpu.memory_space<hbm>>)
      %dma_wait3A_1030 = arith.constant 1 : i32
      %dma_wait3A_1031 = arith.constant 0 : i32
      %dma_wait3A_1032 = tpu.memref_slice %arg6[%dma_wait3A_1030, %dma_wait3A_1031] : memref<2x20480xf32, #tpu.memory_space<vmem>> -> memref<1x20480xf32, #tpu.memory_space<vmem>>
      %dma_wait3A_1033 = tpu.memref_squeeze %dma_wait3A_1032 : memref<1x20480xf32, #tpu.memory_space<vmem>> -> memref<20480xf32, #tpu.memory_space<vmem>>
      %dma_wait3A_1034 = arith.constant 0 : i32
      %dma_wait3A_1035 = tpu.memref_slice %dma_wait3A_1033[%dma_wait3A_1034] : memref<20480xf32, #tpu.memory_space<vmem>> -> memref<4096xf32, #tpu.memory_space<vmem>>
      %dma_wait3A_1036 = tpu.memref_slice %arg4[%mul3A_871] : memref<16384000xf32, #tpu.memory_space<hbm>> -> memref<4096xf32, #tpu.memory_space<hbm>>
      %dma_wait3A_1037 = tpu.memref_slice %arg4[%mul3A_871] : memref<16384000xf32, #tpu.memory_space<hbm>> -> memref<4096xf32, #tpu.memory_space<hbm>>
      %dma_wait3A_1038 = arith.constant 0 : i32
      %dma_wait3A_1039 = tpu.memref_slice %arg6[%dma_wait3A_1030, %dma_wait3A_1038] : memref<2x20480xf32, #tpu.memory_space<vmem>> -> memref<1x20480xf32, #tpu.memory_space<vmem>>
      %dma_wait3A_1040 = tpu.memref_squeeze %dma_wait3A_1039 : memref<1x20480xf32, #tpu.memory_space<vmem>> -> memref<20480xf32, #tpu.memory_space<vmem>>
      %dma_wait3A_1041 = arith.constant 0 : i32
      %dma_wait3A_1042 = tpu.memref_slice %dma_wait3A_1040[%dma_wait3A_1041] : memref<20480xf32, #tpu.memory_space<vmem>> -> memref<4096xf32, #tpu.memory_space<vmem>>
      tpu.wait_dma2 semaphore(%arg9 : memref<!tpu.dma_semaphore, #tpu.memory_space<semaphore_mem>>) src(%dma_wait3A_1042 : memref<4096xf32, #tpu.memory_space<vmem>>) dst(%dma_wait3A_1037 : memref<4096xf32, #tpu.memory_space<hbm>>)
      %dma_wait3A_1043 = arith.constant 1 : i32
      %dma_wait3A_1044 = arith.constant 0 : i32
      %dma_wait3A_1045 = tpu.memref_slice %arg6[%dma_wait3A_1043, %dma_wait3A_1044] : memref<2x20480xf32, #tpu.memory_space<vmem>> -> memref<1x20480xf32, #tpu.memory_space<vmem>>
      %dma_wait3A_1046 = tpu.memref_squeeze %dma_wait3A_1045 : memref<1x20480xf32, #tpu.memory_space<vmem>> -> memref<20480xf32, #tpu.memory_space<vmem>>
      %dma_wait3A_1047 = arith.constant 4096 : i32
      %dma_wait3A_1048 = tpu.memref_slice %dma_wait3A_1046[%dma_wait3A_1047] : memref<20480xf32, #tpu.memory_space<vmem>> -> memref<4096xf32, #tpu.memory_space<vmem>>
      %dma_wait3A_1049 = tpu.memref_slice %arg4[%mul3A_891] : memref<16384000xf32, #tpu.memory_space<hbm>> -> memref<4096xf32, #tpu.memory_space<hbm>>
      %dma_wait3A_1050 = tpu.memref_slice %arg4[%mul3A_891] : memref<16384000xf32, #tpu.memory_space<hbm>> -> memref<4096xf32, #tpu.memory_space<hbm>>
      %dma_wait3A_1051 = arith.constant 0 : i32
      %dma_wait3A_1052 = tpu.memref_slice %arg6[%dma_wait3A_1043, %dma_wait3A_1051] : memref<2x20480xf32, #tpu.memory_space<vmem>> -> memref<1x20480xf32, #tpu.memory_space<vmem>>
      %dma_wait3A_1053 = tpu.memref_squeeze %dma_wait3A_1052 : memref<1x20480xf32, #tpu.memory_space<vmem>> -> memref<20480xf32, #tpu.memory_space<vmem>>
      %dma_wait3A_1054 = arith.constant 4096 : i32
      %dma_wait3A_1055 = tpu.memref_slice %dma_wait3A_1053[%dma_wait3A_1054] : memref<20480xf32, #tpu.memory_space<vmem>> -> memref<4096xf32, #tpu.memory_space<vmem>>
      tpu.wait_dma2 semaphore(%arg9 : memref<!tpu.dma_semaphore, #tpu.memory_space<semaphore_mem>>) src(%dma_wait3A_1055 : memref<4096xf32, #tpu.memory_space<vmem>>) dst(%dma_wait3A_1050 : memref<4096xf32, #tpu.memory_space<hbm>>)
      %dma_wait3A_1056 = arith.constant 1 : i32
      %dma_wait3A_1057 = arith.constant 0 : i32
      %dma_wait3A_1058 = tpu.memref_slice %arg6[%dma_wait3A_1056, %dma_wait3A_1057] : memref<2x20480xf32, #tpu.memory_space<vmem>> -> memref<1x20480xf32, #tpu.memory_space<vmem>>
      %dma_wait3A_1059 = tpu.memref_squeeze %dma_wait3A_1058 : memref<1x20480xf32, #tpu.memory_space<vmem>> -> memref<20480xf32, #tpu.memory_space<vmem>>
      %dma_wait3A_1060 = arith.constant 8192 : i32
      %dma_wait3A_1061 = tpu.memref_slice %dma_wait3A_1059[%dma_wait3A_1060] : memref<20480xf32, #tpu.memory_space<vmem>> -> memref<4096xf32, #tpu.memory_space<vmem>>
      %dma_wait3A_1062 = tpu.memref_slice %arg4[%mul3A_911] : memref<16384000xf32, #tpu.memory_space<hbm>> -> memref<4096xf32, #tpu.memory_space<hbm>>
      %dma_wait3A_1063 = tpu.memref_slice %arg4[%mul3A_911] : memref<16384000xf32, #tpu.memory_space<hbm>> -> memref<4096xf32, #tpu.memory_space<hbm>>
      %dma_wait3A_1064 = arith.constant 0 : i32
      %dma_wait3A_1065 = tpu.memref_slice %arg6[%dma_wait3A_1056, %dma_wait3A_1064] : memref<2x20480xf32, #tpu.memory_space<vmem>> -> memref<1x20480xf32, #tpu.memory_space<vmem>>
      %dma_wait3A_1066 = tpu.memref_squeeze %dma_wait3A_1065 : memref<1x20480xf32, #tpu.memory_space<vmem>> -> memref<20480xf32, #tpu.memory_space<vmem>>
      %dma_wait3A_1067 = arith.constant 8192 : i32
      %dma_wait3A_1068 = tpu.memref_slice %dma_wait3A_1066[%dma_wait3A_1067] : memref<20480xf32, #tpu.memory_space<vmem>> -> memref<4096xf32, #tpu.memory_space<vmem>>
      tpu.wait_dma2 semaphore(%arg9 : memref<!tpu.dma_semaphore, #tpu.memory_space<semaphore_mem>>) src(%dma_wait3A_1068 : memref<4096xf32, #tpu.memory_space<vmem>>) dst(%dma_wait3A_1063 : memref<4096xf32, #tpu.memory_space<hbm>>)
      %dma_wait3A_1069 = arith.constant 1 : i32
      %dma_wait3A_1070 = arith.constant 0 : i32
      %dma_wait3A_1071 = tpu.memref_slice %arg6[%dma_wait3A_1069, %dma_wait3A_1070] : memref<2x20480xf32, #tpu.memory_space<vmem>> -> memref<1x20480xf32, #tpu.memory_space<vmem>>
      %dma_wait3A_1072 = tpu.memref_squeeze %dma_wait3A_1071 : memref<1x20480xf32, #tpu.memory_space<vmem>> -> memref<20480xf32, #tpu.memory_space<vmem>>
      %dma_wait3A_1073 = arith.constant 12288 : i32
      %dma_wait3A_1074 = tpu.memref_slice %dma_wait3A_1072[%dma_wait3A_1073] : memref<20480xf32, #tpu.memory_space<vmem>> -> memref<4096xf32, #tpu.memory_space<vmem>>
      %dma_wait3A_1075 = tpu.memref_slice %arg4[%mul3A_931] : memref<16384000xf32, #tpu.memory_space<hbm>> -> memref<4096xf32, #tpu.memory_space<hbm>>
      %dma_wait3A_1076 = tpu.memref_slice %arg4[%mul3A_931] : memref<16384000xf32, #tpu.memory_space<hbm>> -> memref<4096xf32, #tpu.memory_space<hbm>>
      %dma_wait3A_1077 = arith.constant 0 : i32
      %dma_wait3A_1078 = tpu.memref_slice %arg6[%dma_wait3A_1069, %dma_wait3A_1077] : memref<2x20480xf32, #tpu.memory_space<vmem>> -> memref<1x20480xf32, #tpu.memory_space<vmem>>
      %dma_wait3A_1079 = tpu.memref_squeeze %dma_wait3A_1078 : memref<1x20480xf32, #tpu.memory_space<vmem>> -> memref<20480xf32, #tpu.memory_space<vmem>>
      %dma_wait3A_1080 = arith.constant 12288 : i32
      %dma_wait3A_1081 = tpu.memref_slice %dma_wait3A_1079[%dma_wait3A_1080] : memref<20480xf32, #tpu.memory_space<vmem>> -> memref<4096xf32, #tpu.memory_space<vmem>>
      tpu.wait_dma2 semaphore(%arg9 : memref<!tpu.dma_semaphore, #tpu.memory_space<semaphore_mem>>) src(%dma_wait3A_1081 : memref<4096xf32, #tpu.memory_space<vmem>>) dst(%dma_wait3A_1076 : memref<4096xf32, #tpu.memory_space<hbm>>)
      %dma_wait3A_1082 = arith.constant 1 : i32
      %dma_wait3A_1083 = arith.constant 0 : i32
      %dma_wait3A_1084 = tpu.memref_slice %arg6[%dma_wait3A_1082, %dma_wait3A_1083] : memref<2x20480xf32, #tpu.memory_space<vmem>> -> memref<1x20480xf32, #tpu.memory_space<vmem>>
      %dma_wait3A_1085 = tpu.memref_squeeze %dma_wait3A_1084 : memref<1x20480xf32, #tpu.memory_space<vmem>> -> memref<20480xf32, #tpu.memory_space<vmem>>
      %dma_wait3A_1086 = arith.constant 16384 : i32
      %dma_wait3A_1087 = tpu.memref_slice %dma_wait3A_1085[%dma_wait3A_1086] : memref<20480xf32, #tpu.memory_space<vmem>> -> memref<4096xf32, #tpu.memory_space<vmem>>
      %dma_wait3A_1088 = tpu.memref_slice %arg4[%mul3A_951] : memref<16384000xf32, #tpu.memory_space<hbm>> -> memref<4096xf32, #tpu.memory_space<hbm>>
      %dma_wait3A_1089 = tpu.memref_slice %arg4[%mul3A_951] : memref<16384000xf32, #tpu.memory_space<hbm>> -> memref<4096xf32, #tpu.memory_space<hbm>>
      %dma_wait3A_1090 = arith.constant 0 : i32
      %dma_wait3A_1091 = tpu.memref_slice %arg6[%dma_wait3A_1082, %dma_wait3A_1090] : memref<2x20480xf32, #tpu.memory_space<vmem>> -> memref<1x20480xf32, #tpu.memory_space<vmem>>
      %dma_wait3A_1092 = tpu.memref_squeeze %dma_wait3A_1091 : memref<1x20480xf32, #tpu.memory_space<vmem>> -> memref<20480xf32, #tpu.memory_space<vmem>>
      %dma_wait3A_1093 = arith.constant 16384 : i32
      %dma_wait3A_1094 = tpu.memref_slice %dma_wait3A_1092[%dma_wait3A_1093] : memref<20480xf32, #tpu.memory_space<vmem>> -> memref<4096xf32, #tpu.memory_space<vmem>>
      tpu.wait_dma2 semaphore(%arg9 : memref<!tpu.dma_semaphore, #tpu.memory_space<semaphore_mem>>) src(%dma_wait3A_1094 : memref<4096xf32, #tpu.memory_space<vmem>>) dst(%dma_wait3A_1089 : memref<4096xf32, #tpu.memory_space<hbm>>)
    }
    %scan3A_82 = arith.constant 12 : i32
    %mul3A_83 = arith.constant 25 : i32
    %mul3A_84 = arith.muli %add3A, %mul3A_83 : i32
    %add3A_85 = arith.constant 24 : i32
    %add3A_86 = arith.addi %mul3A_84, %add3A_85 : i32
    %mul3A_87 = arith.constant 4096 : i32
    %mul3A_88 = arith.muli %add3A_86, %mul3A_87 : i32
    %run_scoped3A = arith.constant 0 : i32
    "tpu.region"() ({
      %run_scoped3A_413 = tpu.sem_alloc : memref<!tpu.dma_semaphore, #tpu.memory_space<semaphore_mem>>
      %dma_start3A_414 = arith.constant 0 : i32
      %dma_start3A_415 = tpu.memref_slice %arg5[%run_scoped3A, %dma_start3A_414] : memref<2x4096xi32, #tpu.memory_space<vmem>> -> memref<1x4096xi32, #tpu.memory_space<vmem>>
      %dma_start3A_416 = tpu.memref_squeeze %dma_start3A_415 : memref<1x4096xi32, #tpu.memory_space<vmem>> -> memref<4096xi32, #tpu.memory_space<vmem>>
      %dma_start3A_417 = tpu.memref_slice %arg3[%mul3A_88] : memref<3276800xi32, #tpu.memory_space<hbm>> -> memref<4096xi32, #tpu.memory_space<hbm>>
      %dma_start3A_418 = arith.constant 0 : i32
      %dma_start3A_419 = tpu.memref_slice %arg5[%run_scoped3A, %dma_start3A_418] : memref<2x4096xi32, #tpu.memory_space<vmem>> -> memref<1x4096xi32, #tpu.memory_space<vmem>>
      %dma_start3A_420 = tpu.memref_squeeze %dma_start3A_419 : memref<1x4096xi32, #tpu.memory_space<vmem>> -> memref<4096xi32, #tpu.memory_space<vmem>>
      %dma_start3A_421 = tpu.memref_slice %arg3[%mul3A_88] : memref<3276800xi32, #tpu.memory_space<hbm>> -> memref<4096xi32, #tpu.memory_space<hbm>>
      tpu.enqueue_dma source(%dma_start3A_421 : memref<4096xi32, #tpu.memory_space<hbm>>) target(%dma_start3A_420 : memref<4096xi32, #tpu.memory_space<vmem>>) target_semaphore(%run_scoped3A_413 : memref<!tpu.dma_semaphore, #tpu.memory_space<semaphore_mem>>)
      %dma_wait3A_422 = arith.constant 0 : i32
      %dma_wait3A_423 = tpu.memref_slice %arg5[%run_scoped3A, %dma_wait3A_422] : memref<2x4096xi32, #tpu.memory_space<vmem>> -> memref<1x4096xi32, #tpu.memory_space<vmem>>
      %dma_wait3A_424 = tpu.memref_squeeze %dma_wait3A_423 : memref<1x4096xi32, #tpu.memory_space<vmem>> -> memref<4096xi32, #tpu.memory_space<vmem>>
      %dma_wait3A_425 = tpu.memref_slice %arg3[%mul3A_88] : memref<3276800xi32, #tpu.memory_space<hbm>> -> memref<4096xi32, #tpu.memory_space<hbm>>
      %dma_wait3A_426 = arith.constant 0 : i32
      %dma_wait3A_427 = tpu.memref_slice %arg5[%run_scoped3A, %dma_wait3A_426] : memref<2x4096xi32, #tpu.memory_space<vmem>> -> memref<1x4096xi32, #tpu.memory_space<vmem>>
      %dma_wait3A_428 = tpu.memref_squeeze %dma_wait3A_427 : memref<1x4096xi32, #tpu.memory_space<vmem>> -> memref<4096xi32, #tpu.memory_space<vmem>>
      %dma_wait3A_429 = tpu.memref_slice %arg3[%mul3A_88] : memref<3276800xi32, #tpu.memory_space<hbm>> -> memref<4096xi32, #tpu.memory_space<hbm>>
      tpu.wait_dma2 semaphore(%run_scoped3A_413 : memref<!tpu.dma_semaphore, #tpu.memory_space<semaphore_mem>>) src(%dma_wait3A_429 : memref<4096xi32, #tpu.memory_space<hbm>>) dst(%dma_wait3A_428 : memref<4096xi32, #tpu.memory_space<vmem>>)
      tpu.yield
    }) : () -> ()
    %dma_start3A = arith.constant 0 : i32
    %dma_start3A_89 = arith.constant 0 : i32
    %dma_start3A_90 = arith.constant 0 : i32
    %dma_start3A_91 = tpu.memref_slice %arg6[%dma_start3A_89, %dma_start3A_90] : memref<2x20480xf32, #tpu.memory_space<vmem>> -> memref<1x20480xf32, #tpu.memory_space<vmem>>
    %dma_start3A_92 = tpu.memref_squeeze %dma_start3A_91 : memref<1x20480xf32, #tpu.memory_space<vmem>> -> memref<20480xf32, #tpu.memory_space<vmem>>
    %dma_start3A_93 = arith.constant 0 : i32
    %dma_start3A_94 = tpu.memref_slice %dma_start3A_92[%dma_start3A_93] : memref<20480xf32, #tpu.memory_space<vmem>> -> memref<4096xf32, #tpu.memory_space<vmem>>
    %dma_start3A_95 = arith.constant 0 : i32
    %dma_start3A_96 = tpu.memref_slice %arg5[%dma_start3A, %dma_start3A_95] : memref<2x4096xi32, #tpu.memory_space<vmem>> -> memref<1x4096xi32, #tpu.memory_space<vmem>>
    %dma_start3A_97 = tpu.memref_squeeze %dma_start3A_96 : memref<1x4096xi32, #tpu.memory_space<vmem>> -> memref<4096xi32, #tpu.memory_space<vmem>>
    %dma_start3A_98 = arith.constant 0 : i32
    %dma_start3A_99 = tpu.memref_slice %arg7[%dma_start3A_98] : memref<500000xf32, #tpu.memory_space<vmem_shared>> -> memref<100000xf32, #tpu.memory_space<vmem_shared>>
    %dma_start3A_100 = arith.constant 0 : i32
    %dma_start3A_101 = tpu.memref_slice %dma_start3A_99[%dma_start3A_100] : memref<100000xf32, #tpu.memory_space<vmem_shared>> -> memref<100000xf32, #tpu.memory_space<vmem_shared>>
    tpu.enqueue_indirect_dma source(%dma_start3A_101 : memref<100000xf32, #tpu.memory_space<vmem_shared>>) target(%dma_start3A_94 : memref<4096xf32, #tpu.memory_space<vmem>>) offsets(%dma_start3A_97 : memref<4096xi32, #tpu.memory_space<vmem>>) semaphore(%arg8 : memref<!tpu.dma_semaphore, #tpu.memory_space<semaphore_mem>>)
    %dma_start3A_102 = arith.constant 0 : i32
    %dma_start3A_103 = arith.constant 0 : i32
    %dma_start3A_104 = arith.constant 0 : i32
    %dma_start3A_105 = tpu.memref_slice %arg6[%dma_start3A_103, %dma_start3A_104] : memref<2x20480xf32, #tpu.memory_space<vmem>> -> memref<1x20480xf32, #tpu.memory_space<vmem>>
    %dma_start3A_106 = tpu.memref_squeeze %dma_start3A_105 : memref<1x20480xf32, #tpu.memory_space<vmem>> -> memref<20480xf32, #tpu.memory_space<vmem>>
    %dma_start3A_107 = arith.constant 4096 : i32
    %dma_start3A_108 = tpu.memref_slice %dma_start3A_106[%dma_start3A_107] : memref<20480xf32, #tpu.memory_space<vmem>> -> memref<4096xf32, #tpu.memory_space<vmem>>
    %dma_start3A_109 = arith.constant 0 : i32
    %dma_start3A_110 = tpu.memref_slice %arg5[%dma_start3A_102, %dma_start3A_109] : memref<2x4096xi32, #tpu.memory_space<vmem>> -> memref<1x4096xi32, #tpu.memory_space<vmem>>
    %dma_start3A_111 = tpu.memref_squeeze %dma_start3A_110 : memref<1x4096xi32, #tpu.memory_space<vmem>> -> memref<4096xi32, #tpu.memory_space<vmem>>
    %dma_start3A_112 = arith.constant 100000 : i32
    %dma_start3A_113 = tpu.memref_slice %arg7[%dma_start3A_112] : memref<500000xf32, #tpu.memory_space<vmem_shared>> -> memref<100000xf32, #tpu.memory_space<vmem_shared>>
    %dma_start3A_114 = arith.constant 0 : i32
    %dma_start3A_115 = tpu.memref_slice %dma_start3A_113[%dma_start3A_114] : memref<100000xf32, #tpu.memory_space<vmem_shared>> -> memref<100000xf32, #tpu.memory_space<vmem_shared>>
    tpu.enqueue_indirect_dma source(%dma_start3A_115 : memref<100000xf32, #tpu.memory_space<vmem_shared>>) target(%dma_start3A_108 : memref<4096xf32, #tpu.memory_space<vmem>>) offsets(%dma_start3A_111 : memref<4096xi32, #tpu.memory_space<vmem>>) semaphore(%arg8 : memref<!tpu.dma_semaphore, #tpu.memory_space<semaphore_mem>>)
    %dma_start3A_116 = arith.constant 0 : i32
    %dma_start3A_117 = arith.constant 0 : i32
    %dma_start3A_118 = arith.constant 0 : i32
    %dma_start3A_119 = tpu.memref_slice %arg6[%dma_start3A_117, %dma_start3A_118] : memref<2x20480xf32, #tpu.memory_space<vmem>> -> memref<1x20480xf32, #tpu.memory_space<vmem>>
    %dma_start3A_120 = tpu.memref_squeeze %dma_start3A_119 : memref<1x20480xf32, #tpu.memory_space<vmem>> -> memref<20480xf32, #tpu.memory_space<vmem>>
    %dma_start3A_121 = arith.constant 8192 : i32
    %dma_start3A_122 = tpu.memref_slice %dma_start3A_120[%dma_start3A_121] : memref<20480xf32, #tpu.memory_space<vmem>> -> memref<4096xf32, #tpu.memory_space<vmem>>
    %dma_start3A_123 = arith.constant 0 : i32
    %dma_start3A_124 = tpu.memref_slice %arg5[%dma_start3A_116, %dma_start3A_123] : memref<2x4096xi32, #tpu.memory_space<vmem>> -> memref<1x4096xi32, #tpu.memory_space<vmem>>
    %dma_start3A_125 = tpu.memref_squeeze %dma_start3A_124 : memref<1x4096xi32, #tpu.memory_space<vmem>> -> memref<4096xi32, #tpu.memory_space<vmem>>
    %dma_start3A_126 = arith.constant 200000 : i32
    %dma_start3A_127 = tpu.memref_slice %arg7[%dma_start3A_126] : memref<500000xf32, #tpu.memory_space<vmem_shared>> -> memref<100000xf32, #tpu.memory_space<vmem_shared>>
    %dma_start3A_128 = arith.constant 0 : i32
    %dma_start3A_129 = tpu.memref_slice %dma_start3A_127[%dma_start3A_128] : memref<100000xf32, #tpu.memory_space<vmem_shared>> -> memref<100000xf32, #tpu.memory_space<vmem_shared>>
    tpu.enqueue_indirect_dma source(%dma_start3A_129 : memref<100000xf32, #tpu.memory_space<vmem_shared>>) target(%dma_start3A_122 : memref<4096xf32, #tpu.memory_space<vmem>>) offsets(%dma_start3A_125 : memref<4096xi32, #tpu.memory_space<vmem>>) semaphore(%arg8 : memref<!tpu.dma_semaphore, #tpu.memory_space<semaphore_mem>>)
    %dma_start3A_130 = arith.constant 0 : i32
    %dma_start3A_131 = arith.constant 0 : i32
    %dma_start3A_132 = arith.constant 0 : i32
    %dma_start3A_133 = tpu.memref_slice %arg6[%dma_start3A_131, %dma_start3A_132] : memref<2x20480xf32, #tpu.memory_space<vmem>> -> memref<1x20480xf32, #tpu.memory_space<vmem>>
    %dma_start3A_134 = tpu.memref_squeeze %dma_start3A_133 : memref<1x20480xf32, #tpu.memory_space<vmem>> -> memref<20480xf32, #tpu.memory_space<vmem>>
    %dma_start3A_135 = arith.constant 12288 : i32
    %dma_start3A_136 = tpu.memref_slice %dma_start3A_134[%dma_start3A_135] : memref<20480xf32, #tpu.memory_space<vmem>> -> memref<4096xf32, #tpu.memory_space<vmem>>
    %dma_start3A_137 = arith.constant 0 : i32
    %dma_start3A_138 = tpu.memref_slice %arg5[%dma_start3A_130, %dma_start3A_137] : memref<2x4096xi32, #tpu.memory_space<vmem>> -> memref<1x4096xi32, #tpu.memory_space<vmem>>
    %dma_start3A_139 = tpu.memref_squeeze %dma_start3A_138 : memref<1x4096xi32, #tpu.memory_space<vmem>> -> memref<4096xi32, #tpu.memory_space<vmem>>
    %dma_start3A_140 = arith.constant 300000 : i32
    %dma_start3A_141 = tpu.memref_slice %arg7[%dma_start3A_140] : memref<500000xf32, #tpu.memory_space<vmem_shared>> -> memref<100000xf32, #tpu.memory_space<vmem_shared>>
    %dma_start3A_142 = arith.constant 0 : i32
    %dma_start3A_143 = tpu.memref_slice %dma_start3A_141[%dma_start3A_142] : memref<100000xf32, #tpu.memory_space<vmem_shared>> -> memref<100000xf32, #tpu.memory_space<vmem_shared>>
    tpu.enqueue_indirect_dma source(%dma_start3A_143 : memref<100000xf32, #tpu.memory_space<vmem_shared>>) target(%dma_start3A_136 : memref<4096xf32, #tpu.memory_space<vmem>>) offsets(%dma_start3A_139 : memref<4096xi32, #tpu.memory_space<vmem>>) semaphore(%arg8 : memref<!tpu.dma_semaphore, #tpu.memory_space<semaphore_mem>>)
    %dma_start3A_144 = arith.constant 0 : i32
    %dma_start3A_145 = arith.constant 0 : i32
    %dma_start3A_146 = arith.constant 0 : i32
    %dma_start3A_147 = tpu.memref_slice %arg6[%dma_start3A_145, %dma_start3A_146] : memref<2x20480xf32, #tpu.memory_space<vmem>> -> memref<1x20480xf32, #tpu.memory_space<vmem>>
    %dma_start3A_148 = tpu.memref_squeeze %dma_start3A_147 : memref<1x20480xf32, #tpu.memory_space<vmem>> -> memref<20480xf32, #tpu.memory_space<vmem>>
    %dma_start3A_149 = arith.constant 16384 : i32
    %dma_start3A_150 = tpu.memref_slice %dma_start3A_148[%dma_start3A_149] : memref<20480xf32, #tpu.memory_space<vmem>> -> memref<4096xf32, #tpu.memory_space<vmem>>
    %dma_start3A_151 = arith.constant 0 : i32
    %dma_start3A_152 = tpu.memref_slice %arg5[%dma_start3A_144, %dma_start3A_151] : memref<2x4096xi32, #tpu.memory_space<vmem>> -> memref<1x4096xi32, #tpu.memory_space<vmem>>
    %dma_start3A_153 = tpu.memref_squeeze %dma_start3A_152 : memref<1x4096xi32, #tpu.memory_space<vmem>> -> memref<4096xi32, #tpu.memory_space<vmem>>
    %dma_start3A_154 = arith.constant 400000 : i32
    %dma_start3A_155 = tpu.memref_slice %arg7[%dma_start3A_154] : memref<500000xf32, #tpu.memory_space<vmem_shared>> -> memref<100000xf32, #tpu.memory_space<vmem_shared>>
    %dma_start3A_156 = arith.constant 0 : i32
    %dma_start3A_157 = tpu.memref_slice %dma_start3A_155[%dma_start3A_156] : memref<100000xf32, #tpu.memory_space<vmem_shared>> -> memref<100000xf32, #tpu.memory_space<vmem_shared>>
    tpu.enqueue_indirect_dma source(%dma_start3A_157 : memref<100000xf32, #tpu.memory_space<vmem_shared>>) target(%dma_start3A_150 : memref<4096xf32, #tpu.memory_space<vmem>>) offsets(%dma_start3A_153 : memref<4096xi32, #tpu.memory_space<vmem>>) semaphore(%arg8 : memref<!tpu.dma_semaphore, #tpu.memory_space<semaphore_mem>>)
    %dma_wait3A = arith.constant 0 : i32
    %dma_wait3A_158 = arith.constant 0 : i32
    %dma_wait3A_159 = arith.constant 0 : i32
    %dma_wait3A_160 = tpu.memref_slice %arg6[%dma_wait3A_158, %dma_wait3A_159] : memref<2x20480xf32, #tpu.memory_space<vmem>> -> memref<1x20480xf32, #tpu.memory_space<vmem>>
    %dma_wait3A_161 = tpu.memref_squeeze %dma_wait3A_160 : memref<1x20480xf32, #tpu.memory_space<vmem>> -> memref<20480xf32, #tpu.memory_space<vmem>>
    %dma_wait3A_162 = arith.constant 0 : i32
    %dma_wait3A_163 = tpu.memref_slice %dma_wait3A_161[%dma_wait3A_162] : memref<20480xf32, #tpu.memory_space<vmem>> -> memref<4096xf32, #tpu.memory_space<vmem>>
    %dma_wait3A_164 = arith.constant 0 : i32
    %dma_wait3A_165 = tpu.memref_slice %arg5[%dma_wait3A, %dma_wait3A_164] : memref<2x4096xi32, #tpu.memory_space<vmem>> -> memref<1x4096xi32, #tpu.memory_space<vmem>>
    %dma_wait3A_166 = tpu.memref_squeeze %dma_wait3A_165 : memref<1x4096xi32, #tpu.memory_space<vmem>> -> memref<4096xi32, #tpu.memory_space<vmem>>
    %dma_wait3A_167 = arith.constant 0 : i32
    %dma_wait3A_168 = tpu.memref_slice %arg7[%dma_wait3A_167] : memref<500000xf32, #tpu.memory_space<vmem_shared>> -> memref<100000xf32, #tpu.memory_space<vmem_shared>>
    %dma_wait3A_169 = arith.constant 0 : i32
    %dma_wait3A_170 = tpu.memref_slice %dma_wait3A_168[%dma_wait3A_169] : memref<100000xf32, #tpu.memory_space<vmem_shared>> -> memref<100000xf32, #tpu.memory_space<vmem_shared>>
    tpu.wait_indirect_dma semaphore(%arg8 : memref<!tpu.dma_semaphore, #tpu.memory_space<semaphore_mem>>) src(%dma_wait3A_170 : memref<100000xf32, #tpu.memory_space<vmem_shared>>) dst(%dma_wait3A_163 : memref<4096xf32, #tpu.memory_space<vmem>>)
    %dma_wait3A_171 = arith.constant 0 : i32
    %dma_wait3A_172 = arith.constant 0 : i32
    %dma_wait3A_173 = arith.constant 0 : i32
    %dma_wait3A_174 = tpu.memref_slice %arg6[%dma_wait3A_172, %dma_wait3A_173] : memref<2x20480xf32, #tpu.memory_space<vmem>> -> memref<1x20480xf32, #tpu.memory_space<vmem>>
    %dma_wait3A_175 = tpu.memref_squeeze %dma_wait3A_174 : memref<1x20480xf32, #tpu.memory_space<vmem>> -> memref<20480xf32, #tpu.memory_space<vmem>>
    %dma_wait3A_176 = arith.constant 4096 : i32
    %dma_wait3A_177 = tpu.memref_slice %dma_wait3A_175[%dma_wait3A_176] : memref<20480xf32, #tpu.memory_space<vmem>> -> memref<4096xf32, #tpu.memory_space<vmem>>
    %dma_wait3A_178 = arith.constant 0 : i32
    %dma_wait3A_179 = tpu.memref_slice %arg5[%dma_wait3A_171, %dma_wait3A_178] : memref<2x4096xi32, #tpu.memory_space<vmem>> -> memref<1x4096xi32, #tpu.memory_space<vmem>>
    %dma_wait3A_180 = tpu.memref_squeeze %dma_wait3A_179 : memref<1x4096xi32, #tpu.memory_space<vmem>> -> memref<4096xi32, #tpu.memory_space<vmem>>
    %dma_wait3A_181 = arith.constant 100000 : i32
    %dma_wait3A_182 = tpu.memref_slice %arg7[%dma_wait3A_181] : memref<500000xf32, #tpu.memory_space<vmem_shared>> -> memref<100000xf32, #tpu.memory_space<vmem_shared>>
    %dma_wait3A_183 = arith.constant 0 : i32
    %dma_wait3A_184 = tpu.memref_slice %dma_wait3A_182[%dma_wait3A_183] : memref<100000xf32, #tpu.memory_space<vmem_shared>> -> memref<100000xf32, #tpu.memory_space<vmem_shared>>
    tpu.wait_indirect_dma semaphore(%arg8 : memref<!tpu.dma_semaphore, #tpu.memory_space<semaphore_mem>>) src(%dma_wait3A_184 : memref<100000xf32, #tpu.memory_space<vmem_shared>>) dst(%dma_wait3A_177 : memref<4096xf32, #tpu.memory_space<vmem>>)
    %dma_wait3A_185 = arith.constant 0 : i32
    %dma_wait3A_186 = arith.constant 0 : i32
    %dma_wait3A_187 = arith.constant 0 : i32
    %dma_wait3A_188 = tpu.memref_slice %arg6[%dma_wait3A_186, %dma_wait3A_187] : memref<2x20480xf32, #tpu.memory_space<vmem>> -> memref<1x20480xf32, #tpu.memory_space<vmem>>
    %dma_wait3A_189 = tpu.memref_squeeze %dma_wait3A_188 : memref<1x20480xf32, #tpu.memory_space<vmem>> -> memref<20480xf32, #tpu.memory_space<vmem>>
    %dma_wait3A_190 = arith.constant 8192 : i32
    %dma_wait3A_191 = tpu.memref_slice %dma_wait3A_189[%dma_wait3A_190] : memref<20480xf32, #tpu.memory_space<vmem>> -> memref<4096xf32, #tpu.memory_space<vmem>>
    %dma_wait3A_192 = arith.constant 0 : i32
    %dma_wait3A_193 = tpu.memref_slice %arg5[%dma_wait3A_185, %dma_wait3A_192] : memref<2x4096xi32, #tpu.memory_space<vmem>> -> memref<1x4096xi32, #tpu.memory_space<vmem>>
    %dma_wait3A_194 = tpu.memref_squeeze %dma_wait3A_193 : memref<1x4096xi32, #tpu.memory_space<vmem>> -> memref<4096xi32, #tpu.memory_space<vmem>>
    %dma_wait3A_195 = arith.constant 200000 : i32
    %dma_wait3A_196 = tpu.memref_slice %arg7[%dma_wait3A_195] : memref<500000xf32, #tpu.memory_space<vmem_shared>> -> memref<100000xf32, #tpu.memory_space<vmem_shared>>
    %dma_wait3A_197 = arith.constant 0 : i32
    %dma_wait3A_198 = tpu.memref_slice %dma_wait3A_196[%dma_wait3A_197] : memref<100000xf32, #tpu.memory_space<vmem_shared>> -> memref<100000xf32, #tpu.memory_space<vmem_shared>>
    tpu.wait_indirect_dma semaphore(%arg8 : memref<!tpu.dma_semaphore, #tpu.memory_space<semaphore_mem>>) src(%dma_wait3A_198 : memref<100000xf32, #tpu.memory_space<vmem_shared>>) dst(%dma_wait3A_191 : memref<4096xf32, #tpu.memory_space<vmem>>)
    %dma_wait3A_199 = arith.constant 0 : i32
    %dma_wait3A_200 = arith.constant 0 : i32
    %dma_wait3A_201 = arith.constant 0 : i32
    %dma_wait3A_202 = tpu.memref_slice %arg6[%dma_wait3A_200, %dma_wait3A_201] : memref<2x20480xf32, #tpu.memory_space<vmem>> -> memref<1x20480xf32, #tpu.memory_space<vmem>>
    %dma_wait3A_203 = tpu.memref_squeeze %dma_wait3A_202 : memref<1x20480xf32, #tpu.memory_space<vmem>> -> memref<20480xf32, #tpu.memory_space<vmem>>
    %dma_wait3A_204 = arith.constant 12288 : i32
    %dma_wait3A_205 = tpu.memref_slice %dma_wait3A_203[%dma_wait3A_204] : memref<20480xf32, #tpu.memory_space<vmem>> -> memref<4096xf32, #tpu.memory_space<vmem>>
    %dma_wait3A_206 = arith.constant 0 : i32
    %dma_wait3A_207 = tpu.memref_slice %arg5[%dma_wait3A_199, %dma_wait3A_206] : memref<2x4096xi32, #tpu.memory_space<vmem>> -> memref<1x4096xi32, #tpu.memory_space<vmem>>
    %dma_wait3A_208 = tpu.memref_squeeze %dma_wait3A_207 : memref<1x4096xi32, #tpu.memory_space<vmem>> -> memref<4096xi32, #tpu.memory_space<vmem>>
    %dma_wait3A_209 = arith.constant 300000 : i32
    %dma_wait3A_210 = tpu.memref_slice %arg7[%dma_wait3A_209] : memref<500000xf32, #tpu.memory_space<vmem_shared>> -> memref<100000xf32, #tpu.memory_space<vmem_shared>>
    %dma_wait3A_211 = arith.constant 0 : i32
    %dma_wait3A_212 = tpu.memref_slice %dma_wait3A_210[%dma_wait3A_211] : memref<100000xf32, #tpu.memory_space<vmem_shared>> -> memref<100000xf32, #tpu.memory_space<vmem_shared>>
    tpu.wait_indirect_dma semaphore(%arg8 : memref<!tpu.dma_semaphore, #tpu.memory_space<semaphore_mem>>) src(%dma_wait3A_212 : memref<100000xf32, #tpu.memory_space<vmem_shared>>) dst(%dma_wait3A_205 : memref<4096xf32, #tpu.memory_space<vmem>>)
    %dma_wait3A_213 = arith.constant 0 : i32
    %dma_wait3A_214 = arith.constant 0 : i32
    %dma_wait3A_215 = arith.constant 0 : i32
    %dma_wait3A_216 = tpu.memref_slice %arg6[%dma_wait3A_214, %dma_wait3A_215] : memref<2x20480xf32, #tpu.memory_space<vmem>> -> memref<1x20480xf32, #tpu.memory_space<vmem>>
    %dma_wait3A_217 = tpu.memref_squeeze %dma_wait3A_216 : memref<1x20480xf32, #tpu.memory_space<vmem>> -> memref<20480xf32, #tpu.memory_space<vmem>>
    %dma_wait3A_218 = arith.constant 16384 : i32
    %dma_wait3A_219 = tpu.memref_slice %dma_wait3A_217[%dma_wait3A_218] : memref<20480xf32, #tpu.memory_space<vmem>> -> memref<4096xf32, #tpu.memory_space<vmem>>
    %dma_wait3A_220 = arith.constant 0 : i32
    %dma_wait3A_221 = tpu.memref_slice %arg5[%dma_wait3A_213, %dma_wait3A_220] : memref<2x4096xi32, #tpu.memory_space<vmem>> -> memref<1x4096xi32, #tpu.memory_space<vmem>>
    %dma_wait3A_222 = tpu.memref_squeeze %dma_wait3A_221 : memref<1x4096xi32, #tpu.memory_space<vmem>> -> memref<4096xi32, #tpu.memory_space<vmem>>
    %dma_wait3A_223 = arith.constant 400000 : i32
    %dma_wait3A_224 = tpu.memref_slice %arg7[%dma_wait3A_223] : memref<500000xf32, #tpu.memory_space<vmem_shared>> -> memref<100000xf32, #tpu.memory_space<vmem_shared>>
    %dma_wait3A_225 = arith.constant 0 : i32
    %dma_wait3A_226 = tpu.memref_slice %dma_wait3A_224[%dma_wait3A_225] : memref<100000xf32, #tpu.memory_space<vmem_shared>> -> memref<100000xf32, #tpu.memory_space<vmem_shared>>
    tpu.wait_indirect_dma semaphore(%arg8 : memref<!tpu.dma_semaphore, #tpu.memory_space<semaphore_mem>>) src(%dma_wait3A_226 : memref<100000xf32, #tpu.memory_space<vmem_shared>>) dst(%dma_wait3A_219 : memref<4096xf32, #tpu.memory_space<vmem>>)
    %jit3A = arith.constant 32 : i32
    %div3A = arith.divsi %add3A_86, %jit3A : i32
    %sign3A = arith.constant 0 : i32
    %sign3A_227 = arith.cmpi sgt, %add3A_86, %sign3A : i32
    %sign3A_228 = arith.extui %sign3A_227 : i1 to i32
    %sign3A_229 = arith.constant 0 : i32
    %sign3A_230 = arith.cmpi slt, %add3A_86, %sign3A_229 : i32
    %sign3A_231 = arith.extui %sign3A_230 : i1 to i32
    %sign3A_232 = arith.subi %sign3A_228, %sign3A_231 : i32
    %sign3A_233 = arith.constant 0 : i32
    %sign3A_234 = arith.cmpi sgt, %jit3A, %sign3A_233 : i32
    %sign3A_235 = arith.extui %sign3A_234 : i1 to i32
    %sign3A_236 = arith.constant 0 : i32
    %sign3A_237 = arith.cmpi slt, %jit3A, %sign3A_236 : i32
    %sign3A_238 = arith.extui %sign3A_237 : i1 to i32
    %sign3A_239 = arith.subi %sign3A_235, %sign3A_238 : i32
    %ne3A = arith.cmpi ne, %sign3A_232, %sign3A_239 : i32
    %rem3A = arith.remsi %add3A_86, %jit3A : i32
    %ne3A_240 = arith.constant 0 : i32
    %ne3A_241 = arith.cmpi ne, %rem3A, %ne3A_240 : i32
    %and3A = arith.andi %ne3A, %ne3A_241 : i1
    %sub3A = arith.constant 1 : i32
    %sub3A_242 = arith.subi %div3A, %sub3A : i32
    %select_n3A = arith.select %and3A, %sub3A_242, %div3A : i32
    %mul3A_243 = arith.constant 32 : i32
    %mul3A_244 = arith.muli %select_n3A, %mul3A_243 : i32
    %sub3A_245 = arith.subi %add3A_86, %mul3A_244 : i32
    %mul3A_246 = arith.constant 4 : i32
    %mul3A_247 = arith.muli %sub3A_245, %mul3A_246 : i32
    %add3A_248 = arith.constant 0 : i32
    %add3A_249 = arith.addi %add3A_248, %select_n3A : i32
    %mul3A_250 = arith.constant 128 : i32
    %mul3A_251 = arith.muli %add3A_249, %mul3A_250 : i32
    %add3A_252 = arith.addi %mul3A_251, %mul3A_247 : i32
    %mul3A_253 = arith.constant 1024 : i32
    %mul3A_254 = arith.muli %add3A_252, %mul3A_253 : i32
    %dma_start3A_255 = arith.constant 0 : i32
    %dma_start3A_256 = arith.constant 0 : i32
    %dma_start3A_257 = tpu.memref_slice %arg6[%dma_start3A_255, %dma_start3A_256] : memref<2x20480xf32, #tpu.memory_space<vmem>> -> memref<1x20480xf32, #tpu.memory_space<vmem>>
    %dma_start3A_258 = tpu.memref_squeeze %dma_start3A_257 : memref<1x20480xf32, #tpu.memory_space<vmem>> -> memref<20480xf32, #tpu.memory_space<vmem>>
    %dma_start3A_259 = arith.constant 0 : i32
    %dma_start3A_260 = tpu.memref_slice %dma_start3A_258[%dma_start3A_259] : memref<20480xf32, #tpu.memory_space<vmem>> -> memref<4096xf32, #tpu.memory_space<vmem>>
    %dma_start3A_261 = tpu.memref_slice %arg4[%mul3A_254] : memref<16384000xf32, #tpu.memory_space<hbm>> -> memref<4096xf32, #tpu.memory_space<hbm>>
    %dma_start3A_262 = tpu.memref_slice %arg4[%mul3A_254] : memref<16384000xf32, #tpu.memory_space<hbm>> -> memref<4096xf32, #tpu.memory_space<hbm>>
    %dma_start3A_263 = arith.constant 0 : i32
    %dma_start3A_264 = tpu.memref_slice %arg6[%dma_start3A_255, %dma_start3A_263] : memref<2x20480xf32, #tpu.memory_space<vmem>> -> memref<1x20480xf32, #tpu.memory_space<vmem>>
    %dma_start3A_265 = tpu.memref_squeeze %dma_start3A_264 : memref<1x20480xf32, #tpu.memory_space<vmem>> -> memref<20480xf32, #tpu.memory_space<vmem>>
    %dma_start3A_266 = arith.constant 0 : i32
    %dma_start3A_267 = tpu.memref_slice %dma_start3A_265[%dma_start3A_266] : memref<20480xf32, #tpu.memory_space<vmem>> -> memref<4096xf32, #tpu.memory_space<vmem>>
    tpu.enqueue_dma source(%dma_start3A_267 : memref<4096xf32, #tpu.memory_space<vmem>>) target(%dma_start3A_262 : memref<4096xf32, #tpu.memory_space<hbm>>) target_semaphore(%arg9 : memref<!tpu.dma_semaphore, #tpu.memory_space<semaphore_mem>>)
    %add3A_268 = arith.constant 25 : i32
    %add3A_269 = arith.addi %add3A_268, %select_n3A : i32
    %mul3A_270 = arith.constant 128 : i32
    %mul3A_271 = arith.muli %add3A_269, %mul3A_270 : i32
    %add3A_272 = arith.addi %mul3A_271, %mul3A_247 : i32
    %mul3A_273 = arith.constant 1024 : i32
    %mul3A_274 = arith.muli %add3A_272, %mul3A_273 : i32
    %dma_start3A_275 = arith.constant 0 : i32
    %dma_start3A_276 = arith.constant 0 : i32
    %dma_start3A_277 = tpu.memref_slice %arg6[%dma_start3A_275, %dma_start3A_276] : memref<2x20480xf32, #tpu.memory_space<vmem>> -> memref<1x20480xf32, #tpu.memory_space<vmem>>
    %dma_start3A_278 = tpu.memref_squeeze %dma_start3A_277 : memref<1x20480xf32, #tpu.memory_space<vmem>> -> memref<20480xf32, #tpu.memory_space<vmem>>
    %dma_start3A_279 = arith.constant 4096 : i32
    %dma_start3A_280 = tpu.memref_slice %dma_start3A_278[%dma_start3A_279] : memref<20480xf32, #tpu.memory_space<vmem>> -> memref<4096xf32, #tpu.memory_space<vmem>>
    %dma_start3A_281 = tpu.memref_slice %arg4[%mul3A_274] : memref<16384000xf32, #tpu.memory_space<hbm>> -> memref<4096xf32, #tpu.memory_space<hbm>>
    %dma_start3A_282 = tpu.memref_slice %arg4[%mul3A_274] : memref<16384000xf32, #tpu.memory_space<hbm>> -> memref<4096xf32, #tpu.memory_space<hbm>>
    %dma_start3A_283 = arith.constant 0 : i32
    %dma_start3A_284 = tpu.memref_slice %arg6[%dma_start3A_275, %dma_start3A_283] : memref<2x20480xf32, #tpu.memory_space<vmem>> -> memref<1x20480xf32, #tpu.memory_space<vmem>>
    %dma_start3A_285 = tpu.memref_squeeze %dma_start3A_284 : memref<1x20480xf32, #tpu.memory_space<vmem>> -> memref<20480xf32, #tpu.memory_space<vmem>>
    %dma_start3A_286 = arith.constant 4096 : i32
    %dma_start3A_287 = tpu.memref_slice %dma_start3A_285[%dma_start3A_286] : memref<20480xf32, #tpu.memory_space<vmem>> -> memref<4096xf32, #tpu.memory_space<vmem>>
    tpu.enqueue_dma source(%dma_start3A_287 : memref<4096xf32, #tpu.memory_space<vmem>>) target(%dma_start3A_282 : memref<4096xf32, #tpu.memory_space<hbm>>) target_semaphore(%arg9 : memref<!tpu.dma_semaphore, #tpu.memory_space<semaphore_mem>>)
    %add3A_288 = arith.constant 50 : i32
    %add3A_289 = arith.addi %add3A_288, %select_n3A : i32
    %mul3A_290 = arith.constant 128 : i32
    %mul3A_291 = arith.muli %add3A_289, %mul3A_290 : i32
    %add3A_292 = arith.addi %mul3A_291, %mul3A_247 : i32
    %mul3A_293 = arith.constant 1024 : i32
    %mul3A_294 = arith.muli %add3A_292, %mul3A_293 : i32
    %dma_start3A_295 = arith.constant 0 : i32
    %dma_start3A_296 = arith.constant 0 : i32
    %dma_start3A_297 = tpu.memref_slice %arg6[%dma_start3A_295, %dma_start3A_296] : memref<2x20480xf32, #tpu.memory_space<vmem>> -> memref<1x20480xf32, #tpu.memory_space<vmem>>
    %dma_start3A_298 = tpu.memref_squeeze %dma_start3A_297 : memref<1x20480xf32, #tpu.memory_space<vmem>> -> memref<20480xf32, #tpu.memory_space<vmem>>
    %dma_start3A_299 = arith.constant 8192 : i32
    %dma_start3A_300 = tpu.memref_slice %dma_start3A_298[%dma_start3A_299] : memref<20480xf32, #tpu.memory_space<vmem>> -> memref<4096xf32, #tpu.memory_space<vmem>>
    %dma_start3A_301 = tpu.memref_slice %arg4[%mul3A_294] : memref<16384000xf32, #tpu.memory_space<hbm>> -> memref<4096xf32, #tpu.memory_space<hbm>>
    %dma_start3A_302 = tpu.memref_slice %arg4[%mul3A_294] : memref<16384000xf32, #tpu.memory_space<hbm>> -> memref<4096xf32, #tpu.memory_space<hbm>>
    %dma_start3A_303 = arith.constant 0 : i32
    %dma_start3A_304 = tpu.memref_slice %arg6[%dma_start3A_295, %dma_start3A_303] : memref<2x20480xf32, #tpu.memory_space<vmem>> -> memref<1x20480xf32, #tpu.memory_space<vmem>>
    %dma_start3A_305 = tpu.memref_squeeze %dma_start3A_304 : memref<1x20480xf32, #tpu.memory_space<vmem>> -> memref<20480xf32, #tpu.memory_space<vmem>>
    %dma_start3A_306 = arith.constant 8192 : i32
    %dma_start3A_307 = tpu.memref_slice %dma_start3A_305[%dma_start3A_306] : memref<20480xf32, #tpu.memory_space<vmem>> -> memref<4096xf32, #tpu.memory_space<vmem>>
    tpu.enqueue_dma source(%dma_start3A_307 : memref<4096xf32, #tpu.memory_space<vmem>>) target(%dma_start3A_302 : memref<4096xf32, #tpu.memory_space<hbm>>) target_semaphore(%arg9 : memref<!tpu.dma_semaphore, #tpu.memory_space<semaphore_mem>>)
    %add3A_308 = arith.constant 75 : i32
    %add3A_309 = arith.addi %add3A_308, %select_n3A : i32
    %mul3A_310 = arith.constant 128 : i32
    %mul3A_311 = arith.muli %add3A_309, %mul3A_310 : i32
    %add3A_312 = arith.addi %mul3A_311, %mul3A_247 : i32
    %mul3A_313 = arith.constant 1024 : i32
    %mul3A_314 = arith.muli %add3A_312, %mul3A_313 : i32
    %dma_start3A_315 = arith.constant 0 : i32
    %dma_start3A_316 = arith.constant 0 : i32
    %dma_start3A_317 = tpu.memref_slice %arg6[%dma_start3A_315, %dma_start3A_316] : memref<2x20480xf32, #tpu.memory_space<vmem>> -> memref<1x20480xf32, #tpu.memory_space<vmem>>
    %dma_start3A_318 = tpu.memref_squeeze %dma_start3A_317 : memref<1x20480xf32, #tpu.memory_space<vmem>> -> memref<20480xf32, #tpu.memory_space<vmem>>
    %dma_start3A_319 = arith.constant 12288 : i32
    %dma_start3A_320 = tpu.memref_slice %dma_start3A_318[%dma_start3A_319] : memref<20480xf32, #tpu.memory_space<vmem>> -> memref<4096xf32, #tpu.memory_space<vmem>>
    %dma_start3A_321 = tpu.memref_slice %arg4[%mul3A_314] : memref<16384000xf32, #tpu.memory_space<hbm>> -> memref<4096xf32, #tpu.memory_space<hbm>>
    %dma_start3A_322 = tpu.memref_slice %arg4[%mul3A_314] : memref<16384000xf32, #tpu.memory_space<hbm>> -> memref<4096xf32, #tpu.memory_space<hbm>>
    %dma_start3A_323 = arith.constant 0 : i32
    %dma_start3A_324 = tpu.memref_slice %arg6[%dma_start3A_315, %dma_start3A_323] : memref<2x20480xf32, #tpu.memory_space<vmem>> -> memref<1x20480xf32, #tpu.memory_space<vmem>>
    %dma_start3A_325 = tpu.memref_squeeze %dma_start3A_324 : memref<1x20480xf32, #tpu.memory_space<vmem>> -> memref<20480xf32, #tpu.memory_space<vmem>>
    %dma_start3A_326 = arith.constant 12288 : i32
    %dma_start3A_327 = tpu.memref_slice %dma_start3A_325[%dma_start3A_326] : memref<20480xf32, #tpu.memory_space<vmem>> -> memref<4096xf32, #tpu.memory_space<vmem>>
    tpu.enqueue_dma source(%dma_start3A_327 : memref<4096xf32, #tpu.memory_space<vmem>>) target(%dma_start3A_322 : memref<4096xf32, #tpu.memory_space<hbm>>) target_semaphore(%arg9 : memref<!tpu.dma_semaphore, #tpu.memory_space<semaphore_mem>>)
    %add3A_328 = arith.constant 100 : i32
    %add3A_329 = arith.addi %add3A_328, %select_n3A : i32
    %mul3A_330 = arith.constant 128 : i32
    %mul3A_331 = arith.muli %add3A_329, %mul3A_330 : i32
    %add3A_332 = arith.addi %mul3A_331, %mul3A_247 : i32
    %mul3A_333 = arith.constant 1024 : i32
    %mul3A_334 = arith.muli %add3A_332, %mul3A_333 : i32
    %dma_start3A_335 = arith.constant 0 : i32
    %dma_start3A_336 = arith.constant 0 : i32
    %dma_start3A_337 = tpu.memref_slice %arg6[%dma_start3A_335, %dma_start3A_336] : memref<2x20480xf32, #tpu.memory_space<vmem>> -> memref<1x20480xf32, #tpu.memory_space<vmem>>
    %dma_start3A_338 = tpu.memref_squeeze %dma_start3A_337 : memref<1x20480xf32, #tpu.memory_space<vmem>> -> memref<20480xf32, #tpu.memory_space<vmem>>
    %dma_start3A_339 = arith.constant 16384 : i32
    %dma_start3A_340 = tpu.memref_slice %dma_start3A_338[%dma_start3A_339] : memref<20480xf32, #tpu.memory_space<vmem>> -> memref<4096xf32, #tpu.memory_space<vmem>>
    %dma_start3A_341 = tpu.memref_slice %arg4[%mul3A_334] : memref<16384000xf32, #tpu.memory_space<hbm>> -> memref<4096xf32, #tpu.memory_space<hbm>>
    %dma_start3A_342 = tpu.memref_slice %arg4[%mul3A_334] : memref<16384000xf32, #tpu.memory_space<hbm>> -> memref<4096xf32, #tpu.memory_space<hbm>>
    %dma_start3A_343 = arith.constant 0 : i32
    %dma_start3A_344 = tpu.memref_slice %arg6[%dma_start3A_335, %dma_start3A_343] : memref<2x20480xf32, #tpu.memory_space<vmem>> -> memref<1x20480xf32, #tpu.memory_space<vmem>>
    %dma_start3A_345 = tpu.memref_squeeze %dma_start3A_344 : memref<1x20480xf32, #tpu.memory_space<vmem>> -> memref<20480xf32, #tpu.memory_space<vmem>>
    %dma_start3A_346 = arith.constant 16384 : i32
    %dma_start3A_347 = tpu.memref_slice %dma_start3A_345[%dma_start3A_346] : memref<20480xf32, #tpu.memory_space<vmem>> -> memref<4096xf32, #tpu.memory_space<vmem>>
    tpu.enqueue_dma source(%dma_start3A_347 : memref<4096xf32, #tpu.memory_space<vmem>>) target(%dma_start3A_342 : memref<4096xf32, #tpu.memory_space<hbm>>) target_semaphore(%arg9 : memref<!tpu.dma_semaphore, #tpu.memory_space<semaphore_mem>>)
    %dma_wait3A_348 = arith.constant 0 : i32
    %dma_wait3A_349 = arith.constant 0 : i32
    %dma_wait3A_350 = tpu.memref_slice %arg6[%dma_wait3A_348, %dma_wait3A_349] : memref<2x20480xf32, #tpu.memory_space<vmem>> -> memref<1x20480xf32, #tpu.memory_space<vmem>>
    %dma_wait3A_351 = tpu.memref_squeeze %dma_wait3A_350 : memref<1x20480xf32, #tpu.memory_space<vmem>> -> memref<20480xf32, #tpu.memory_space<vmem>>
    %dma_wait3A_352 = arith.constant 0 : i32
    %dma_wait3A_353 = tpu.memref_slice %dma_wait3A_351[%dma_wait3A_352] : memref<20480xf32, #tpu.memory_space<vmem>> -> memref<4096xf32, #tpu.memory_space<vmem>>
    %dma_wait3A_354 = tpu.memref_slice %arg4[%mul3A_254] : memref<16384000xf32, #tpu.memory_space<hbm>> -> memref<4096xf32, #tpu.memory_space<hbm>>
    %dma_wait3A_355 = tpu.memref_slice %arg4[%mul3A_254] : memref<16384000xf32, #tpu.memory_space<hbm>> -> memref<4096xf32, #tpu.memory_space<hbm>>
    %dma_wait3A_356 = arith.constant 0 : i32
    %dma_wait3A_357 = tpu.memref_slice %arg6[%dma_wait3A_348, %dma_wait3A_356] : memref<2x20480xf32, #tpu.memory_space<vmem>> -> memref<1x20480xf32, #tpu.memory_space<vmem>>
    %dma_wait3A_358 = tpu.memref_squeeze %dma_wait3A_357 : memref<1x20480xf32, #tpu.memory_space<vmem>> -> memref<20480xf32, #tpu.memory_space<vmem>>
    %dma_wait3A_359 = arith.constant 0 : i32
    %dma_wait3A_360 = tpu.memref_slice %dma_wait3A_358[%dma_wait3A_359] : memref<20480xf32, #tpu.memory_space<vmem>> -> memref<4096xf32, #tpu.memory_space<vmem>>
    tpu.wait_dma2 semaphore(%arg9 : memref<!tpu.dma_semaphore, #tpu.memory_space<semaphore_mem>>) src(%dma_wait3A_360 : memref<4096xf32, #tpu.memory_space<vmem>>) dst(%dma_wait3A_355 : memref<4096xf32, #tpu.memory_space<hbm>>)
    %dma_wait3A_361 = arith.constant 0 : i32
    %dma_wait3A_362 = arith.constant 0 : i32
    %dma_wait3A_363 = tpu.memref_slice %arg6[%dma_wait3A_361, %dma_wait3A_362] : memref<2x20480xf32, #tpu.memory_space<vmem>> -> memref<1x20480xf32, #tpu.memory_space<vmem>>
    %dma_wait3A_364 = tpu.memref_squeeze %dma_wait3A_363 : memref<1x20480xf32, #tpu.memory_space<vmem>> -> memref<20480xf32, #tpu.memory_space<vmem>>
    %dma_wait3A_365 = arith.constant 4096 : i32
    %dma_wait3A_366 = tpu.memref_slice %dma_wait3A_364[%dma_wait3A_365] : memref<20480xf32, #tpu.memory_space<vmem>> -> memref<4096xf32, #tpu.memory_space<vmem>>
    %dma_wait3A_367 = tpu.memref_slice %arg4[%mul3A_274] : memref<16384000xf32, #tpu.memory_space<hbm>> -> memref<4096xf32, #tpu.memory_space<hbm>>
    %dma_wait3A_368 = tpu.memref_slice %arg4[%mul3A_274] : memref<16384000xf32, #tpu.memory_space<hbm>> -> memref<4096xf32, #tpu.memory_space<hbm>>
    %dma_wait3A_369 = arith.constant 0 : i32
    %dma_wait3A_370 = tpu.memref_slice %arg6[%dma_wait3A_361, %dma_wait3A_369] : memref<2x20480xf32, #tpu.memory_space<vmem>> -> memref<1x20480xf32, #tpu.memory_space<vmem>>
    %dma_wait3A_371 = tpu.memref_squeeze %dma_wait3A_370 : memref<1x20480xf32, #tpu.memory_space<vmem>> -> memref<20480xf32, #tpu.memory_space<vmem>>
    %dma_wait3A_372 = arith.constant 4096 : i32
    %dma_wait3A_373 = tpu.memref_slice %dma_wait3A_371[%dma_wait3A_372] : memref<20480xf32, #tpu.memory_space<vmem>> -> memref<4096xf32, #tpu.memory_space<vmem>>
    tpu.wait_dma2 semaphore(%arg9 : memref<!tpu.dma_semaphore, #tpu.memory_space<semaphore_mem>>) src(%dma_wait3A_373 : memref<4096xf32, #tpu.memory_space<vmem>>) dst(%dma_wait3A_368 : memref<4096xf32, #tpu.memory_space<hbm>>)
    %dma_wait3A_374 = arith.constant 0 : i32
    %dma_wait3A_375 = arith.constant 0 : i32
    %dma_wait3A_376 = tpu.memref_slice %arg6[%dma_wait3A_374, %dma_wait3A_375] : memref<2x20480xf32, #tpu.memory_space<vmem>> -> memref<1x20480xf32, #tpu.memory_space<vmem>>
    %dma_wait3A_377 = tpu.memref_squeeze %dma_wait3A_376 : memref<1x20480xf32, #tpu.memory_space<vmem>> -> memref<20480xf32, #tpu.memory_space<vmem>>
    %dma_wait3A_378 = arith.constant 8192 : i32
    %dma_wait3A_379 = tpu.memref_slice %dma_wait3A_377[%dma_wait3A_378] : memref<20480xf32, #tpu.memory_space<vmem>> -> memref<4096xf32, #tpu.memory_space<vmem>>
    %dma_wait3A_380 = tpu.memref_slice %arg4[%mul3A_294] : memref<16384000xf32, #tpu.memory_space<hbm>> -> memref<4096xf32, #tpu.memory_space<hbm>>
    %dma_wait3A_381 = tpu.memref_slice %arg4[%mul3A_294] : memref<16384000xf32, #tpu.memory_space<hbm>> -> memref<4096xf32, #tpu.memory_space<hbm>>
    %dma_wait3A_382 = arith.constant 0 : i32
    %dma_wait3A_383 = tpu.memref_slice %arg6[%dma_wait3A_374, %dma_wait3A_382] : memref<2x20480xf32, #tpu.memory_space<vmem>> -> memref<1x20480xf32, #tpu.memory_space<vmem>>
    %dma_wait3A_384 = tpu.memref_squeeze %dma_wait3A_383 : memref<1x20480xf32, #tpu.memory_space<vmem>> -> memref<20480xf32, #tpu.memory_space<vmem>>
    %dma_wait3A_385 = arith.constant 8192 : i32
    %dma_wait3A_386 = tpu.memref_slice %dma_wait3A_384[%dma_wait3A_385] : memref<20480xf32, #tpu.memory_space<vmem>> -> memref<4096xf32, #tpu.memory_space<vmem>>
    tpu.wait_dma2 semaphore(%arg9 : memref<!tpu.dma_semaphore, #tpu.memory_space<semaphore_mem>>) src(%dma_wait3A_386 : memref<4096xf32, #tpu.memory_space<vmem>>) dst(%dma_wait3A_381 : memref<4096xf32, #tpu.memory_space<hbm>>)
    %dma_wait3A_387 = arith.constant 0 : i32
    %dma_wait3A_388 = arith.constant 0 : i32
    %dma_wait3A_389 = tpu.memref_slice %arg6[%dma_wait3A_387, %dma_wait3A_388] : memref<2x20480xf32, #tpu.memory_space<vmem>> -> memref<1x20480xf32, #tpu.memory_space<vmem>>
    %dma_wait3A_390 = tpu.memref_squeeze %dma_wait3A_389 : memref<1x20480xf32, #tpu.memory_space<vmem>> -> memref<20480xf32, #tpu.memory_space<vmem>>
    %dma_wait3A_391 = arith.constant 12288 : i32
    %dma_wait3A_392 = tpu.memref_slice %dma_wait3A_390[%dma_wait3A_391] : memref<20480xf32, #tpu.memory_space<vmem>> -> memref<4096xf32, #tpu.memory_space<vmem>>
    %dma_wait3A_393 = tpu.memref_slice %arg4[%mul3A_314] : memref<16384000xf32, #tpu.memory_space<hbm>> -> memref<4096xf32, #tpu.memory_space<hbm>>
    %dma_wait3A_394 = tpu.memref_slice %arg4[%mul3A_314] : memref<16384000xf32, #tpu.memory_space<hbm>> -> memref<4096xf32, #tpu.memory_space<hbm>>
    %dma_wait3A_395 = arith.constant 0 : i32
    %dma_wait3A_396 = tpu.memref_slice %arg6[%dma_wait3A_387, %dma_wait3A_395] : memref<2x20480xf32, #tpu.memory_space<vmem>> -> memref<1x20480xf32, #tpu.memory_space<vmem>>
    %dma_wait3A_397 = tpu.memref_squeeze %dma_wait3A_396 : memref<1x20480xf32, #tpu.memory_space<vmem>> -> memref<20480xf32, #tpu.memory_space<vmem>>
    %dma_wait3A_398 = arith.constant 12288 : i32
    %dma_wait3A_399 = tpu.memref_slice %dma_wait3A_397[%dma_wait3A_398] : memref<20480xf32, #tpu.memory_space<vmem>> -> memref<4096xf32, #tpu.memory_space<vmem>>
    tpu.wait_dma2 semaphore(%arg9 : memref<!tpu.dma_semaphore, #tpu.memory_space<semaphore_mem>>) src(%dma_wait3A_399 : memref<4096xf32, #tpu.memory_space<vmem>>) dst(%dma_wait3A_394 : memref<4096xf32, #tpu.memory_space<hbm>>)
    %dma_wait3A_400 = arith.constant 0 : i32
    %dma_wait3A_401 = arith.constant 0 : i32
    %dma_wait3A_402 = tpu.memref_slice %arg6[%dma_wait3A_400, %dma_wait3A_401] : memref<2x20480xf32, #tpu.memory_space<vmem>> -> memref<1x20480xf32, #tpu.memory_space<vmem>>
    %dma_wait3A_403 = tpu.memref_squeeze %dma_wait3A_402 : memref<1x20480xf32, #tpu.memory_space<vmem>> -> memref<20480xf32, #tpu.memory_space<vmem>>
    %dma_wait3A_404 = arith.constant 16384 : i32
    %dma_wait3A_405 = tpu.memref_slice %dma_wait3A_403[%dma_wait3A_404] : memref<20480xf32, #tpu.memory_space<vmem>> -> memref<4096xf32, #tpu.memory_space<vmem>>
    %dma_wait3A_406 = tpu.memref_slice %arg4[%mul3A_334] : memref<16384000xf32, #tpu.memory_space<hbm>> -> memref<4096xf32, #tpu.memory_space<hbm>>
    %dma_wait3A_407 = tpu.memref_slice %arg4[%mul3A_334] : memref<16384000xf32, #tpu.memory_space<hbm>> -> memref<4096xf32, #tpu.memory_space<hbm>>
    %dma_wait3A_408 = arith.constant 0 : i32
    %dma_wait3A_409 = tpu.memref_slice %arg6[%dma_wait3A_400, %dma_wait3A_408] : memref<2x20480xf32, #tpu.memory_space<vmem>> -> memref<1x20480xf32, #tpu.memory_space<vmem>>
    %dma_wait3A_410 = tpu.memref_squeeze %dma_wait3A_409 : memref<1x20480xf32, #tpu.memory_space<vmem>> -> memref<20480xf32, #tpu.memory_space<vmem>>
    %dma_wait3A_411 = arith.constant 16384 : i32
    %dma_wait3A_412 = tpu.memref_slice %dma_wait3A_410[%dma_wait3A_411] : memref<20480xf32, #tpu.memory_space<vmem>> -> memref<4096xf32, #tpu.memory_space<vmem>>
    tpu.wait_dma2 semaphore(%arg9 : memref<!tpu.dma_semaphore, #tpu.memory_space<semaphore_mem>>) src(%dma_wait3A_412 : memref<4096xf32, #tpu.memory_space<vmem>>) dst(%dma_wait3A_407 : memref<4096xf32, #tpu.memory_space<hbm>>)
    return
  }
}

module attributes {stable_mosaic.version = 14 : i64} {
  func.func @_sigmoid_body(%arg0: memref<3907x128xf32, #tpu.memory_space<vmem>>, %arg1: memref<3907x128xf32, #tpu.memory_space<vmem>>) attributes {dimension_semantics = [], scalar_prefetch = 0 : i64, scratch_operands = 0 : i64, tpu.core_type = #tpu.core_type<tc>} {
    %get3A = arith.constant 0 : index
    %get3A_0 = arith.constant 0 : index
    %get3A_1 = vector.load %arg0[%get3A, %get3A_0] : memref<3907x128xf32, #tpu.memory_space<vmem>>, vector<3907x128xf32>
    %neg3A = arith.constant 0.000000e+00 : f32
    %neg3A_2 = vector.broadcast %neg3A : f32 to vector<3907x128xf32>
    %neg3A_3 = arith.subf %neg3A_2, %get3A_1 : vector<3907x128xf32>
    %exp3A = math.exp %neg3A_3 : vector<3907x128xf32>
    %add3A = arith.constant 1.000000e+00 : f32
    %add3A_4 = vector.broadcast %add3A : f32 to vector<3907x128xf32>
    %add3A_5 = arith.addf %add3A_4, %exp3A : vector<3907x128xf32>
    %div3A = arith.constant 1.900000e-01 : f32
    %div3A_6 = vector.broadcast %div3A : f32 to vector<3907x128xf32>
    %div3A_7 = arith.divf %div3A_6, %add3A_5 : vector<3907x128xf32>
    %add3A_8 = arith.constant 8.000000e-01 : f32
    %add3A_9 = vector.broadcast %add3A_8 : f32 to vector<3907x128xf32>
    %add3A_10 = arith.addf %add3A_9, %div3A_7 : vector<3907x128xf32>
    %swap3A = arith.constant 0 : index
    %swap3A_11 = arith.constant 0 : index
    %swap3A_12 = vector.load %arg1[%swap3A, %swap3A_11] : memref<3907x128xf32, #tpu.memory_space<vmem>>, vector<3907x128xf32>
    tpu.vector_store %arg1[%swap3A, %swap3A_11], %add3A_10 {strides = array<i32>} : memref<3907x128xf32, #tpu.memory_space<vmem>>, vector<3907x128xf32>,
    return
  }
}

</mosaic_0001>

<sc_bundles>
// kernel: kernel.4.cloned.1.call-start
scs
__scs_entry_jumppad:
0x0: {  	(pc) =	sbr.rel $0x88, $3  }
0x1: {  	(tag) =	ssettag $0x0;
	lr =	simm.s32 $0x1  }
0x2: {  	[smem:$0x3F9F] =	sst lr;
	_ =	strace $0xD0000000  }
0x3: {  	_ = 	snop  }
0x4: {  	_ = 	snop  }
0x5: {  	_ = 	snop  }
0x6: {  	_ = 	snop  }
0x7: {  	_ = 	snop  }
__scs_overlays_trampoline_lowered:
0x8: {  	[smem:$0x3FAE] =	sst s0  }
0x9: {  	[smem:$0x3FAF] =	sst s1  }
0xa: {  	[smem:$0x3FB0] =	sst s2  }
0xb: {  	[smem:$0x3FB1] =	sst s3  }
0xc: {  	[smem:$0x3FB2] =	sst s4  }
0xd: {  	[smem:$0x3FB3] =	sst s5  }
0xe: {  	[smem:$0x3FB4] =	sst s6  }
0xf: {  	[smem:$0x3FB5] =	sst s7  }
0x10: {  	[smem:$0x3FB6] =	sst s8  }
0x11: {  	[smem:$0x3FB7] =	sst s9;
	s0 =	simm.s32 @!p0 $0x0  }
0x12: {  	s1 =	sld [smem:$0x3F9D];
	s0 =	simm.s32 @p0 $0x1  }
0x13: {  	[smem:$0x3FB8] =	sst s0;
	s0 =	simm.s32 @!p1 $0x0  }
0x14: {  	s2 =	sld [smem:$0x3F9C];
	s0 =	simm.s32 @p1 $0x1  }
0x15: {  	[smem:$0x3FB9] =	sst s0;
	s0 =	simm.s32 @!p2 $0x0  }
0x16: {  	s3 =	sld [smem:$0x3FDB];
	s0 =	simm.s32 @p2 $0x1  }
0x17: {  	s4 =	simm.s32 $0x1BF5;
	[smem:$0x3FBB] =	sst s0  }
0x18: {  	s0 =	sld [smem:$0x3F9E];
	_ =	swait.ge [sflag:s4], $0x0  }
0x19: {  	s7 =	sld [smem:$0x3F9F]  }
0x1a: {  	s8 =	sadd.s32 $0xFFFFE003, lr  }
0x1b: {  	s9 =	sadd.s32 $0xFFFFFEF7, lr;
	s5 =	simm.s32 $0xFFFFFFFF;
	p2 =	slt.u32 s8, $0xFFFFF086  }
0x1c: {  	p1 =	slt.u32 s9, $0xF7A;
	s5 =	simm.s32 @!p2 $0x0  }
0x1d: {  	s5 =	simm.s32 @p1 $0x1;
	p0 =	seq.s32 s7, s2  }
0x1e: {  	s7 =	smul.u32 @!p0 $0xF7A, s2;
	p2 =	seq.s32 @!p0 s5, $0x0  }
0x1f: {  	s9 =	smul.u32 $0xF7A, s1;
	s8 =	simm.s32 @!p0 $0x1BF5;
	p2 =	por !p2, p0  }
0x20: {  	[sflag:s8] =	ssyncset.s32 @!p0 $0xFFFFF086;
	s6 =	sadd.s32 @!p0 s3, s7;
	s7 =	simm.s32 @!p0 $0x108  }
0x21: {  	s3 =	sadd.s32 s3, s9;
	s6 =	sadd.s32 @!p0 $0x88, s6;
	s7 =	simm.s32 @p2 $0x1082  }
0x22: {  	[simem:s7], [sflag:s8] =	dma.local @!p0 [hbm:s6], $0xF7A  }
0x23: {  	s9 =	sor.u32 $0xD0000000, s2;
	s6 =	simm.s32 $0x108;
	_ =	swait.ge @!p0 [sflag:s8], $0x0  }
0x24: {  	s3 =	sadd.s32 $0x88, s3;
	s6 =	simm.s32 @!p1 $0x1082;
	[sflag:s4] =	ssyncset.s32 $0xFFFFF086  }
0x25: {  	[simem:s6], [sflag:s4] =	dma.local [hbm:s3], $0xF7A  }
0x26: {  	[smem:$0x3F9F] =	sst s1;
	(tag) =	ssettag s2;
	_ =	strace s9  }
0x27: {  	s1 =	sld [smem:$0x3FAF]  }
0x28: {  	s2 =	sld [smem:$0x3FB0]  }
0x29: {  	s4 =	sld [smem:$0x3FB2]  }
0x2a: {  	p0 =	seq.s32 s5, $0x0;
	s5 =	sld [smem:$0x3FB3]  }
0x2b: {  	s6 =	sld [smem:$0x3FB4]  }
0x2c: {  	s7 =	sld [smem:$0x3FB5]  }
0x2d: {  	s3 =	simm.s32 $0x108;
	s8 =	sld [smem:$0x3FB6]  }
0x2e: {  	s3 =	simm.s32 @!p0 $0x1082;
	s9 =	sld [smem:$0x3FB7]  }
0x2f: {  	lr =	sadd.s32 s0, s3;
	s0 =	sld [smem:$0x3FAE]  }
0x30: {  	s3 =	sld [smem:$0x3FB1]  }
0x31: {  	[smem:$0x3FBA] =	sst s10  }
0x32: {  	s10 =	sld [smem:$0x3FB8];
	_ =	sdelay $0x3  }
0x33: {  	p0 =	seq.s32 s10, $0x1;
	s10 =	sld [smem:$0x3FBA];
	_ =	sdelay $0x3  }
0x34: {  	[smem:$0x3FBA] =	sst s10  }
0x35: {  	s10 =	sld [smem:$0x3FB9];
	_ =	sdelay $0x3  }
0x36: {  	p1 =	seq.s32 s10, $0x1;
	s10 =	sld [smem:$0x3FBA];
	_ =	sdelay $0x3  }
0x37: {  	[smem:$0x3FBA] =	sst s10  }
0x38: {  	s10 =	sld [smem:$0x3FBB]  }
0x39: {  	_ = 	snop;
	(pc) =	sbr.ind lr, $3  }
0x3a: {  	_ = 	snop  }
0x3b: {  	_ = 	snop  }
0x3c: {  	p2 =	seq.s32 s10, $0x1;
	s10 =	sld [smem:$0x3FBA]  }
0x3d: {  	_ =	shalt  }
0x3e: {  	_ =	shalt  }
0x3f: {  	_ =	shalt  }
0x40: {  	_ =	shalt  }
0x41: {  	_ =	shalt  }
0x42: {  	_ =	shalt  }
0x43: {  	_ =	shalt  }
0x44: {  	_ =	shalt  }
0x45: {  	_ =	shalt  }
0x46: {  	_ =	shalt  }
0x47: {  	_ =	shalt  }
0x48: {  	_ =	shalt  }
0x49: {  	_ =	shalt  }
0x4a: {  	_ =	shalt  }
0x4b: {  	_ =	shalt  }
0x4c: {  	_ =	shalt  }
0x4d: {  	_ =	shalt  }
0x4e: {  	_ =	shalt  }
0x4f: {  	_ =	shalt  }
0x50: {  	_ =	shalt  }
0x51: {  	_ =	shalt  }
0x52: {  	_ =	shalt  }
0x53: {  	_ =	shalt  }
0x54: {  	_ =	shalt  }
0x55: {  	_ =	shalt  }
0x56: {  	_ =	shalt  }
0x57: {  	_ =	shalt  }
0x58: {  	_ =	shalt  }
0x59: {  	_ =	shalt  }
0x5a: {  	_ =	shalt  }
0x5b: {  	_ =	shalt  }
0x5c: {  	_ =	shalt  }
0x5d: {  	_ =	shalt  }
0x5e: {  	_ =	shalt  }
0x5f: {  	_ =	shalt  }
0x60: {  	_ =	shalt  }
0x61: {  	_ =	shalt  }
0x62: {  	_ =	shalt  }
0x63: {  	_ =	shalt  }
0x64: {  	_ =	shalt  }
0x65: {  	_ =	shalt  }
0x66: {  	_ =	shalt  }
0x67: {  	_ =	shalt  }
0x68: {  	_ =	shalt  }
0x69: {  	_ =	shalt  }
0x6a: {  	_ =	shalt  }
0x6b: {  	_ =	shalt  }
0x6c: {  	_ =	shalt  }
0x6d: {  	_ =	shalt  }
0x6e: {  	_ =	shalt  }
0x6f: {  	_ =	shalt  }
0x70: {  	_ =	shalt  }
0x71: {  	_ =	shalt  }
0x72: {  	_ =	shalt  }
0x73: {  	_ =	shalt  }
0x74: {  	_ =	shalt  }
0x75: {  	_ =	shalt  }
0x76: {  	_ =	shalt  }
0x77: {  	_ =	shalt  }
0x78: {  	_ =	shalt  }
0x79: {  	_ =	shalt  }
0x7a: {  	_ =	shalt  }
0x7b: {  	_ =	shalt  }
0x7c: {  	_ =	shalt  }
0x7d: {  	_ =	shalt  }
0x7e: {  	_ =	shalt  }
0x7f: {  	_ =	shalt  }
0x80: {  	_ =	shalt  }
0x81: {  	_ =	shalt  }
0x82: {  	_ =	shalt  }
0x83: {  	_ =	shalt  }
0x84: {  	_ =	shalt  }
0x85: {  	_ =	shalt  }
0x86: {  	_ =	shalt  }
0x87: {  	_ =	shalt  }
.Lfunc_end0:
.L_simem_size_0:
called_computation_lowered:
.L_overlay_start_0:
0x88: {  	s2 =	sld [smem:$0x3FD9]  }
0x89: {  	s3 =	sld [smem:$0x3FFE];
	_ =	sdelay $0x1  }
0x8a: {  	s1 =	srdreg.scid  }
0x8b: {  	s0 =	sand.u32 $0x1, s1  }
0x8c: {  	s17 =	sshll.u32 s0, $0xA;
	s2 =	sadd.s32 s3, s2  }
0x8d: {  	s2 =	sadd.s32 s2, s17  }
0x8e: {  	[smem:$0x3FC6] =	sst s2  }
0x8f: {  	_ = 	snop  }
0x90: {  	s2 =	sld [smem:$0x3FC9]  }
0x91: {  	s18 =	sld [smem:$0x3FD0];
	(tm) =	ssettm $0x1  }
0x92: {  	s4 =	sld [smem:$0x3FFB];
	_ =	sdelay $0x3  }
0x93: {  	_ =	strace s4  }
0x94: {  	s4 =	sld [smem:$0x3FFC];
	_ =	sdelay $0x3  }
0x95: {  	_ =	strace s4  }
0x96: {  	s4 =	sld [smem:$0x3FFD];
	_ =	sdelay $0x3  }
0x97: {  	_ =	strace s4  }
0x98: {  	_ =	strace $0x8FFFFFFF  }
0x99: {  	s19 =	sld [smem:$0x3FDB];
	_ =	sdelay $0x1  }
0x9a: {  	s5 =	simm.s32 $_scs_section_size  }
0x9b: {  	s6 =	simm.s32 $_size__tile_overlayer_lowered;
	s7 =	simm.s32 $_tile_overlayer_lowered  }
0x9c: {  	s22 =	simm.s32 $0x1BFF;
	s21 =	sshll.u32 s7, $0x1;
	s4 =	sadd.s32 s5, s19  }
0x9d: {  	s8 =	simm.s32 $0x0;
	s20 =	sshll.u32 s6, $0x1;
	s6 =	sadd.s32 s21, s4  }
0x9e: {  	[timem:s8], [sflag:s22] =	dma.local [hbm:s6], s20  }
0x9f: {  	_ =	swait.ge [sflag:s22], s20  }
0xa0: {  	s5 =	ssub.s32 $0x0, s20;
	[sflag:s22] =	ssyncset.done $0x0  }
0xa1: {  	[sflag:s22] =	ssyncadd.s32 s5;
	_ =	sdelay $0x1  }
0xa2: {  	s23 =	simm.s32 $0x1B8B  }
0xa3: {  	_ =	swait.ge [sflag:s23], $0x1  }
0xa4: {  	[sflag:s23] =	ssyncset.done $0x0  }
0xa5: {  	s25 =	simm.s32 $0x1B8E;
	s24 =	sld [smem:$0x3FFE];
	[sflag:s23] =	ssyncadd.s32 $0xFFFFFFFF  }
0xa6: {  	s26 =	simm.s32 $execute0_lowered;
	[smem:$0x3FD2] =	sst s25  }
0xa7: {  	s6 =	sshll.u32 s26, $0x1;
	_ =	strace $0x80000046;
	[dreg:$0x1] =	wrdreg $0xFFFFFFFF  }
0xa8: {  	s28 =	simm.s32 $_size_execute0_lowered;
	s4 =	sadd.s32 s4, s6;
	[dreg:$0x0] =	wrdreg $0x0  }
0xa9: {  	s6 =	sshll.u32 s28, $0x1;
	[dreg:$0x2] =	wrdreg s4  }
0xaa: {  	[dreg:$0x3] =	wrdreg s6  }
0xab: {  	[dreg:$0x4] =	wrdreg $0xC0  }
0xac: {  	_ =	task [dreg:s8], $0x5FFFF  }
0xad: {  	[dreg:$0x1] =	wrdreg $0xFFFFFFFF  }
0xae: {  	[dreg:$0x0] =	wrdreg $0x60  }
0xaf: {  	[dreg:$0x2] =	wrdreg s24  }
0xb0: {  	[dreg:$0x3] =	wrdreg s2  }
0xb1: {  	[dreg:$0x4] =	wrdreg s18  }
0xb2: {  	[dreg:$0x5] =	wrdreg $0xC0000  }
0xb3: {  	[dreg:$0x6] =	wrdreg $0x9  }
0xb4: {  	_ =	task.clear_ibuf [dreg:s8], $0x7FFFF;
	_ =	strace $0x90000046  }
0xb5: {  	s29 =	simm.s32 $0x9;
	_ =	strace $0x80000048  }
0xb6: {  	_ =	swait.ge [sflag:s29], $0x1  }
0xb7: {  	[sflag:s29] =	ssyncadd.s32 $0xFFFFFFFF  }
0xb8: {  	_ =	strace $0x90000048  }
0xb9: {  	_ =	sfence  }
0xba: {  	s30 =	sld [smem:$0x0];
	_ =	sdelay $0x2  }
0xbb: {  	s31 =	sshll.u32 s1, $0xD;
	s1 =	sshrl.u32 s1, $0x2  }
0xbc: {  	s3 =	sand.u32 $0x4000, s31;
	s1 =	sadd.s32 s1, s30  }
0xbd: {  	s0 =	sor.u32 s3, s0;
	s1 =	sshll.u32 s1, $0x11  }
0xbe: {  	s0 =	sor.u32 s1, s0  }
0xbf: {  	s0 =	sadd.s32 $0x8F2B, s0  }
0xc0: {  	[sflag:s0] =	ssyncadd.remote.s32 $0x1  }
0xc1: {  	_ =	sfence.sel $0xFFFF  }
0xc2: {  	[dreg:$0x0] =	wrdreg $0xFFFFFFFF;
	(pc) =	sbr.abs _section_cstart, $3  }
0xc3: {  	[dreg:$0x1] =	wrdreg $0xFFFFFFFF  }
0xc4: {  	_ =	task.clear_ibuf [dreg:s8], $0x2FFFF;
	_ =	strace $0x9FFFFFFF  }
0xc5: {  	(tm) =	ssettm $0x7FFFFFFF  }
tec
execute0_lowered:
.L_overlay_start_1:
0x0: {  	(tag) =	ssettag $0x1  }
0x1: {  	s10 =	stileid.u32  }
0x2: {  	p0 =	sgt.s32 s10, $0x3  }
0x3: {  	p2 =	sgt.s32 @p0 s10, $0x5  }
0x4: {  	p1 =	por !p2, !p0  }
0x5: {  	p3 =	seq.s32 @!p1 s10, $0x6  }
0x6: {  	p4 =	por p2, !p0;
	p1 =	por @p0 !p3, !p2  }
0x7: {  	p5 =	sgt.s32 @!p0 s10, $0x1;
	p4 =	seq.s32 @!p4 s10, $0x4;
	s0 =	simm.s32 @!p1 $0x0  }
0x8: {  	s0 =	simm.s32 @p1 $0x1;
	p1 =	por @p0 p3, !p2;
	p3 =	por p5, p0  }
0x9: {  	[smem:$0x7E3] =	sst s0;
	s0 =	simm.s32 @!p1 $0x0;
	p3 =	seq.s32 @!p3 s10, $0x0  }
0xa: {  	s0 =	simm.s32 @p1 $0x1;
	p1 =	por @p0 !p4, p2;
	s21 =	sld [smem:$0x7E3]  }
0xb: {  	p2 =	por @p0 p4, p2;
	[smem:$0x7E4] =	sst s0;
	s0 =	simm.s32 @!p1 $0x0  }
0xc: {  	p6 =	por @!p0 !p3, p5;
	s0 =	simm.s32 @p1 $0x1;
	p1 =	por !p5, p0  }
0xd: {  	p3 =	por @!p0 p3, p5;
	s22 =	sld [smem:$0x7E4];
	p1 =	seq.s32 @!p1 s10, $0x2  }
0xe: {  	p4 =	por @!p0 !p1, !p5;
	p1 =	por @!p0 p1, !p5;
	p5 =	seq.s32 s21, $0x1  }
0xf: {  	p5 =	por p5, !p0  }
0x10: {  	[smem:$0x7E5] =	sst s0;
	s0 =	simm.s32 @!p5 $0x0  }
0x11: {  	s23 =	sld [smem:$0x7E5];
	s0 =	simm.s32 @p5 $0x1;
	p5 =	seq.s32 s22, $0x1  }
0x12: {  	p5 =	por p5, !p0  }
0x13: {  	[smem:$0x7EB] =	sst s0;
	s0 =	simm.s32 @!p5 $0x0  }
0x14: {  	s0 =	simm.s32 @p5 $0x1;
	p5 =	seq.s32 s23, $0x1  }
0x15: {  	p5 =	por p5, !p0  }
0x16: {  	[smem:$0x7EC] =	sst s0;
	s0 =	simm.s32 @!p5 $0x0  }
0x17: {  	p2 =	por p2, !p0;
	s0 =	simm.s32 @p5 $0x1  }
0x18: {  	[smem:$0x7ED] =	sst s0;
	s0 =	simm.s32 @!p2 $0x0  }
0x19: {  	p4 =	por p4, p0;
	s0 =	simm.s32 @p2 $0x1  }
0x1a: {  	[smem:$0x7EE] =	sst s0;
	s0 =	simm.s32 @!p4 $0x0  }
0x1b: {  	p6 =	por p6, p0;
	p1 =	por p1, p0;
	s0 =	simm.s32 @p4 $0x1  }
0x1c: {  	p2 =	sgt.s32 s10, $0xB;
	[smem:$0x7EF] =	sst s0;
	s0 =	simm.s32 @!p1 $0x0  }
0x1d: {  	p0 =	por p3, p0;
	s0 =	simm.s32 @p1 $0x1;
	p1 =	sgt.s32 @p2 s10, $0xD  }
0x1e: {  	[smem:$0x7F0] =	sst s0;
	p4 =	por !p1, !p2;
	s0 =	simm.s32 @!p0 $0x0  }
0x1f: {  	s1 =	rddreg [dreg:$0x1];
	s0 =	simm.s32 @p0 $0x1;
	p0 =	seq.s32 @!p4 s10, $0xE  }
0x20: {  	s4 =	rddreg [dreg:$0x2];
	p4 =	por @p2 !p0, !p1  }
0x21: {  	s3 =	simm.s32 $0x0;
	[smem:$0x7F1] =	sst s0;
	s0 =	simm.s32 @!p4 $0x0  }
0x22: {  	p5 =	por p1, !p2;
	p0 =	por @p2 p0, !p1;
	s0 =	simm.s32 @p4 $0x1  }
0x23: {  	p3 =	seq.s32 @!p5 s10, $0xC;
	[smem:$0x7E6] =	sst s0;
	s0 =	simm.s32 @!p0 $0x0  }
0x24: {  	[smem:$0x7FF] =	sst s3;
	s0 =	simm.s32 @p0 $0x1;
	p0 =	por @p2 !p3, p1  }
0x25: {  	[smem:$0x7E7] =	sst s0;
	s0 =	simm.s32 @!p0 $0x0  }
0x26: {  	s7 =	sld [smem:$0x7E6];
	s0 =	simm.s32 @p0 $0x1  }
0x27: {  	p0 =	por @p2 p3, p1;
	p3 =	sgt.s32 @!p2 s10, $0x9;
	s24 =	sld [smem:$0x7E7]  }
0x28: {  	[smem:$0x7E8] =	sst s0;
	s0 =	simm.s32 @!p0 $0x0;
	p1 =	por p3, p2  }
0x29: {  	s0 =	simm.s32 @p0 $0x1;
	p1 =	seq.s32 @!p1 s10, $0x8;
	s25 =	sld [smem:$0x7E8]  }
0x2a: {  	p0 =	por !p3, p2;
	[smem:$0x7E9] =	sst s0;
	p4 =	por @!p2 !p1, p3  }
0x2b: {  	s0 =	rddreg [dreg:$0x0];
	p0 =	seq.s32 @!p0 s10, $0xA;
	s2 =	simm.s32 @!p4 $0x0  }
0x2c: {  	p5 =	por @!p2 !p0, !p3;
	s2 =	simm.s32 @p4 $0x1;
	p4 =	seq.s32 s7, $0x1  }
0x2d: {  	p0 =	por @!p2 p0, !p3;
	p3 =	por @!p2 p1, p3;
	p1 =	por p4, !p2  }
0x2e: {  	s26 =	sld [smem:$0x7E9];
	p4 =	seq.s32 s24, $0x1;
	s7 =	simm.s32 @!p1 $0x0  }
0x2f: {  	[smem:$0x7EA] =	sst s2;
	s7 =	simm.s32 @p1 $0x1;
	p1 =	por p4, !p2  }
0x30: {  	p4 =	seq.s32 s25, $0x1;
	[smem:$0x7F2] =	sst s7;
	s7 =	simm.s32 @!p1 $0x0  }
0x31: {  	s8 =	sld [smem:$0x7EA];
	s7 =	simm.s32 @p1 $0x1;
	p1 =	por p4, !p2  }
0x32: {  	[smem:$0x7F4] =	sst s7;
	s7 =	simm.s32 @!p1 $0x0  }
0x33: {  	s2 =	rddreg [dreg:$0x3];
	s7 =	simm.s32 @p1 $0x1  }
0x34: {  	p1 =	seq.s32 s8, $0x1;
	s8 =	sadd.s32 $0x600, s0;
	[smem:$0x7F6] =	sst s7  }
0x35: {  	s12 =	sadd.s32 $0xEADE, s0;
	_ =	strace $0x80000047;
	[dreg:$0x7] =	wrdreg s8  }
0x36: {  	s13 =	sadd.s32 $0xDB9C, s0;
	[dreg:$0x8] =	wrdreg s12  }
0x37: {  	s14 =	sadd.s32 $0xCC5A, s0;
	[dreg:$0x9] =	wrdreg s13  }
0x38: {  	s5 =	srdreg.scid;
	s15 =	sadd.s32 $0xBD18, s0;
	[dreg:$0xa] =	wrdreg s14  }
0x39: {  	s5 =	sand.u32 $0x1, s5;
	s16 =	sadd.s32 $0xADD6, s0;
	[dreg:$0xb] =	wrdreg s15  }
0x3a: {  	s6 =	ssub.s32 $0x2, s5;
	s17 =	sadd.s32 $0x9E94, s0;
	[dreg:$0xc] =	wrdreg s16  }
0x3b: {  	s9 =	sshrl.u32 s6, $0x1;
	s18 =	sadd.s32 $0x8F52, s0;
	[dreg:$0xd] =	wrdreg s17  }
0x3c: {  	s6 =	ssub.s32 s6, s9;
	s9 =	sadd.s32 $0x8010, s0;
	[dreg:$0xe] =	wrdreg s18  }
0x3d: {  	s20 =	sadd.s32 $0x70CE, s0;
	[dreg:$0xf] =	wrdreg s9  }
0x3e: {  	s21 =	sadd.s32 $0x618C, s0;
	[dreg:$0x10] =	wrdreg s20  }
0x3f: {  	s11 =	sshll.u32 s10, $0x1;
	s22 =	sadd.s32 $0x524A, s0;
	[dreg:$0x11] =	wrdreg s21  }
0x40: {  	s7 =	sor.u32 s5, s11;
	s11 =	sadd.s32 $0x4308, s0;
	[dreg:$0x12] =	wrdreg s22  }
0x41: {  	s24 =	sadd.s32 $0x33C6, s0;
	[dreg:$0x13] =	wrdreg s11  }
0x42: {  	s25 =	sadd.s32 $0x2484, s0;
	[dreg:$0x14] =	wrdreg s24  }
0x43: {  	s0 =	sadd.s32 $0x1542, s0;
	[dreg:$0x15] =	wrdreg s25  }
0x44: {  	[dreg:$0x16] =	wrdreg s0  }
0x45: {  	s28 =	simm.s32 $0x3000;
	s19 =	smul.u32 $0x6400, s10;
	s12 =	sld [smem:$0x7EB]  }
0x46: {  	s29 =	simm.s32 $0x4000;
	s30 =	simm.s32 $0x5000;
	s13 =	sld [smem:$0x7EC]  }
0x47: {  	s31 =	simm.s32 $0x6000;
	s23 =	sadd.s32 s19, s1;
	s14 =	sld [smem:$0x7ED]  }
0x48: {  	p5 =	por p5, p2;
	p4 =	seq.s32 s26, $0x1;
	s15 =	sld [smem:$0x7EE]  }
0x49: {  	p0 =	por p0, p2;
	p4 =	por p4, !p2;
	s16 =	sld [smem:$0x7EF]  }
0x4a: {  	p1 =	por p1, p2;
	s5 =	smul.u32 $0x3200, s5;
	s17 =	sld [smem:$0x7F0]  }
0x4b: {  	p2 =	por p3, p2;
	s7 =	smul.u32 $0x3200, s7;
	s18 =	sld [smem:$0x7F1]  }
0x4c: {  	s8 =	sadd.s32 s19, s4;
	s0 =	sadd.s32 $0x35670, s2;
	s19 =	sld [smem:$0x7F2]  }
0x4d: {  	s9 =	sadd.s32 s5, s23;
	s5 =	sadd.s32 s5, s8;
	s20 =	sld [smem:$0x7F4]  }
0x4e: {  	s21 =	sld [smem:$0x7F6];
	s8 =	simm.s32 $0x2;
	s26 =	sadd.s32 $0x3000, s7  }
0x4f: {  	[dreg:$0x5] =	wrdreg s9;
	s9 =	sadd.s32 s4, s7;
	s1 =	sadd.s32 s1, s26  }
0x50: {  	[dreg:$0x17] =	wrdreg s1;
	s1 =	sadd.s32 $0x2DC60, s2;
	p3 =	seq.s32 s12, $0x1  }
0x51: {  	[dreg:$0x6] =	wrdreg s5;
	s1 =	sshrl.u32 @!p3 s1, $0x3;
	p3 =	seq.s32 s13, $0x1  }
0x52: {  	s5 =	simm.s32 $0x9000;
	s7 =	simm.s32 $0xB000;
	s0 =	sshrl.u32 @!p3 s0, $0x3  }
0x53: {  	p3 =	seq.s32 s14, $0x1;
	[dreg:$0x1a] =	wrdreg s0;
	s0 =	sadd.s32 $0x1E840, s2  }
0x54: {  	s11 =	sadd.s32 s4, s26;
	[dreg:$0x19] =	wrdreg s1;
	s0 =	sshrl.u32 @!p3 s0, $0x3  }
0x55: {  	p3 =	seq.s32 s15, $0x1;
	[dreg:$0x1b] =	wrdreg s0;
	s0 =	sadd.s32 $0x26250, s2  }
0x56: {  	s1 =	sadd.s32 $0xF420, s2;
	s0 =	sshrl.u32 @!p3 s0, $0x3;
	p3 =	seq.s32 s16, $0x1  }
0x57: {  	s22 =	sadd.s32 $0x67000, s9;
	[dreg:$0x1c] =	wrdreg s0;
	s0 =	sshrl.u32 @!p3 s1, $0x3  }
0x58: {  	p3 =	seq.s32 s17, $0x1;
	[dreg:$0x1d] =	wrdreg s0;
	s0 =	sadd.s32 $0x16E30, s2  }
0x59: {  	s23 =	sadd.s32 $0xCB000, s9;
	s24 =	sadd.s32 $0x12F000, s9;
	s0 =	sshrl.u32 @!p3 s0, $0x3  }
0x5a: {  	s1 =	sadd.s32 $0x7A10, s2;
	p3 =	seq.s32 s18, $0x1;
	[dreg:$0x1e] =	wrdreg s0  }
0x5b: {  	s0 =	sadd.s32 $0x6ACE0, s2;
	s1 =	sshrl.u32 @!p3 s1, $0x3;
	p3 =	seq.s32 s19, $0x1  }
0x5c: {  	s25 =	sadd.s32 $0x193000, s9;
	s26 =	smax.u32 s6, $0x1;
	s0 =	sshrl.u32 @!p3 s0, $0x3  }
0x5d: {  	p3 =	seq.s32 s20, $0x1;
	[smem:$0x7F3] =	sst s0;
	s0 =	sadd.s32 $0x726F0, s2  }
0x5e: {  	s4 =	simm.s32 $0x8000;
	[dreg:$0x18] =	wrdreg s11;
	s0 =	sshrl.u32 @!p3 s0, $0x3  }
0x5f: {  	s6 =	simm.s32 $0xA000;
	[smem:$0x7F5] =	sst s0;
	s0 =	sadd.s32 $0x632D0, s2  }
0x60: {  	s9 =	simm.s32 $0x0;
	[dreg:$0x1f] =	wrdreg s1;
	s0 =	sshrl.u32 @!p4 s0, $0x3  }
0x61: {  	s13 =	sadd.s32 $0x186A0, s2;
	[smem:$0x7F8] =	sst s0;
	s0 =	sadd.s32 $0x4C4A0, s2  }
0x62: {  	s1 =	sadd.s32 $0x5B8C0, s2;
	p3 =	seq.s32 s21, $0x1;
	s0 =	sshrl.u32 @!p5 s0, $0x3  }
0x63: {  	s1 =	sshrl.u32 @!p3 s1, $0x3;
	[smem:$0x7F9] =	sst s0;
	s0 =	sadd.s32 $0x53EB0, s2  }
0x64: {  	[smem:$0x7F7] =	sst s1;
	s1 =	sadd.s32 $0x3D080, s2;
	s0 =	sshrl.u32 @!p0 s0, $0x3  }
0x65: {  	s14 =	sadd.s32 $0x30D40, s2;
	[smem:$0x7FA] =	sst s0;
	s0 =	sshrl.u32 @!p1 s1, $0x3  }
0x66: {  	s15 =	sadd.s32 $0x493E0, s2;
	[smem:$0x7FB] =	sst s0;
	s0 =	sadd.s32 $0x44A90, s2  }
0x67: {  	s16 =	sadd.s32 $0x61A80, s2;
	p3 =	sgt.s32 s10, $0x7;
	s0 =	sshrl.u32 @!p2 s0, $0x3  }
0x68: {  	s17 =	simm.s32 $0x3;
	[smem:$0x7FC] =	sst s0;
	s0 =	simm.s32 @!p3 $0x0  }
0x69: {  	s18 =	simm.s32 $0x1000;
	s19 =	simm.s32 $0x2000;
	s0 =	simm.s32 @p3 $0x1  }
0x6a: {  	s1 =	simm.s32 $0x1;
	[smem:$0x7FD] =	sst s0;
	s0 =	simm.s32 $0x7000  }
.LBB2_1:
0x6b: {  	s10 =	sld [smem:$0x7FD];
	_ =	sdelay $0x2  }
0x6c: {  	p3 =	seq.s32 s10, $0x1  }
.Ltmp0:
0x6d: {  	_ = 	snop;
	(pc) =	sbr.rel @p3 .LBB2_3-.Ltmp0, $1  }
0x6e: {  	_ =	sdelay $0x3  }
0x6f: {  	s10 =	sld [smem:$0x7EB];
	_ =	sdelay $0x2  }
0x70: {  	s11 =	rddreg [dreg:$0x11];
	p3 =	seq.s32 s10, $0x1  }
0x71: {  	s12 =	rddreg [dreg:$0x19];
	s10 =	simm.s32 @!p3 $0x1D83  }
0x72: {  	[spmem:s12], [sflag:s10] =	dma.local @!p3 [hbm:s11], $0xF42  }
0x73: {  	s10 =	simm.s32 @!p3 $0x3  }
0x74: {  	_ =	swait.ge @!p3 [sflag:s10], $0xF42  }
0x75: {  	s20 =	sld [smem:$0x7EC];
	_ =	sdelay $0x1  }
0x76: {  	[sflag:s10] =	ssyncset.done @!p3 $0x0  }
0x77: {  	s11 =	rddreg [dreg:$0x10];
	[sflag:s10] =	ssyncadd.s32 @!p3 $0xFFFFF0BE;
	p3 =	seq.s32 s20, $0x1  }
0x78: {  	s12 =	rddreg [dreg:$0x1a];
	s10 =	simm.s32 @!p3 $0x1DC3  }
0x79: {  	[spmem:s12], [sflag:s10] =	dma.local @!p3 [hbm:s11], $0xF42  }
0x7a: {  	s10 =	simm.s32 @!p3 $0x3  }
0x7b: {  	_ =	swait.ge @!p3 [sflag:s10], $0xF42  }
0x7c: {  	s21 =	sld [smem:$0x7ED];
	_ =	sdelay $0x1  }
0x7d: {  	[sflag:s10] =	ssyncset.done @!p3 $0x0  }
0x7e: {  	s11 =	rddreg [dreg:$0x13];
	[sflag:s10] =	ssyncadd.s32 @!p3 $0xFFFFF0BE;
	p3 =	seq.s32 s21, $0x1  }
0x7f: {  	s12 =	rddreg [dreg:$0x1b];
	s10 =	simm.s32 @!p3 $0x1D03  }
0x80: {  	[spmem:s12], [sflag:s10] =	dma.local @!p3 [hbm:s11], $0xF42  }
0x81: {  	s10 =	simm.s32 @!p3 $0x3  }
0x82: {  	_ =	swait.ge @!p3 [sflag:s10], $0xF42  }
0x83: {  	s11 =	sld [smem:$0x7EE];
	_ =	sdelay $0x1  }
0x84: {  	[sflag:s10] =	ssyncset.done @!p3 $0x0  }
0x85: {  	s12 =	rddreg [dreg:$0x1c];
	[sflag:s10] =	ssyncadd.s32 @!p3 $0xFFFFF0BE;
	p3 =	seq.s32 s11, $0x1  }
0x86: {  	s11 =	rddreg [dreg:$0x12];
	s10 =	simm.s32 @!p3 $0x1D43  }
0x87: {  	[spmem:s12], [sflag:s10] =	dma.local @!p3 [hbm:s11], $0xF42  }
0x88: {  	s10 =	simm.s32 @!p3 $0x3  }
0x89: {  	_ =	swait.ge @!p3 [sflag:s10], $0xF42  }
0x8a: {  	s12 =	sld [smem:$0x7EF];
	_ =	sdelay $0x1  }
0x8b: {  	[sflag:s10] =	ssyncset.done @!p3 $0x0  }
0x8c: {  	s11 =	rddreg [dreg:$0x15];
	[sflag:s10] =	ssyncadd.s32 @!p3 $0xFFFFF0BE;
	p3 =	seq.s32 s12, $0x1  }
0x8d: {  	s12 =	rddreg [dreg:$0x1d];
	s10 =	simm.s32 @!p3 $0x1C83  }
0x8e: {  	[spmem:s12], [sflag:s10] =	dma.local @!p3 [hbm:s11], $0xF42  }
0x8f: {  	s10 =	simm.s32 @!p3 $0x3  }
0x90: {  	_ =	swait.ge @!p3 [sflag:s10], $0xF42  }
0x91: {  	s20 =	sld [smem:$0x7F0];
	_ =	sdelay $0x1  }
0x92: {  	[sflag:s10] =	ssyncset.done @!p3 $0x0  }
0x93: {  	s11 =	rddreg [dreg:$0x14];
	[sflag:s10] =	ssyncadd.s32 @!p3 $0xFFFFF0BE;
	p3 =	seq.s32 s20, $0x1  }
0x94: {  	s12 =	rddreg [dreg:$0x1e];
	s10 =	simm.s32 @!p3 $0x1CC3  }
0x95: {  	[spmem:s12], [sflag:s10] =	dma.local @!p3 [hbm:s11], $0xF42  }
0x96: {  	s10 =	simm.s32 @!p3 $0x3  }
0x97: {  	_ =	swait.ge @!p3 [sflag:s10], $0xF42  }
0x98: {  	s11 =	simm.s32 @!p6 $0x1C03;
	[sflag:s10] =	ssyncset.done @!p3 $0x0  }
0x99: {  	s12 =	rddreg [dreg:$0x7];
	[sflag:s10] =	ssyncadd.s32 @!p3 $0xFFFFF0BE;
	s10 =	sshrl.u32 @!p6 s2, $0x3  }
0x9a: {  	[spmem:s10], [sflag:s11] =	dma.local @!p6 [hbm:s12], $0xF42  }
0x9b: {  	s10 =	simm.s32 @!p6 $0x3  }
0x9c: {  	_ =	swait.ge @!p6 [sflag:s10], $0xF42  }
0x9d: {  	s21 =	sld [smem:$0x7F1];
	_ =	sdelay $0x2  }
0x9e: {  	[sflag:s10] =	ssyncset.done @!p6 $0x0;
	s11 =	rddreg [dreg:$0x16];
	p3 =	seq.s32 s21, $0x1  }
0x9f: {  	s12 =	rddreg [dreg:$0x1f];
	[sflag:s10] =	ssyncadd.s32 @!p6 $0xFFFFF0BE;
	s10 =	simm.s32 @!p3 $0x1C43  }
0xa0: {  	[spmem:s12], [sflag:s10] =	dma.local @!p3 [hbm:s11], $0xF42  }
.Ltmp1:
0xa1: {  	_ = 	snop;
	(pc) =	sbr.rel .LBB2_4-.Ltmp1, $4  }
0xa2: {  	s10 =	simm.s32 @!p3 $0x3  }
0xa3: {  	_ =	swait.ge @!p3 [sflag:s10], $0xF42  }
0xa4: {  	[sflag:s10] =	ssyncset.done @!p3 $0x0  }
0xa5: {  	[sflag:s10] =	ssyncadd.s32 @!p3 $0xFFFFF0BE  }
.LBB2_3:
0xa6: {  	s10 =	sld [smem:$0x7F2];
	_ =	sdelay $0x1  }
0xa7: {  	s12 =	sld [smem:$0x7F3]  }
0xa8: {  	p3 =	seq.s32 s10, $0x1  }
0xa9: {  	s11 =	rddreg [dreg:$0x9];
	s10 =	simm.s32 @!p3 $0x1F83  }
0xaa: {  	[spmem:s12], [sflag:s10] =	dma.local @!p3 [hbm:s11], $0xF42  }
0xab: {  	s10 =	simm.s32 @!p3 $0x3  }
0xac: {  	_ =	swait.ge @!p3 [sflag:s10], $0xF42  }
0xad: {  	s20 =	sld [smem:$0x7F4];
	_ =	sdelay $0x1  }
0xae: {  	[sflag:s10] =	ssyncset.done @!p3 $0x0;
	s12 =	sld [smem:$0x7F5]  }
0xaf: {  	[sflag:s10] =	ssyncadd.s32 @!p3 $0xFFFFF0BE;
	p3 =	seq.s32 s20, $0x1  }
0xb0: {  	s11 =	rddreg [dreg:$0x8];
	s10 =	simm.s32 @!p3 $0x1FC3  }
0xb1: {  	[spmem:s12], [sflag:s10] =	dma.local @!p3 [hbm:s11], $0xF46  }
0xb2: {  	s10 =	simm.s32 @!p3 $0x3  }
0xb3: {  	_ =	swait.ge @!p3 [sflag:s10], $0xF46  }
0xb4: {  	s21 =	sld [smem:$0x7F6];
	_ =	sdelay $0x1  }
0xb5: {  	[sflag:s10] =	ssyncset.done @!p3 $0x0;
	s12 =	sld [smem:$0x7F7]  }
0xb6: {  	[sflag:s10] =	ssyncadd.s32 @!p3 $0xFFFFF0BA;
	p3 =	seq.s32 s21, $0x1  }
0xb7: {  	s11 =	rddreg [dreg:$0xb];
	s10 =	simm.s32 @!p3 $0x1F03  }
0xb8: {  	[spmem:s12], [sflag:s10] =	dma.local @!p3 [hbm:s11], $0xF42  }
0xb9: {  	s10 =	simm.s32 @!p3 $0x3  }
0xba: {  	_ =	swait.ge @!p3 [sflag:s10], $0xF42  }
0xbb: {  	s12 =	sld [smem:$0x7F8]  }
0xbc: {  	[sflag:s10] =	ssyncset.done @!p3 $0x0  }
0xbd: {  	s11 =	rddreg [dreg:$0xa];
	[sflag:s10] =	ssyncadd.s32 @!p3 $0xFFFFF0BE;
	s10 =	simm.s32 @!p4 $0x1F43  }
0xbe: {  	[spmem:s12], [sflag:s10] =	dma.local @!p4 [hbm:s11], $0xF42  }
0xbf: {  	s10 =	simm.s32 @!p4 $0x3  }
0xc0: {  	_ =	swait.ge @!p4 [sflag:s10], $0xF42  }
0xc1: {  	s12 =	sld [smem:$0x7F9]  }
0xc2: {  	[sflag:s10] =	ssyncset.done @!p4 $0x0  }
0xc3: {  	s11 =	rddreg [dreg:$0xd];
	[sflag:s10] =	ssyncadd.s32 @!p4 $0xFFFFF0BE;
	s10 =	simm.s32 @!p5 $0x1E83  }
0xc4: {  	[spmem:s12], [sflag:s10] =	dma.local @!p5 [hbm:s11], $0xF42  }
0xc5: {  	s10 =	simm.s32 @!p5 $0x3  }
0xc6: {  	_ =	swait.ge @!p5 [sflag:s10], $0xF42  }
0xc7: {  	s12 =	sld [smem:$0x7FA]  }
0xc8: {  	[sflag:s10] =	ssyncset.done @!p5 $0x0  }
0xc9: {  	s11 =	rddreg [dreg:$0xc];
	[sflag:s10] =	ssyncadd.s32 @!p5 $0xFFFFF0BE;
	s10 =	simm.s32 @!p0 $0x1EC3  }
0xca: {  	[spmem:s12], [sflag:s10] =	dma.local @!p0 [hbm:s11], $0xF42  }
0xcb: {  	s10 =	simm.s32 @!p0 $0x3  }
0xcc: {  	_ =	swait.ge @!p0 [sflag:s10], $0xF42  }
0xcd: {  	s12 =	sld [smem:$0x7FB]  }
0xce: {  	[sflag:s10] =	ssyncset.done @!p0 $0x0  }
0xcf: {  	s11 =	rddreg [dreg:$0xf];
	[sflag:s10] =	ssyncadd.s32 @!p0 $0xFFFFF0BE;
	s10 =	simm.s32 @!p1 $0x1E03  }
0xd0: {  	[spmem:s12], [sflag:s10] =	dma.local @!p1 [hbm:s11], $0xF42  }
0xd1: {  	s10 =	simm.s32 @!p1 $0x3  }
0xd2: {  	_ =	swait.ge @!p1 [sflag:s10], $0xF42  }
0xd3: {  	s12 =	sld [smem:$0x7FC]  }
0xd4: {  	[sflag:s10] =	ssyncset.done @!p1 $0x0  }
0xd5: {  	s11 =	rddreg [dreg:$0xe];
	[sflag:s10] =	ssyncadd.s32 @!p1 $0xFFFFF0BE;
	s10 =	simm.s32 @!p2 $0x1E43  }
0xd6: {  	[spmem:s12], [sflag:s10] =	dma.local @!p2 [hbm:s11], $0xF42  }
0xd7: {  	s10 =	simm.s32 @!p2 $0x3  }
0xd8: {  	_ =	swait.ge @!p2 [sflag:s10], $0xF42  }
0xd9: {  	[sflag:s10] =	ssyncset.done @!p2 $0x0  }
0xda: {  	[sflag:s10] =	ssyncadd.s32 @!p2 $0xFFFFF0BE  }
.LBB2_4:
0xdb: {  	[bflag:$0x0] =	sbarrier.arrive $0xFFFF  }
0xdc: {  	s10 =	rddreg [dreg:$0x5]  }
0xdd: {  	s10 =	sadd.s32 $0x0, s10  }
0xde: {  	[tilespmem:s3], [sflag:$0x3] =	stream.linear.gather [hbm4b:s10+s3], $0x1000, $0x38;
	[tilespmem:$0x13A18] =	vst v63  }
0xdf: {  	_ =	swait.ge [sflag:s17], $0x1000  }
0xe0: {  	[sflag:s17] =	ssyncset.done $0x0  }
0xe1: {  	[sflag:s17] =	ssyncadd.s32 $0xFFFFF000  }
0xe2: {  	[tilespmem:s19], [sflag:$0x1] =	stream.indirect.gather [spmem:s2], $0x1, s3, s18, $0xb8;
	[tilespmem:$0x13A18] =	vst v63  }
0xe3: {  	_ = 	snop  }
0xe4: {  	[tilespmem:s28], [sflag:$0x1] =	stream.indirect.gather [spmem:s13], $0x1, s3, s18, $0xb8;
	[tilespmem:$0x13A18] =	vst v63  }
0xe5: {  	_ = 	snop  }
0xe6: {  	[tilespmem:s29], [sflag:$0x1] =	stream.indirect.gather [spmem:s14], $0x1, s3, s18, $0xb8;
	[tilespmem:$0x13A18] =	vst v63  }
0xe7: {  	_ = 	snop  }
0xe8: {  	[tilespmem:s30], [sflag:$0x1] =	stream.indirect.gather [spmem:s15], $0x1, s3, s18, $0xb8;
	[tilespmem:$0x13A18] =	vst v63  }
0xe9: {  	_ = 	snop  }
0xea: {  	[tilespmem:s31], [sflag:$0x1] =	stream.indirect.gather [spmem:s16], $0x1, s3, s18, $0xb8;
	[tilespmem:$0x13A18] =	vst v63  }
0xeb: {  	_ =	swait.ge [sflag:s1], $0x1000  }
0xec: {  	[sflag:s1] =	ssyncset.done $0x0  }
0xed: {  	[sflag:s1] =	ssyncadd.s32 $0xFFFFF000  }
0xee: {  	_ =	swait.ge [sflag:s1], $0x1000  }
0xef: {  	[sflag:s1] =	ssyncset.done $0x0  }
0xf0: {  	[sflag:s1] =	ssyncadd.s32 $0xFFFFF000  }
0xf1: {  	_ =	swait.ge [sflag:s1], $0x1000  }
0xf2: {  	[sflag:s1] =	ssyncset.done $0x0  }
0xf3: {  	[sflag:s1] =	ssyncadd.s32 $0xFFFFF000  }
0xf4: {  	_ =	swait.ge [sflag:s1], $0x1000  }
0xf5: {  	[sflag:s1] =	ssyncset.done $0x0  }
0xf6: {  	[sflag:s1] =	ssyncadd.s32 $0xFFFFF000  }
0xf7: {  	_ =	swait.ge [sflag:s1], $0x1000  }
0xf8: {  	s11 =	rddreg [dreg:$0x6];
	[sflag:s1] =	ssyncset.done $0x0  }
0xf9: {  	[sflag:s1] =	ssyncadd.s32 $0xFFFFF000;
	s11 =	sadd.s32 $0x0, s11  }
0xfa: {  	[hbm4b:s11+s3] =	stream.linear.scatter [tilespmem:s19], [sflag:$0x2], $0x1000, $0x38;
	[tilespmem:$0x13A18] =	vst v63  }
0xfb: {  	s12 =	sadd.s32 $0x64000, s11  }
0xfc: {  	[hbm4b:s12+s3] =	stream.linear.scatter [tilespmem:s28], [sflag:$0x2], $0x1000, $0x38;
	[tilespmem:$0x13A18] =	vst v63  }
0xfd: {  	s21 =	sadd.s32 $0xC8000, s11  }
0xfe: {  	[hbm4b:s21+s3] =	stream.linear.scatter [tilespmem:s29], [sflag:$0x2], $0x1000, $0x38;
	[tilespmem:$0x13A18] =	vst v63  }
0xff: {  	s20 =	sadd.s32 $0x12C000, s11  }
0x100: {  	[hbm4b:s20+s3] =	stream.linear.scatter [tilespmem:s30], [sflag:$0x2], $0x1000, $0x38;
	[tilespmem:$0x13A18] =	vst v63  }
0x101: {  	s21 =	sadd.s32 $0x190000, s11  }
0x102: {  	[hbm4b:s21+s3] =	stream.linear.scatter [tilespmem:s31], [sflag:$0x2], $0x1000, $0x38;
	[tilespmem:$0x13A18] =	vst v63  }
0x103: {  	s10 =	sadd.s32 $0x200, s10  }
0x104: {  	[tilespmem:s18], [sflag:$0x3] =	stream.linear.gather [hbm4b:s10+s3], $0x1000, $0x38;
	[tilespmem:$0x13A18] =	vst v63  }
0x105: {  	_ =	swait.ge [sflag:s17], $0x1000  }
0x106: {  	[sflag:s17] =	ssyncset.done $0x0  }
0x107: {  	[sflag:s17] =	ssyncadd.s32 $0xFFFFF000  }
0x108: {  	[tilespmem:s0], [sflag:$0x1] =	stream.indirect.gather [spmem:s2], $0x1, s18, s18, $0xb8;
	[tilespmem:$0x13A18] =	vst v63  }
0x109: {  	_ = 	snop  }
0x10a: {  	[tilespmem:s4], [sflag:$0x1] =	stream.indirect.gather [spmem:s13], $0x1, s18, s18, $0xb8;
	[tilespmem:$0x13A18] =	vst v63  }
0x10b: {  	_ = 	snop  }
0x10c: {  	[tilespmem:s5], [sflag:$0x1] =	stream.indirect.gather [spmem:s14], $0x1, s18, s18, $0xb8;
	[tilespmem:$0x13A18] =	vst v63  }
0x10d: {  	_ = 	snop  }
0x10e: {  	[tilespmem:s6], [sflag:$0x1] =	stream.indirect.gather [spmem:s15], $0x1, s18, s18, $0xb8;
	[tilespmem:$0x13A18] =	vst v63  }
0x10f: {  	_ = 	snop  }
0x110: {  	[tilespmem:s7], [sflag:$0x1] =	stream.indirect.gather [spmem:s16], $0x1, s18, s18, $0xb8;
	[tilespmem:$0x13A18] =	vst v63  }
0x111: {  	_ =	swait.ge [sflag:s1], $0x1000  }
0x112: {  	[sflag:s1] =	ssyncset.done $0x0  }
0x113: {  	[sflag:s1] =	ssyncadd.s32 $0xFFFFF000  }
0x114: {  	_ =	swait.ge [sflag:s1], $0x1000  }
0x115: {  	[sflag:s1] =	ssyncset.done $0x0  }
0x116: {  	[sflag:s1] =	ssyncadd.s32 $0xFFFFF000  }
0x117: {  	_ =	swait.ge [sflag:s1], $0x1000  }
0x118: {  	[sflag:s1] =	ssyncset.done $0x0  }
0x119: {  	[sflag:s1] =	ssyncadd.s32 $0xFFFFF000  }
0x11a: {  	_ =	swait.ge [sflag:s1], $0x1000  }
0x11b: {  	[sflag:s1] =	ssyncset.done $0x0  }
0x11c: {  	[sflag:s1] =	ssyncadd.s32 $0xFFFFF000  }
0x11d: {  	_ =	swait.ge [sflag:s1], $0x1000  }
0x11e: {  	[sflag:s1] =	ssyncset.done $0x0  }
0x11f: {  	s20 =	sadd.s32 $0x200, s11;
	[sflag:s1] =	ssyncadd.s32 $0xFFFFF000  }
0x120: {  	[hbm4b:s20+s3] =	stream.linear.scatter [tilespmem:s0], [sflag:$0x2], $0x1000, $0x38;
	[tilespmem:$0x13A18] =	vst v63  }
0x121: {  	s21 =	sadd.s32 $0x64200, s11  }
0x122: {  	[hbm4b:s21+s3] =	stream.linear.scatter [tilespmem:s4], [sflag:$0x2], $0x1000, $0x38;
	[tilespmem:$0x13A18] =	vst v63  }
0x123: {  	s12 =	sadd.s32 $0xC8200, s11  }
0x124: {  	[hbm4b:s12+s3] =	stream.linear.scatter [tilespmem:s5], [sflag:$0x2], $0x1000, $0x38;
	[tilespmem:$0x13A18] =	vst v63  }
0x125: {  	s20 =	sadd.s32 $0x12C200, s11  }
0x126: {  	[hbm4b:s20+s3] =	stream.linear.scatter [tilespmem:s6], [sflag:$0x2], $0x1000, $0x38;
	[tilespmem:$0x13A18] =	vst v63  }
0x127: {  	s21 =	sadd.s32 $0x190200, s11  }
0x128: {  	[hbm4b:s21+s3] =	stream.linear.scatter [tilespmem:s7], [sflag:$0x2], $0x1000, $0x38;
	[tilespmem:$0x13A18] =	vst v63  }
0x129: {  	_ =	swait.ge [sflag:s8], $0x1000  }
0x12a: {  	[sflag:s8] =	ssyncset.done $0x0  }
0x12b: {  	[sflag:s8] =	ssyncadd.s32 $0xFFFFF000  }
0x12c: {  	_ =	swait.ge [sflag:s8], $0x1000  }
0x12d: {  	[sflag:s8] =	ssyncset.done $0x0  }
0x12e: {  	[sflag:s8] =	ssyncadd.s32 $0xFFFFF000  }
0x12f: {  	_ =	swait.ge [sflag:s8], $0x1000  }
0x130: {  	[sflag:s8] =	ssyncset.done $0x0  }
0x131: {  	[sflag:s8] =	ssyncadd.s32 $0xFFFFF000  }
0x132: {  	_ =	swait.ge [sflag:s8], $0x1000  }
0x133: {  	[sflag:s8] =	ssyncset.done $0x0  }
0x134: {  	[sflag:s8] =	ssyncadd.s32 $0xFFFFF000  }
0x135: {  	_ =	swait.ge [sflag:s8], $0x1000  }
0x136: {  	[sflag:s8] =	ssyncset.done $0x0  }
0x137: {  	[sflag:s8] =	ssyncadd.s32 $0xFFFFF000  }
0x138: {  	_ =	swait.ge [sflag:s8], $0x1000  }
0x139: {  	[sflag:s8] =	ssyncset.done $0x0  }
0x13a: {  	[sflag:s8] =	ssyncadd.s32 $0xFFFFF000  }
0x13b: {  	_ =	swait.ge [sflag:s8], $0x1000  }
0x13c: {  	[sflag:s8] =	ssyncset.done $0x0  }
0x13d: {  	[sflag:s8] =	ssyncadd.s32 $0xFFFFF000  }
0x13e: {  	_ =	swait.ge [sflag:s8], $0x1000  }
0x13f: {  	[sflag:s8] =	ssyncset.done $0x0  }
0x140: {  	[sflag:s8] =	ssyncadd.s32 $0xFFFFF000  }
0x141: {  	_ =	swait.ge [sflag:s8], $0x1000  }
0x142: {  	[sflag:s8] =	ssyncset.done $0x0  }
0x143: {  	[sflag:s8] =	ssyncadd.s32 $0xFFFFF000  }
0x144: {  	s10 =	simm.s32 $0x400;
	_ =	swait.ge [sflag:s8], $0x1000  }
0x145: {  	s11 =	simm.s32 $0x800;
	s12 =	rddreg [dreg:$0x5];
	[sflag:s8] =	ssyncset.done $0x0  }
.LBB2_5:
0x146: {  	[sflag:s8] =	ssyncadd.s32 $0xFFFFF000;
	s20 =	sadd.s32 s10, s12  }
0x147: {  	[tilespmem:s3], [sflag:$0x3] =	stream.linear.gather [hbm4b:s20+s3], $0x1000, $0x38;
	[tilespmem:$0x13A18] =	vst v63  }
0x148: {  	_ =	swait.ge [sflag:s17], $0x1000  }
0x149: {  	[sflag:s17] =	ssyncset.done $0x0  }
0x14a: {  	[sflag:s17] =	ssyncadd.s32 $0xFFFFF000  }
0x14b: {  	[tilespmem:s19], [sflag:$0x1] =	stream.indirect.gather [spmem:s2], $0x1, s3, s18, $0xb8;
	[tilespmem:$0x13A18] =	vst v63  }
0x14c: {  	_ = 	snop  }
0x14d: {  	[tilespmem:s28], [sflag:$0x1] =	stream.indirect.gather [spmem:s13], $0x1, s3, s18, $0xb8;
	[tilespmem:$0x13A18] =	vst v63  }
0x14e: {  	_ = 	snop  }
0x14f: {  	[tilespmem:s29], [sflag:$0x1] =	stream.indirect.gather [spmem:s14], $0x1, s3, s18, $0xb8;
	[tilespmem:$0x13A18] =	vst v63  }
0x150: {  	_ = 	snop  }
0x151: {  	[tilespmem:s30], [sflag:$0x1] =	stream.indirect.gather [spmem:s15], $0x1, s3, s18, $0xb8;
	[tilespmem:$0x13A18] =	vst v63  }
0x152: {  	_ = 	snop  }
0x153: {  	[tilespmem:s31], [sflag:$0x1] =	stream.indirect.gather [spmem:s16], $0x1, s3, s18, $0xb8;
	[tilespmem:$0x13A18] =	vst v63  }
0x154: {  	_ =	swait.ge [sflag:s1], $0x1000  }
0x155: {  	[sflag:s1] =	ssyncset.done $0x0  }
0x156: {  	[sflag:s1] =	ssyncadd.s32 $0xFFFFF000  }
0x157: {  	_ =	swait.ge [sflag:s1], $0x1000  }
0x158: {  	[sflag:s1] =	ssyncset.done $0x0  }
0x159: {  	[sflag:s1] =	ssyncadd.s32 $0xFFFFF000  }
0x15a: {  	_ =	swait.ge [sflag:s1], $0x1000  }
0x15b: {  	[sflag:s1] =	ssyncset.done $0x0  }
0x15c: {  	[sflag:s1] =	ssyncadd.s32 $0xFFFFF000  }
0x15d: {  	_ =	swait.ge [sflag:s1], $0x1000  }
0x15e: {  	[sflag:s1] =	ssyncset.done $0x0  }
0x15f: {  	[sflag:s1] =	ssyncadd.s32 $0xFFFFF000  }
0x160: {  	_ =	swait.ge [sflag:s1], $0x1000  }
0x161: {  	s12 =	rddreg [dreg:$0x6];
	[sflag:s1] =	ssyncset.done $0x0  }
0x162: {  	s21 =	smov.u32 s11;
	[sflag:s1] =	ssyncadd.s32 $0xFFFFF000;
	s12 =	sadd.s32 s10, s12  }
0x163: {  	[hbm4b:s12+s3] =	stream.linear.scatter [tilespmem:s19], [sflag:$0x2], $0x1000, $0x38;
	[tilespmem:$0x13A18] =	vst v63  }
0x164: {  	s10 =	smov.u32 s21;
	s21 =	sadd.s32 $0x64000, s12  }
0x165: {  	[hbm4b:s21+s3] =	stream.linear.scatter [tilespmem:s28], [sflag:$0x2], $0x1000, $0x38;
	[tilespmem:$0x13A18] =	vst v63  }
0x166: {  	s21 =	sadd.s32 $0xC8000, s12  }
0x167: {  	[hbm4b:s21+s3] =	stream.linear.scatter [tilespmem:s29], [sflag:$0x2], $0x1000, $0x38;
	[tilespmem:$0x13A18] =	vst v63  }
0x168: {  	s21 =	sadd.s32 $0x12C000, s12  }
0x169: {  	[hbm4b:s21+s3] =	stream.linear.scatter [tilespmem:s30], [sflag:$0x2], $0x1000, $0x38;
	[tilespmem:$0x13A18] =	vst v63  }
0x16a: {  	s21 =	sadd.s32 $0x190000, s12  }
0x16b: {  	[hbm4b:s21+s3] =	stream.linear.scatter [tilespmem:s31], [sflag:$0x2], $0x1000, $0x38;
	[tilespmem:$0x13A18] =	vst v63  }
0x16c: {  	s20 =	sadd.s32 $0x200, s20  }
0x16d: {  	[tilespmem:s18], [sflag:$0x3] =	stream.linear.gather [hbm4b:s20+s3], $0x1000, $0x38;
	[tilespmem:$0x13A18] =	vst v63  }
0x16e: {  	_ =	swait.ge [sflag:s17], $0x1000  }
0x16f: {  	[sflag:s17] =	ssyncset.done $0x0  }
0x170: {  	[sflag:s17] =	ssyncadd.s32 $0xFFFFF000  }
0x171: {  	[tilespmem:s0], [sflag:$0x1] =	stream.indirect.gather [spmem:s2], $0x1, s18, s18, $0xb8;
	[tilespmem:$0x13A18] =	vst v63  }
0x172: {  	_ = 	snop  }
0x173: {  	[tilespmem:s4], [sflag:$0x1] =	stream.indirect.gather [spmem:s13], $0x1, s18, s18, $0xb8;
	[tilespmem:$0x13A18] =	vst v63  }
0x174: {  	_ = 	snop  }
0x175: {  	[tilespmem:s5], [sflag:$0x1] =	stream.indirect.gather [spmem:s14], $0x1, s18, s18, $0xb8;
	[tilespmem:$0x13A18] =	vst v63  }
0x176: {  	_ = 	snop  }
0x177: {  	[tilespmem:s6], [sflag:$0x1] =	stream.indirect.gather [spmem:s15], $0x1, s18, s18, $0xb8;
	[tilespmem:$0x13A18] =	vst v63  }
0x178: {  	_ = 	snop  }
0x179: {  	[tilespmem:s7], [sflag:$0x1] =	stream.indirect.gather [spmem:s16], $0x1, s18, s18, $0xb8;
	[tilespmem:$0x13A18] =	vst v63  }
0x17a: {  	_ =	swait.ge [sflag:s1], $0x1000  }
0x17b: {  	[sflag:s1] =	ssyncset.done $0x0  }
0x17c: {  	[sflag:s1] =	ssyncadd.s32 $0xFFFFF000  }
0x17d: {  	_ =	swait.ge [sflag:s1], $0x1000  }
0x17e: {  	[sflag:s1] =	ssyncset.done $0x0  }
0x17f: {  	[sflag:s1] =	ssyncadd.s32 $0xFFFFF000  }
0x180: {  	_ =	swait.ge [sflag:s1], $0x1000  }
0x181: {  	[sflag:s1] =	ssyncset.done $0x0  }
0x182: {  	[sflag:s1] =	ssyncadd.s32 $0xFFFFF000  }
0x183: {  	_ =	swait.ge [sflag:s1], $0x1000  }
0x184: {  	[sflag:s1] =	ssyncset.done $0x0  }
0x185: {  	[sflag:s1] =	ssyncadd.s32 $0xFFFFF000  }
0x186: {  	_ =	swait.ge [sflag:s1], $0x1000  }
0x187: {  	[sflag:s1] =	ssyncset.done $0x0  }
0x188: {  	s21 =	sadd.s32 $0x200, s12;
	[sflag:s1] =	ssyncadd.s32 $0xFFFFF000  }
0x189: {  	[hbm4b:s21+s3] =	stream.linear.scatter [tilespmem:s0], [sflag:$0x2], $0x1000, $0x38;
	[tilespmem:$0x13A18] =	vst v63  }
0x18a: {  	s21 =	sadd.s32 $0x64200, s12  }
0x18b: {  	[hbm4b:s21+s3] =	stream.linear.scatter [tilespmem:s4], [sflag:$0x2], $0x1000, $0x38;
	[tilespmem:$0x13A18] =	vst v63  }
0x18c: {  	s21 =	sadd.s32 $0xC8200, s12  }
0x18d: {  	[hbm4b:s21+s3] =	stream.linear.scatter [tilespmem:s5], [sflag:$0x2], $0x1000, $0x38;
	[tilespmem:$0x13A18] =	vst v63  }
0x18e: {  	s21 =	sadd.s32 $0x12C200, s12  }
0x18f: {  	[hbm4b:s21+s3] =	stream.linear.scatter [tilespmem:s6], [sflag:$0x2], $0x1000, $0x38;
	[tilespmem:$0x13A18] =	vst v63  }
0x190: {  	s12 =	sadd.s32 $0x190200, s12  }
0x191: {  	[hbm4b:s12+s3] =	stream.linear.scatter [tilespmem:s7], [sflag:$0x2], $0x1000, $0x38;
	[tilespmem:$0x13A18] =	vst v63  }
0x192: {  	_ =	swait.ge [sflag:s8], $0x1000  }
0x193: {  	[sflag:s8] =	ssyncset.done $0x0  }
0x194: {  	[sflag:s8] =	ssyncadd.s32 $0xFFFFF000  }
0x195: {  	_ =	swait.ge [sflag:s8], $0x1000  }
0x196: {  	[sflag:s8] =	ssyncset.done $0x0  }
0x197: {  	[sflag:s8] =	ssyncadd.s32 $0xFFFFF000  }
0x198: {  	_ =	swait.ge [sflag:s8], $0x1000  }
0x199: {  	[sflag:s8] =	ssyncset.done $0x0  }
0x19a: {  	[sflag:s8] =	ssyncadd.s32 $0xFFFFF000  }
0x19b: {  	_ =	swait.ge [sflag:s8], $0x1000  }
0x19c: {  	[sflag:s8] =	ssyncset.done $0x0  }
0x19d: {  	[sflag:s8] =	ssyncadd.s32 $0xFFFFF000  }
0x19e: {  	_ =	swait.ge [sflag:s8], $0x1000  }
0x19f: {  	[sflag:s8] =	ssyncset.done $0x0  }
0x1a0: {  	[sflag:s8] =	ssyncadd.s32 $0xFFFFF000  }
0x1a1: {  	_ =	swait.ge [sflag:s8], $0x1000  }
0x1a2: {  	[sflag:s8] =	ssyncset.done $0x0  }
0x1a3: {  	[sflag:s8] =	ssyncadd.s32 $0xFFFFF000  }
0x1a4: {  	_ =	swait.ge [sflag:s8], $0x1000  }
0x1a5: {  	[sflag:s8] =	ssyncset.done $0x0  }
0x1a6: {  	[sflag:s8] =	ssyncadd.s32 $0xFFFFF000  }
0x1a7: {  	_ =	swait.ge [sflag:s8], $0x1000  }
0x1a8: {  	[sflag:s8] =	ssyncset.done $0x0  }
0x1a9: {  	p3 =	sne.s32 s11, $0x2C00;
	[sflag:s8] =	ssyncadd.s32 $0xFFFFF000  }
.Ltmp2:
0x1aa: {  	_ =	swait.ge [sflag:s8], $0x1000;
	(pc) =	sbr.rel @p3 .LBB2_5-.Ltmp2, $4  }
0x1ab: {  	[sflag:s8] =	ssyncset.done $0x0  }
0x1ac: {  	[sflag:s8] =	ssyncadd.s32 $0xFFFFF000  }
0x1ad: {  	_ =	swait.ge [sflag:s8], $0x1000  }
0x1ae: {  	s11 =	sadd.s32 $0x400, s11;
	s12 =	rddreg [dreg:$0x5];
	[sflag:s8] =	ssyncset.done $0x0  }
0x1af: {  	[sflag:s8] =	ssyncadd.s32 $0xFFFFF000;
	s11 =	sadd.s32 s10, s12  }
0x1b0: {  	[tilespmem:s3], [sflag:$0x3] =	stream.linear.gather [hbm4b:s11+s3], $0x1000, $0x38;
	[tilespmem:$0x13A18] =	vst v63  }
0x1b1: {  	_ =	swait.ge [sflag:s17], $0x1000  }
0x1b2: {  	[sflag:s17] =	ssyncset.done $0x0  }
0x1b3: {  	[sflag:s17] =	ssyncadd.s32 $0xFFFFF000  }
0x1b4: {  	[tilespmem:s19], [sflag:$0x1] =	stream.indirect.gather [spmem:s2], $0x1, s3, s18, $0xb8;
	[tilespmem:$0x13A18] =	vst v63  }
0x1b5: {  	_ = 	snop  }
0x1b6: {  	[tilespmem:s28], [sflag:$0x1] =	stream.indirect.gather [spmem:s13], $0x1, s3, s18, $0xb8;
	[tilespmem:$0x13A18] =	vst v63  }
0x1b7: {  	_ = 	snop  }
0x1b8: {  	[tilespmem:s29], [sflag:$0x1] =	stream.indirect.gather [spmem:s14], $0x1, s3, s18, $0xb8;
	[tilespmem:$0x13A18] =	vst v63  }
0x1b9: {  	_ = 	snop  }
0x1ba: {  	[tilespmem:s30], [sflag:$0x1] =	stream.indirect.gather [spmem:s15], $0x1, s3, s18, $0xb8;
	[tilespmem:$0x13A18] =	vst v63  }
0x1bb: {  	_ = 	snop  }
0x1bc: {  	[tilespmem:s31], [sflag:$0x1] =	stream.indirect.gather [spmem:s16], $0x1, s3, s18, $0xb8;
	[tilespmem:$0x13A18] =	vst v63  }
0x1bd: {  	_ =	swait.ge [sflag:s1], $0x1000  }
0x1be: {  	[sflag:s1] =	ssyncset.done $0x0  }
0x1bf: {  	[sflag:s1] =	ssyncadd.s32 $0xFFFFF000  }
0x1c0: {  	_ =	swait.ge [sflag:s1], $0x1000  }
0x1c1: {  	[sflag:s1] =	ssyncset.done $0x0  }
0x1c2: {  	[sflag:s1] =	ssyncadd.s32 $0xFFFFF000  }
0x1c3: {  	_ =	swait.ge [sflag:s1], $0x1000  }
0x1c4: {  	[sflag:s1] =	ssyncset.done $0x0  }
0x1c5: {  	[sflag:s1] =	ssyncadd.s32 $0xFFFFF000  }
0x1c6: {  	_ =	swait.ge [sflag:s1], $0x1000  }
0x1c7: {  	[sflag:s1] =	ssyncset.done $0x0  }
0x1c8: {  	[sflag:s1] =	ssyncadd.s32 $0xFFFFF000  }
0x1c9: {  	_ =	swait.ge [sflag:s1], $0x1000  }
0x1ca: {  	s20 =	rddreg [dreg:$0x6];
	[sflag:s1] =	ssyncset.done $0x0  }
0x1cb: {  	[sflag:s1] =	ssyncadd.s32 $0xFFFFF000;
	s10 =	sadd.s32 s10, s20  }
0x1cc: {  	[hbm4b:s10+s3] =	stream.linear.scatter [tilespmem:s19], [sflag:$0x2], $0x1000, $0x38;
	[tilespmem:$0x13A18] =	vst v63  }
0x1cd: {  	s12 =	sadd.s32 $0x64000, s10  }
0x1ce: {  	[hbm4b:s12+s3] =	stream.linear.scatter [tilespmem:s28], [sflag:$0x2], $0x1000, $0x38;
	[tilespmem:$0x13A18] =	vst v63  }
0x1cf: {  	s21 =	sadd.s32 $0xC8000, s10  }
0x1d0: {  	[hbm4b:s21+s3] =	stream.linear.scatter [tilespmem:s29], [sflag:$0x2], $0x1000, $0x38;
	[tilespmem:$0x13A18] =	vst v63  }
0x1d1: {  	s20 =	sadd.s32 $0x12C000, s10  }
0x1d2: {  	[hbm4b:s20+s3] =	stream.linear.scatter [tilespmem:s30], [sflag:$0x2], $0x1000, $0x38;
	[tilespmem:$0x13A18] =	vst v63  }
0x1d3: {  	s21 =	sadd.s32 $0x190000, s10  }
0x1d4: {  	[hbm4b:s21+s3] =	stream.linear.scatter [tilespmem:s31], [sflag:$0x2], $0x1000, $0x38;
	[tilespmem:$0x13A18] =	vst v63  }
0x1d5: {  	s11 =	sadd.s32 $0x200, s11  }
0x1d6: {  	[tilespmem:s18], [sflag:$0x3] =	stream.linear.gather [hbm4b:s11+s3], $0x1000, $0x38;
	[tilespmem:$0x13A18] =	vst v63  }
0x1d7: {  	_ =	swait.ge [sflag:s17], $0x1000  }
0x1d8: {  	[sflag:s17] =	ssyncset.done $0x0  }
0x1d9: {  	[sflag:s17] =	ssyncadd.s32 $0xFFFFF000  }
0x1da: {  	[tilespmem:s0], [sflag:$0x1] =	stream.indirect.gather [spmem:s2], $0x1, s18, s18, $0xb8;
	[tilespmem:$0x13A18] =	vst v63  }
0x1db: {  	_ = 	snop  }
0x1dc: {  	[tilespmem:s4], [sflag:$0x1] =	stream.indirect.gather [spmem:s13], $0x1, s18, s18, $0xb8;
	[tilespmem:$0x13A18] =	vst v63  }
0x1dd: {  	_ = 	snop  }
0x1de: {  	[tilespmem:s5], [sflag:$0x1] =	stream.indirect.gather [spmem:s14], $0x1, s18, s18, $0xb8;
	[tilespmem:$0x13A18] =	vst v63  }
0x1df: {  	_ = 	snop  }
0x1e0: {  	[tilespmem:s6], [sflag:$0x1] =	stream.indirect.gather [spmem:s15], $0x1, s18, s18, $0xb8;
	[tilespmem:$0x13A18] =	vst v63  }
0x1e1: {  	_ = 	snop  }
0x1e2: {  	[tilespmem:s7], [sflag:$0x1] =	stream.indirect.gather [spmem:s16], $0x1, s18, s18, $0xb8;
	[tilespmem:$0x13A18] =	vst v63  }
0x1e3: {  	_ =	swait.ge [sflag:s1], $0x1000  }
0x1e4: {  	[sflag:s1] =	ssyncset.done $0x0  }
0x1e5: {  	[sflag:s1] =	ssyncadd.s32 $0xFFFFF000  }
0x1e6: {  	_ =	swait.ge [sflag:s1], $0x1000  }
0x1e7: {  	[sflag:s1] =	ssyncset.done $0x0  }
0x1e8: {  	[sflag:s1] =	ssyncadd.s32 $0xFFFFF000  }
0x1e9: {  	_ =	swait.ge [sflag:s1], $0x1000  }
0x1ea: {  	[sflag:s1] =	ssyncset.done $0x0  }
0x1eb: {  	[sflag:s1] =	ssyncadd.s32 $0xFFFFF000  }
0x1ec: {  	_ =	swait.ge [sflag:s1], $0x1000  }
0x1ed: {  	[sflag:s1] =	ssyncset.done $0x0  }
0x1ee: {  	[sflag:s1] =	ssyncadd.s32 $0xFFFFF000  }
0x1ef: {  	_ =	swait.ge [sflag:s1], $0x1000  }
0x1f0: {  	[sflag:s1] =	ssyncset.done $0x0  }
0x1f1: {  	s12 =	sadd.s32 $0x200, s10;
	[sflag:s1] =	ssyncadd.s32 $0xFFFFF000  }
0x1f2: {  	[hbm4b:s12+s3] =	stream.linear.scatter [tilespmem:s0], [sflag:$0x2], $0x1000, $0x38;
	[tilespmem:$0x13A18] =	vst v63  }
0x1f3: {  	s20 =	sadd.s32 $0x64200, s10  }
0x1f4: {  	[hbm4b:s20+s3] =	stream.linear.scatter [tilespmem:s4], [sflag:$0x2], $0x1000, $0x38;
	[tilespmem:$0x13A18] =	vst v63  }
0x1f5: {  	s21 =	sadd.s32 $0xC8200, s10  }
0x1f6: {  	[hbm4b:s21+s3] =	stream.linear.scatter [tilespmem:s5], [sflag:$0x2], $0x1000, $0x38;
	[tilespmem:$0x13A18] =	vst v63  }
0x1f7: {  	s12 =	sadd.s32 $0x12C200, s10  }
0x1f8: {  	[hbm4b:s12+s3] =	stream.linear.scatter [tilespmem:s6], [sflag:$0x2], $0x1000, $0x38;
	[tilespmem:$0x13A18] =	vst v63  }
0x1f9: {  	s10 =	sadd.s32 $0x190200, s10  }
0x1fa: {  	[hbm4b:s10+s3] =	stream.linear.scatter [tilespmem:s7], [sflag:$0x2], $0x1000, $0x38;
	[tilespmem:$0x13A18] =	vst v63  }
0x1fb: {  	_ =	swait.ge [sflag:s8], $0x1000  }
0x1fc: {  	[sflag:s8] =	ssyncset.done $0x0  }
0x1fd: {  	[sflag:s8] =	ssyncadd.s32 $0xFFFFF000  }
0x1fe: {  	_ =	swait.ge [sflag:s8], $0x1000  }
0x1ff: {  	[sflag:s8] =	ssyncset.done $0x0  }
0x200: {  	[sflag:s8] =	ssyncadd.s32 $0xFFFFF000  }
0x201: {  	_ =	swait.ge [sflag:s8], $0x1000  }
0x202: {  	[sflag:s8] =	ssyncset.done $0x0  }
0x203: {  	[sflag:s8] =	ssyncadd.s32 $0xFFFFF000  }
0x204: {  	_ =	swait.ge [sflag:s8], $0x1000  }
0x205: {  	[sflag:s8] =	ssyncset.done $0x0  }
0x206: {  	[sflag:s8] =	ssyncadd.s32 $0xFFFFF000  }
0x207: {  	_ =	swait.ge [sflag:s8], $0x1000  }
0x208: {  	[sflag:s8] =	ssyncset.done $0x0  }
0x209: {  	[sflag:s8] =	ssyncadd.s32 $0xFFFFF000  }
0x20a: {  	_ =	swait.ge [sflag:s8], $0x1000  }
0x20b: {  	[sflag:s8] =	ssyncset.done $0x0  }
0x20c: {  	[sflag:s8] =	ssyncadd.s32 $0xFFFFF000  }
0x20d: {  	_ =	swait.ge [sflag:s8], $0x1000  }
0x20e: {  	[sflag:s8] =	ssyncset.done $0x0  }
0x20f: {  	[sflag:s8] =	ssyncadd.s32 $0xFFFFF000  }
0x210: {  	_ =	swait.ge [sflag:s8], $0x1000  }
0x211: {  	[sflag:s8] =	ssyncset.done $0x0  }
0x212: {  	[sflag:s8] =	ssyncadd.s32 $0xFFFFF000  }
0x213: {  	_ =	swait.ge [sflag:s8], $0x1000  }
0x214: {  	[sflag:s8] =	ssyncset.done $0x0  }
0x215: {  	[sflag:s8] =	ssyncadd.s32 $0xFFFFF000  }
0x216: {  	_ =	swait.ge [sflag:s8], $0x1000  }
0x217: {  	[sflag:s8] =	ssyncset.done $0x0  }
0x218: {  	s20 =	rddreg [dreg:$0x17];
	[sflag:s8] =	ssyncadd.s32 $0xFFFFF000  }
0x219: {  	[tilespmem:s3], [sflag:$0x3] =	stream.linear.gather [hbm4b:s20+s3], $0x1000, $0x38;
	[tilespmem:$0x13A18] =	vst v63  }
0x21a: {  	_ =	swait.ge [sflag:s17], $0x1000  }
0x21b: {  	[sflag:s17] =	ssyncset.done $0x0  }
0x21c: {  	[sflag:s17] =	ssyncadd.s32 $0xFFFFF000  }
0x21d: {  	[tilespmem:s19], [sflag:$0x1] =	stream.indirect.gather [spmem:s2], $0x1, s3, s18, $0xb8;
	[tilespmem:$0x13A18] =	vst v63  }
0x21e: {  	_ = 	snop  }
0x21f: {  	[tilespmem:s28], [sflag:$0x1] =	stream.indirect.gather [spmem:s13], $0x1, s3, s18, $0xb8;
	[tilespmem:$0x13A18] =	vst v63  }
0x220: {  	_ = 	snop  }
0x221: {  	[tilespmem:s29], [sflag:$0x1] =	stream.indirect.gather [spmem:s14], $0x1, s3, s18, $0xb8;
	[tilespmem:$0x13A18] =	vst v63  }
0x222: {  	_ = 	snop  }
0x223: {  	[tilespmem:s30], [sflag:$0x1] =	stream.indirect.gather [spmem:s15], $0x1, s3, s18, $0xb8;
	[tilespmem:$0x13A18] =	vst v63  }
0x224: {  	_ = 	snop  }
0x225: {  	[tilespmem:s31], [sflag:$0x1] =	stream.indirect.gather [spmem:s16], $0x1, s3, s18, $0xb8;
	[tilespmem:$0x13A18] =	vst v63  }
0x226: {  	_ =	swait.ge [sflag:s1], $0x1000  }
0x227: {  	[sflag:s1] =	ssyncset.done $0x0  }
0x228: {  	[sflag:s1] =	ssyncadd.s32 $0xFFFFF000  }
0x229: {  	_ =	swait.ge [sflag:s1], $0x1000  }
0x22a: {  	[sflag:s1] =	ssyncset.done $0x0  }
0x22b: {  	[sflag:s1] =	ssyncadd.s32 $0xFFFFF000  }
0x22c: {  	_ =	swait.ge [sflag:s1], $0x1000  }
0x22d: {  	[sflag:s1] =	ssyncset.done $0x0  }
0x22e: {  	[sflag:s1] =	ssyncadd.s32 $0xFFFFF000  }
0x22f: {  	_ =	swait.ge [sflag:s1], $0x1000  }
0x230: {  	[sflag:s1] =	ssyncset.done $0x0  }
0x231: {  	[sflag:s1] =	ssyncadd.s32 $0xFFFFF000  }
0x232: {  	_ =	swait.ge [sflag:s1], $0x1000  }
0x233: {  	[sflag:s1] =	ssyncset.done $0x0  }
0x234: {  	s21 =	rddreg [dreg:$0x18];
	[sflag:s1] =	ssyncadd.s32 $0xFFFFF000  }
0x235: {  	[hbm4b:s21+s3] =	stream.linear.scatter [tilespmem:s19], [sflag:$0x2], $0x1000, $0x38;
	[tilespmem:$0x13A18] =	vst v63  }
0x236: {  	_ = 	snop  }
0x237: {  	[hbm4b:s22+s3] =	stream.linear.scatter [tilespmem:s28], [sflag:$0x2], $0x1000, $0x38;
	[tilespmem:$0x13A18] =	vst v63  }
0x238: {  	_ = 	snop  }
0x239: {  	[hbm4b:s23+s3] =	stream.linear.scatter [tilespmem:s29], [sflag:$0x2], $0x1000, $0x38;
	[tilespmem:$0x13A18] =	vst v63  }
0x23a: {  	_ = 	snop  }
0x23b: {  	[hbm4b:s24+s3] =	stream.linear.scatter [tilespmem:s30], [sflag:$0x2], $0x1000, $0x38;
	[tilespmem:$0x13A18] =	vst v63  }
0x23c: {  	_ = 	snop  }
0x23d: {  	[hbm4b:s25+s3] =	stream.linear.scatter [tilespmem:s31], [sflag:$0x2], $0x1000, $0x38;
	[tilespmem:$0x13A18] =	vst v63  }
0x23e: {  	_ =	swait.ge [sflag:s8], $0x1000  }
0x23f: {  	[sflag:s8] =	ssyncset.done $0x0  }
0x240: {  	[sflag:s8] =	ssyncadd.s32 $0xFFFFF000  }
0x241: {  	_ =	swait.ge [sflag:s8], $0x1000  }
0x242: {  	[sflag:s8] =	ssyncset.done $0x0  }
0x243: {  	[sflag:s8] =	ssyncadd.s32 $0xFFFFF000  }
0x244: {  	_ =	swait.ge [sflag:s8], $0x1000  }
0x245: {  	[sflag:s8] =	ssyncset.done $0x0  }
0x246: {  	s9 =	sadd.s32 $0x1, s9;
	[sflag:s8] =	ssyncadd.s32 $0xFFFFF000  }
0x247: {  	p3 =	sne.s32 s9, s26;
	_ =	swait.ge [sflag:s8], $0x1000  }
.Ltmp3:
0x248: {  	[sflag:s8] =	ssyncset.done $0x0;
	(pc) =	sbr.rel @p3 .LBB2_1-.Ltmp3, $4  }
0x249: {  	[sflag:s8] =	ssyncadd.s32 $0xFFFFF000  }
0x24a: {  	_ =	swait.ge [sflag:s8], $0x1000  }
0x24b: {  	[sflag:s8] =	ssyncset.done $0x0  }
0x24c: {  	[sflag:s8] =	ssyncadd.s32 $0xFFFFF000  }
0x24d: {  	_ =	sfence.sel $0x180000  }
0x24e: {  	[bflag:$0x0] =	sbarrier.arrive $0xFFFF  }
0x24f: {  	_ =	strace $0x90000047  }
0x250: {  	s0 =	stileid.u32;
	[bflag:$0x2] =	sbarrier.arrive $0xFFFF  }
0x251: {  	p0 =	sne.s32 s0, $0x0;
	s0 =	rddreg [dreg:$0x4]  }
0x252: {  	s0 =	sadd.s32 @!p0 $0x100000, s0  }
0x253: {  	[sflag:s0] =	ssyncadd.tile.s32 @!p0 $0x1;
	_ =	shalt  }
.Lfunc_end2:
_tile_overlayer_lowered:
.L_overlay_start_2:
0x254: {  	(tag) =	ssettag $0x2  }
0x255: {  	s0 =	rddreg [dreg:$0x0];
	s2 =	stileid.u32  }
0x256: {  	s1 =	rddreg [dreg:$0x1];
	p0 =	sne.s32 s2, $0x0  }
0x257: {  	s3 =	rddreg [dreg:$0x2];
	[bflag:$0x3] =	sbarrier.arrive $0xFFFF;
	s2 =	simm.s32 @!p0 $0x1C03  }
0x258: {  	[timem:s3], [sflag:s2] =	dma.local @!p0 [hbm:s0], s1  }
0x259: {  	s0 =	simm.s32 @!p0 $0x3  }
0x25a: {  	_ =	swait.ge @!p0 [sflag:s0], s1  }
0x25b: {  	s1 =	ssub.s32 @!p0 $0x0, s1;
	[sflag:s0] =	ssyncset.done @!p0 $0x0  }
0x25c: {  	[sflag:s0] =	ssyncadd.s32 @!p0 s1  }
0x25d: {  	[bflag:$0x3] =	sbarrier.arrive $0xFFFF  }
0x25e: {  	_ =	shalt  }

</sc_bundles>
